<compile_context>
chip_gen: v7x
topology: tpu7x:2x2x1
jax: 0.10.2.dev20260603
libtpu: 0.0.44.dev20260713+nightly
codegen_flags: <defaults>
</compile_context>

<pallas_src>
import functools

import jax
import jax.numpy as jnp
from jax import lax
from jax.experimental import pallas as pl
from jax.experimental.pallas import tpu as pltpu
from jax.experimental.pallas import tpu_sc as plsc

N = 10000
E = 160000
EV = 80000
DIN = 128
H = 256
C = 10
G = 64
EPS = 1e-5

NS = 16
NC = 2
CHUNK = 128
N_PAD = 10240
ROWS_PT = N_PAD // NS
LAST_ROWS = N - (NS - 1) * ROWS_PT

TR = 400
GRID = N // TR


STG = 40
_CH_E = 80
_CH_V = 40
_CH2_E = 40
_CH2_V = 20
_ZDMA_FULL = ROWS_PT // CHUNK


def _zero_acc(rows0, acc, sid, dtype):
    zv = jnp.zeros((16,), dtype)

    @pl.loop(0, CHUNK)
    def _(r):
        for cc in range(DIN // 16):
            rows0[r, pl.ds(cc * 16, 16)] = zv

    base = sid * ROWS_PT
    for k in range(_ZDMA_FULL):
        pltpu.sync_copy(rows0, acc.at[pl.ds(base + k * CHUNK, CHUNK)])


def _run_stage(x_hbm, src_hbm, dst_hbm, src_c, dst_c, acc,
               rows0, rows1, sem, nch):
    pltpu.sync_copy(src_hbm, src_c)
    pltpu.sync_copy(dst_hbm, dst_c)

    def start_gather(j, buf):
        pltpu.async_copy(x_hbm.at[src_c.at[j]], buf, sem)

    def finish_gather(j, buf):
        pltpu.make_async_copy(x_hbm.at[src_c.at[j]], buf, sem).wait()

    start_gather(0, rows0)

    @pl.loop(0, nch // 2)
    def _(jj):
        j0 = jj * 2
        j1 = j0 + 1
        start_gather(j1, rows1)
        finish_gather(j0, rows0)
        pltpu.sync_copy(rows0, acc.at[dst_c.at[j0]], add=True)

        @pl.when(jj < nch // 2 - 1)
        def _():
            start_gather(j0 + 2, rows0)

        finish_gather(j1, rows1)
        pltpu.sync_copy(rows1, acc.at[dst_c.at[j1]], add=True)


def _write_back(acc, out_slice_fn, sid):
    @pl.when(sid < NS - 1)
    def _():
        pltpu.sync_copy(acc.at[pl.ds(sid * ROWS_PT, ROWS_PT)],
                        out_slice_fn(sid * ROWS_PT, ROWS_PT))

    @pl.when(sid == NS - 1)
    def _():
        pltpu.sync_copy(acc.at[pl.ds((NS - 1) * ROWS_PT, LAST_ROWS)],
                        out_slice_fn((NS - 1) * ROWS_PT, LAST_ROWS))


@functools.lru_cache(maxsize=None)
def _make_seg_sum_l1():
    mesh = plsc.VectorSubcoreMesh(core_axis_name="c", subcore_axis_name="s",
                                  num_cores=NC, num_subcores=NS)

    def body(x, src_e, dst_e, src_v3, dst_v3, out,
             acc, src_c, dst_c, rows0, rows1, sem):
        cid = lax.axis_index("c")
        sid = lax.axis_index("s")

        _zero_acc(rows0, acc, sid, jnp.float32)
        plsc.subcore_barrier()

        @pl.when(cid == 0)
        def _():
            for st in range(_CH_E // STG):
                _run_stage(x, src_e.at[sid, pl.ds(st * STG, STG)],
                           dst_e.at[sid, pl.ds(st * STG, STG)],
                           src_c, dst_c, acc, rows0, rows1, sem, STG)

        @pl.when(cid == 1)
        def _():
            _run_stage(x, src_v3.at[sid], dst_v3.at[sid],
                       src_c, dst_c, acc, rows0, rows1, sem, STG)

        plsc.subcore_barrier()
        _write_back(acc, lambda r0, nr: out.at[cid, pl.ds(r0, nr)], sid)

    return pl.kernel(
        body,
        out_type=jax.ShapeDtypeStruct((NC, N, DIN), jnp.float32),
        mesh=mesh,
        scratch_types=[
            pltpu.VMEM_SHARED((N_PAD, DIN), jnp.float32),
            pltpu.VMEM((STG, CHUNK), jnp.int32),
            pltpu.VMEM((STG, CHUNK), jnp.int32),
            pltpu.VMEM((CHUNK, DIN), jnp.float32),
            pltpu.VMEM((CHUNK, DIN), jnp.float32),
            pltpu.SemaphoreType.DMA,
        ],
    )


@functools.lru_cache(maxsize=None)
def _make_seg_sum_l2(n_ch2):
    mesh = plsc.VectorSubcoreMesh(core_axis_name="c", subcore_axis_name="s",
                                  num_cores=NC, num_subcores=NS)

    def body(hq, src4, dst4, out, acc, src_c, dst_c, rows0, rows1, sem):
        cid = lax.axis_index("c")
        sid = lax.axis_index("s")

        _zero_acc(rows0, acc, sid, jnp.int32)
        plsc.subcore_barrier()

        _run_stage(hq, src4.at[cid, sid], dst4.at[cid, sid],
                   src_c, dst_c, acc, rows0, rows1, sem, n_ch2)

        plsc.subcore_barrier()
        _write_back(acc, lambda r0, nr: out.at[cid, pl.ds(r0, nr)], sid)

    return pl.kernel(
        body,
        out_type=jax.ShapeDtypeStruct((NC, N, DIN), jnp.int32),
        mesh=mesh,
        scratch_types=[
            pltpu.VMEM_SHARED((N_PAD, DIN), jnp.int32),
            pltpu.VMEM((n_ch2, CHUNK), jnp.int32),
            pltpu.VMEM((n_ch2, CHUNK), jnp.int32),
            pltpu.VMEM((CHUNK, DIN), jnp.int32),
            pltpu.VMEM((CHUNK, DIN), jnp.int32),
            pltpu.SemaphoreType.DMA,
        ],
    )


def _prep_edges(edge_index, n_chunks, n_ch2):
    e = edge_index.shape[1]
    e_pad = NS * n_chunks * CHUNK
    pad = e_pad - e
    src_p = jnp.concatenate([edge_index[0], jnp.zeros((pad,), jnp.int32)])
    dst_p = jnp.concatenate([edge_index[1], jnp.full((pad,), N, jnp.int32)])
    src3 = src_p.reshape(NS, n_chunks, CHUNK)
    dst3 = dst_p.reshape(NS, n_chunks, CHUNK)
    src4 = (src_p.reshape(NC, NS, n_ch2, CHUNK)
            + (jnp.arange(NC, dtype=jnp.int32) * N).reshape(NC, 1, 1, 1))
    dst4 = dst_p.reshape(NC, NS, n_ch2, CHUNK)
    return src3, dst3, src4, dst4


def _accum_stats(z, i, z_ref, stats_ref, acc_ref):
    z_ref[...] = z
    s = jnp.sum(z, axis=0, keepdims=True)
    sq = jnp.sum(z * z, axis=0, keepdims=True)

    @pl.when(i == 0)
    def _():
        acc_ref[...] = jnp.zeros_like(acc_ref)

    acc_ref[0:1, :] = acc_ref[0:1, :] + s
    acc_ref[1:2, :] = acc_ref[1:2, :] + sq

    @pl.when(i == GRID - 1)
    def _():
        stats_ref[...] = acc_ref[...]


def _mm_stats_l1_body(p0_ref, p1_ref, x_ref, w0_ref, w1_ref, wr_ref, bias_ref,
                      z_ref, stats_ref, acc_ref):
    z = (jnp.dot(p0_ref[0], w0_ref[...], preferred_element_type=jnp.float32)
         + jnp.dot(p1_ref[0], w1_ref[...], preferred_element_type=jnp.float32)
         + jnp.dot(x_ref[...], wr_ref[...], preferred_element_type=jnp.float32)
         + bias_ref[...])
    _accum_stats(z, pl.program_id(0), z_ref, stats_ref, acc_ref)


_STATS_OUT = [
    jax.ShapeDtypeStruct((N, H), jnp.float32),
    jax.ShapeDtypeStruct((8, H), jnp.float32),
]
_STATS_OUT_SPECS = [
    pl.BlockSpec((TR, H), lambda i: (i, 0)),
    pl.BlockSpec((8, H), lambda i: (0, 0)),
]
_FULL = lambda i: (0, 0)

_mm_stats_l1 = pl.pallas_call(
    _mm_stats_l1_body,
    grid=(GRID,),
    in_specs=[
        pl.BlockSpec((1, TR, DIN), lambda i: (0, i, 0)),
        pl.BlockSpec((1, TR, DIN), lambda i: (1, i, 0)),
        pl.BlockSpec((TR, DIN), lambda i: (i, 0)),
        pl.BlockSpec((DIN, H), _FULL),
        pl.BlockSpec((DIN, H), _FULL),
        pl.BlockSpec((DIN, H), _FULL),
        pl.BlockSpec((1, H), _FULL),
    ],
    out_specs=_STATS_OUT_SPECS,
    out_shape=_STATS_OUT,
    scratch_shapes=[pltpu.VMEM((8, H), jnp.float32)],
)


def _decode_u16_pair(q):
    lo = jnp.bitwise_and(q, 0xFFFF).astype(jnp.float32)
    hi = lax.shift_right_logical(q, 16).astype(jnp.float32)
    return lo, hi


def _mm_stats_l2_body(e0_ref, e1_ref, v0_ref, v1_ref, h_ref,
                      we0_ref, we1_ref, wv0_ref, wv1_ref, wr_ref, bias_ref,
                      z_ref, stats_ref, acc_ref):
    e_lo, e_hi = _decode_u16_pair(e0_ref[0] + e1_ref[0])
    v_lo, v_hi = _decode_u16_pair(v0_ref[0] + v1_ref[0])
    z = (jnp.dot(e_lo, we0_ref[...], preferred_element_type=jnp.float32)
         + jnp.dot(e_hi, we1_ref[...], preferred_element_type=jnp.float32)
         + jnp.dot(v_lo, wv0_ref[...], preferred_element_type=jnp.float32)
         + jnp.dot(v_hi, wv1_ref[...], preferred_element_type=jnp.float32)
         + jnp.dot(h_ref[...], wr_ref[...], preferred_element_type=jnp.float32)
         + bias_ref[...])
    _accum_stats(z, pl.program_id(0), z_ref, stats_ref, acc_ref)


_HH = H // 2
_mm_stats_l2 = pl.pallas_call(
    _mm_stats_l2_body,
    grid=(GRID,),
    in_specs=[
        pl.BlockSpec((1, TR, _HH), lambda i: (0, i, 0)),
        pl.BlockSpec((1, TR, _HH), lambda i: (1, i, 0)),
        pl.BlockSpec((1, TR, _HH), lambda i: (0, i, 0)),
        pl.BlockSpec((1, TR, _HH), lambda i: (1, i, 0)),
        pl.BlockSpec((TR, H), lambda i: (i, 0)),
        pl.BlockSpec((_HH, H), _FULL),
        pl.BlockSpec((_HH, H), _FULL),
        pl.BlockSpec((_HH, H), _FULL),
        pl.BlockSpec((_HH, H), _FULL),
        pl.BlockSpec((H, H), _FULL),
        pl.BlockSpec((1, H), _FULL),
    ],
    out_specs=_STATS_OUT_SPECS,
    out_shape=_STATS_OUT,
    scratch_shapes=[pltpu.VMEM((8, H), jnp.float32)],
)


QSCALE = 256.0


def _bn_relu_body(z_ref, stats_ref, g_ref, b_ref, h_ref, hq_ref):
    mean = stats_ref[0:1, :] * (1.0 / N)
    var = stats_ref[1:2, :] * (1.0 / N) - mean * mean
    inv = g_ref[...] * lax.rsqrt(var + EPS)
    h = jnp.maximum(z_ref[...] * inv + (b_ref[...] - mean * inv), 0.0)
    h_ref[...] = h
    q = (h * QSCALE + 0.5).astype(jnp.int32)
    hq_ref[...] = q[:, :H // 2] + lax.shift_left(q[:, H // 2:], 16)


_bn_relu = pl.pallas_call(
    _bn_relu_body,
    grid=(GRID,),
    in_specs=[
        pl.BlockSpec((TR, H), lambda i: (i, 0)),
        pl.BlockSpec((8, H), lambda i: (0, 0)),
        pl.BlockSpec((1, H), lambda i: (0, 0)),
        pl.BlockSpec((1, H), lambda i: (0, 0)),
    ],
    out_specs=[
        pl.BlockSpec((TR, H), lambda i: (i, 0)),
        pl.BlockSpec((TR, H // 2), lambda i: (i, 0)),
    ],
    out_shape=[
        jax.ShapeDtypeStruct((N, H), jnp.float32),
        jax.ShapeDtypeStruct((N, H // 2), jnp.int32),
    ],
)


def _bn_pool_body(z_ref, stats_ref, g_ref, b_ref, batch_ref, wc_ref, bc_ref,
                  h_ref, logits_ref, pool_ref):
    i = pl.program_id(0)
    mean = stats_ref[0:1, :] * (1.0 / N)
    var = stats_ref[1:2, :] * (1.0 / N) - mean * mean
    inv = g_ref[...] * lax.rsqrt(var + EPS)
    h = jnp.maximum(z_ref[...] * inv + (b_ref[...] - mean * inv), 0.0)
    h_ref[...] = h

    seg = batch_ref[0]
    gids = lax.broadcasted_iota(jnp.int32, (G, TR), 0)
    oh = jnp.where(gids == seg, 1.0, 0.0).astype(jnp.float32)
    part = jnp.dot(oh, h, preferred_element_type=jnp.float32)

    @pl.when(i == 0)
    def _():
        pool_ref[...] = jnp.zeros_like(pool_ref)

    pool_ref[...] = pool_ref[...] + part

    @pl.when(i == GRID - 1)
    def _():
        logits_ref[...] = (
            jnp.dot(pool_ref[...], wc_ref[...],
                    preferred_element_type=jnp.float32) + bc_ref[...])


_bn_pool = pl.pallas_call(
    _bn_pool_body,
    grid=(GRID,),
    in_specs=[
        pl.BlockSpec((TR, H), lambda i: (i, 0)),
        pl.BlockSpec((8, H), lambda i: (0, 0)),
        pl.BlockSpec((1, H), lambda i: (0, 0)),
        pl.BlockSpec((1, H), lambda i: (0, 0)),
        pl.BlockSpec((1, 1, TR), lambda i: (i, 0, 0)),
        pl.BlockSpec((H, C), lambda i: (0, 0)),
        pl.BlockSpec((1, C), lambda i: (0, 0)),
    ],
    out_specs=[
        pl.BlockSpec((TR, H), lambda i: (i, 0)),
        pl.BlockSpec((G, C), lambda i: (0, 0)),
    ],
    out_shape=[
        jax.ShapeDtypeStruct((N, H), jnp.float32),
        jax.ShapeDtypeStruct((G, C), jnp.float32),
    ],
    scratch_shapes=[pltpu.VMEM((G, H), jnp.float32)],
)


@jax.jit
def kernel(x, edge_index, v_edge_index, batch,
           Wrel_d1, brel_d1, Wroot_d1,
           Wrel_u1, brel_u1, Wroot_u1,
           Wrel_d2, brel_d2, Wroot_d2,
           Wrel_u2, brel_u2, Wroot_u2,
           bn1_g, bn1_b, bn2_g, bn2_b,
           alpha1, alpha2, Wc, bc):
    src3_e, dst3_e, src4_e, dst4_e = _prep_edges(edge_index, _CH_E, _CH2_E)
    src3_v, dst3_v, src4_v, dst4_v = _prep_edges(v_edge_index, _CH_V, _CH2_V)

    x_rep = jnp.concatenate([x, x])
    aggs1 = _make_seg_sum_l1()(x_rep, src3_e, dst3_e, src3_v + N, dst3_v)

    w_root1 = Wroot_d1 + alpha1 * Wroot_u1
    bias1 = (brel_d1 + alpha1 * brel_u1).reshape(1, H)
    z1, stats1 = _mm_stats_l1(aggs1, aggs1, x, Wrel_d1, alpha1 * Wrel_u1,
                              w_root1, bias1)
    h1, hq = _bn_relu(z1, stats1, bn1_g.reshape(1, H), bn1_b.reshape(1, H))

    hq_rep = jnp.concatenate([hq, hq])
    parts_e2 = _make_seg_sum_l2(_CH2_E)(hq_rep, src4_e, dst4_e)
    parts_v2 = _make_seg_sum_l2(_CH2_V)(hq_rep, src4_v, dst4_v)

    w_root2 = Wroot_d2 + alpha2 * Wroot_u2
    w_v2 = alpha2 * Wrel_u2
    bias2 = (brel_d2 + alpha2 * brel_u2).reshape(1, H)
    qs = 1.0 / QSCALE
    z2, stats2 = _mm_stats_l2(parts_e2, parts_e2, parts_v2, parts_v2, h1,
                              Wrel_d2[:_HH] * qs, Wrel_d2[_HH:] * qs,
                              w_v2[:_HH] * qs, w_v2[_HH:] * qs,
                              w_root2, bias2)
    batch3 = batch.reshape(GRID, 1, TR)
    h_nodes, logits = _bn_pool(z2, stats2, bn2_g.reshape(1, H),
                               bn2_b.reshape(1, H), batch3, Wc,
                               bc.reshape(1, C))
    return (logits, h_nodes)

# --- scband reference (transcript-rebuilt; emitter-appended) ---
"""Pipeline reference for scband-stabilized-hcn-58153857188498 (READ-ONLY COPY).

The authoritative reference and input builder live on the scoring server;
editing this copy changes nothing except your own understanding.
"""

import jax, jax.numpy as jnp
import numpy as np

N = 10000
E = 160000
EV = 80000
DIN = 128
H = 256
C = 10
G = 64
EPS = 1e-5


def _graph_conv(x, edge_index, W_rel, b_rel, W_root):
    # PyG GraphConv: out = lin_rel(sum_{j->i} x_j) + lin_root(x_i)
    src = edge_index[0]
    dst = edge_index[1]
    msgs = x[src]
    agg = jax.ops.segment_sum(msgs, dst, num_segments=x.shape[0])
    return agg @ W_rel + b_rel + x @ W_root


def _batch_norm(h, gamma, beta):
    mean = jnp.mean(h, axis=0)
    var = jnp.var(h, axis=0)
    return gamma * (h - mean) / jnp.sqrt(var + EPS) + beta


def setup_inputs(seed: int = 0) -> dict:
    key = jax.random.key(seed)
    ks = jax.random.split(key, 24)
    x = jax.random.normal(ks[0], (N, DIN), dtype=jnp.float32)
    edge_index = jax.random.randint(ks[1], (2, E), 0, N, dtype=jnp.int32)
    v_edge_index = jax.random.randint(ks[2], (2, EV), 0, N, dtype=jnp.int32)
    batch = jnp.sort(jax.random.randint(ks[3], (N,), 0, G, dtype=jnp.int32))
    s_in = 1.0 / np.sqrt(DIN)
    s_h = 1.0 / np.sqrt(H)
    return {
        "x": x,
        "edge_index": edge_index,
        "v_edge_index": v_edge_index,
        "batch": batch,
        "Wrel_d1": jax.random.normal(ks[4], (DIN, H), dtype=jnp.float32) * s_in,
        "brel_d1": jnp.zeros((H,), dtype=jnp.float32),
        "Wroot_d1": jax.random.normal(ks[5], (DIN, H), dtype=jnp.float32) * s_in,
        "Wrel_u1": jax.random.normal(ks[6], (DIN, H), dtype=jnp.float32) * s_in,
        "brel_u1": jnp.zeros((H,), dtype=jnp.float32),
        "Wroot_u1": jax.random.normal(ks[7], (DIN, H), dtype=jnp.float32) * s_in,
        "Wrel_d2": jax.random.normal(ks[8], (H, H), dtype=jnp.float32) * s_h,
        "brel_d2": jnp.zeros((H,), dtype=jnp.float32),
        "Wroot_d2": jax.random.normal(ks[9], (H, H), dtype=jnp.float32) * s_h,
        "Wrel_u2": jax.random.normal(ks[10], (H, H), dtype=jnp.float32) * s_h,
        "brel_u2": jnp.zeros((H,), dtype=jnp.float32),
        "Wroot_u2": jax.random.normal(ks[11], (H, H), dtype=jnp.float32) * s_h,
        "bn1_g": jnp.ones((H,), dtype=jnp.float32),
        "bn1_b": jnp.zeros((H,), dtype=jnp.float32),
        "bn2_g": jnp.ones((H,), dtype=jnp.float32),
        "bn2_b": jnp.zeros((H,), dtype=jnp.float32),
        "alpha1": jnp.float32(0.5),
        "alpha2": jnp.float32(0.5),
        "Wc": jax.random.normal(ks[12], (H, C), dtype=jnp.float32) * s_h,
        "bc": jnp.zeros((C,), dtype=jnp.float32),
    }


def reference(x, edge_index, v_edge_index, batch,
              Wrel_d1, brel_d1, Wroot_d1,
              Wrel_u1, brel_u1, Wroot_u1,
              Wrel_d2, brel_d2, Wroot_d2,
              Wrel_u2, brel_u2, Wroot_u2,
              bn1_g, bn1_b, bn2_g, bn2_b,
              alpha1, alpha2, Wc, bc):
    x_p1 = _graph_conv(x, edge_index, Wrel_d1, brel_d1, Wroot_d1)
    x_c1 = _graph_conv(x, v_edge_index, Wrel_u1, brel_u1, Wroot_u1)
    h1 = jax.nn.relu(_batch_norm(x_p1 + alpha1 * x_c1, bn1_g, bn1_b))
    # dropout is identity in eval mode
    x_p2 = _graph_conv(h1, edge_index, Wrel_d2, brel_d2, Wroot_d2)
    x_c2 = _graph_conv(h1, v_edge_index, Wrel_u2, brel_u2, Wroot_u2)
    h_nodes = jax.nn.relu(_batch_norm(x_p2 + alpha2 * x_c2, bn2_g, bn2_b))
    pooled = jax.ops.segment_sum(h_nodes, batch, num_segments=G)
    logits = pooled @ Wc + bc
    return (logits, h_nodes)

if __name__ == "__main__":
    import jax
    _d = setup_inputs()
    print(jax.jit(kernel)(*tuple(_d.values())))

</pallas_src>

<mosaic_0001>
#map = affine_map<(d0, d1) -> (0, 0)>
#map1 = affine_map<(d0, d1) -> (0, 0, 0)>
module attributes {stable_mosaic.version = 14 : i64} {
  func.func @body(%arg0: i32, %arg1: i32, %arg2: memref<20000x128xf32, #tpu.memory_space<hbm>>, %arg3: memref<16x80x128xi32, #tpu.memory_space<hbm>>, %arg4: memref<16x80x128xi32, #tpu.memory_space<hbm>>, %arg5: memref<16x40x128xi32, #tpu.memory_space<hbm>>, %arg6: memref<16x40x128xi32, #tpu.memory_space<hbm>>, %arg7: memref<2x10000x128xf32, #tpu.memory_space<hbm>>, %arg8: memref<10240x128xf32, #tpu.memory_space<vmem_shared>>, %arg9: memref<40x128xi32, #tpu.memory_space<vmem>>, %arg10: memref<40x128xi32, #tpu.memory_space<vmem>>, %arg11: memref<128x128xf32, #tpu.memory_space<vmem>>, %arg12: memref<128x128xf32, #tpu.memory_space<vmem>>, %arg13: memref<!tpu.dma_semaphore, #tpu.memory_space<semaphore_mem>>) attributes {dimension_semantics = [#tpu.dimension_semantics<core_parallel>, #tpu.dimension_semantics<subcore_parallel>], iteration_bounds = array<i64: 2, 16>, scalar_prefetch = 0 : i64, scratch_operands = 6 : i64, tpu.core_type = #tpu.core_type<sc_vector_subcore>, window_params = [{transform_indices = #map}, {transform_indices = #map1}, {transform_indices = #map1}, {transform_indices = #map1}, {transform_indices = #map1}, {transform_indices = #map1}]} {
    %broadcast_in_dim3A = arith.constant 0.000000e+00 : f32
    %broadcast_in_dim3A_0 = vector.broadcast %broadcast_in_dim3A : f32 to vector<16xf32>
    %scan3A = arith.constant 0 : i32
    %scan3A_1 = arith.constant 128 : i32
    %scan3A_2 = arith.addi %scan3A, %scan3A_1 : i32
    %scan3A_3 = arith.constant 1 : i32
    scf.for %scan3A_32 = %scan3A to %scan3A_2 step %scan3A_3  : i32 {
      %mul3A_33 = arith.constant 1 : i32
      %mul3A_34 = arith.muli %scan3A_32, %mul3A_33 : i32
      %add3A_35 = arith.constant 0 : i32
      %add3A_36 = arith.addi %add3A_35, %mul3A_34 : i32
      %swap3A = arith.index_cast %add3A_36 : i32 to index
      %swap3A_37 = arith.constant 0 : index
      %swap3A_38 = tpu.vector_load %arg11[%swap3A, %swap3A_37] {strides = array<i32>} : memref<128x128xf32, #tpu.memory_space<vmem>>, vector<1x16xf32>,
      %swap3A_39 = vector.shape_cast %swap3A_38 : vector<1x16xf32> to vector<16xf32>
      %swap3A_40 = vector.shape_cast %broadcast_in_dim3A_0 : vector<16xf32> to vector<1x16xf32>
      tpu.vector_store %arg11[%swap3A, %swap3A_37], %swap3A_40 {strides = array<i32>} : memref<128x128xf32, #tpu.memory_space<vmem>>, vector<1x16xf32>,
      %swap3A_41 = arith.index_cast %add3A_36 : i32 to index
      %swap3A_42 = arith.constant 16 : index
      %swap3A_43 = tpu.vector_load %arg11[%swap3A_41, %swap3A_42] {strides = array<i32>} : memref<128x128xf32, #tpu.memory_space<vmem>>, vector<1x16xf32>,
      %swap3A_44 = vector.shape_cast %swap3A_43 : vector<1x16xf32> to vector<16xf32>
      %swap3A_45 = vector.shape_cast %broadcast_in_dim3A_0 : vector<16xf32> to vector<1x16xf32>
      tpu.vector_store %arg11[%swap3A_41, %swap3A_42], %swap3A_45 {strides = array<i32>} : memref<128x128xf32, #tpu.memory_space<vmem>>, vector<1x16xf32>,
      %swap3A_46 = arith.index_cast %add3A_36 : i32 to index
      %swap3A_47 = arith.constant 32 : index
      %swap3A_48 = tpu.vector_load %arg11[%swap3A_46, %swap3A_47] {strides = array<i32>} : memref<128x128xf32, #tpu.memory_space<vmem>>, vector<1x16xf32>,
      %swap3A_49 = vector.shape_cast %swap3A_48 : vector<1x16xf32> to vector<16xf32>
      %swap3A_50 = vector.shape_cast %broadcast_in_dim3A_0 : vector<16xf32> to vector<1x16xf32>
      tpu.vector_store %arg11[%swap3A_46, %swap3A_47], %swap3A_50 {strides = array<i32>} : memref<128x128xf32, #tpu.memory_space<vmem>>, vector<1x16xf32>,
      %swap3A_51 = arith.index_cast %add3A_36 : i32 to index
      %swap3A_52 = arith.constant 48 : index
      %swap3A_53 = tpu.vector_load %arg11[%swap3A_51, %swap3A_52] {strides = array<i32>} : memref<128x128xf32, #tpu.memory_space<vmem>>, vector<1x16xf32>,
      %swap3A_54 = vector.shape_cast %swap3A_53 : vector<1x16xf32> to vector<16xf32>
      %swap3A_55 = vector.shape_cast %broadcast_in_dim3A_0 : vector<16xf32> to vector<1x16xf32>
      tpu.vector_store %arg11[%swap3A_51, %swap3A_52], %swap3A_55 {strides = array<i32>} : memref<128x128xf32, #tpu.memory_space<vmem>>, vector<1x16xf32>,
      %swap3A_56 = arith.index_cast %add3A_36 : i32 to index
      %swap3A_57 = arith.constant 64 : index
      %swap3A_58 = tpu.vector_load %arg11[%swap3A_56, %swap3A_57] {strides = array<i32>} : memref<128x128xf32, #tpu.memory_space<vmem>>, vector<1x16xf32>,
      %swap3A_59 = vector.shape_cast %swap3A_58 : vector<1x16xf32> to vector<16xf32>
      %swap3A_60 = vector.shape_cast %broadcast_in_dim3A_0 : vector<16xf32> to vector<1x16xf32>
      tpu.vector_store %arg11[%swap3A_56, %swap3A_57], %swap3A_60 {strides = array<i32>} : memref<128x128xf32, #tpu.memory_space<vmem>>, vector<1x16xf32>,
      %swap3A_61 = arith.index_cast %add3A_36 : i32 to index
      %swap3A_62 = arith.constant 80 : index
      %swap3A_63 = tpu.vector_load %arg11[%swap3A_61, %swap3A_62] {strides = array<i32>} : memref<128x128xf32, #tpu.memory_space<vmem>>, vector<1x16xf32>,
      %swap3A_64 = vector.shape_cast %swap3A_63 : vector<1x16xf32> to vector<16xf32>
      %swap3A_65 = vector.shape_cast %broadcast_in_dim3A_0 : vector<16xf32> to vector<1x16xf32>
      tpu.vector_store %arg11[%swap3A_61, %swap3A_62], %swap3A_65 {strides = array<i32>} : memref<128x128xf32, #tpu.memory_space<vmem>>, vector<1x16xf32>,
      %swap3A_66 = arith.index_cast %add3A_36 : i32 to index
      %swap3A_67 = arith.constant 96 : index
      %swap3A_68 = tpu.vector_load %arg11[%swap3A_66, %swap3A_67] {strides = array<i32>} : memref<128x128xf32, #tpu.memory_space<vmem>>, vector<1x16xf32>,
      %swap3A_69 = vector.shape_cast %swap3A_68 : vector<1x16xf32> to vector<16xf32>
      %swap3A_70 = vector.shape_cast %broadcast_in_dim3A_0 : vector<16xf32> to vector<1x16xf32>
      tpu.vector_store %arg11[%swap3A_66, %swap3A_67], %swap3A_70 {strides = array<i32>} : memref<128x128xf32, #tpu.memory_space<vmem>>, vector<1x16xf32>,
      %swap3A_71 = arith.index_cast %add3A_36 : i32 to index
      %swap3A_72 = arith.constant 112 : index
      %swap3A_73 = tpu.vector_load %arg11[%swap3A_71, %swap3A_72] {strides = array<i32>} : memref<128x128xf32, #tpu.memory_space<vmem>>, vector<1x16xf32>,
      %swap3A_74 = vector.shape_cast %swap3A_73 : vector<1x16xf32> to vector<16xf32>
      %swap3A_75 = vector.shape_cast %broadcast_in_dim3A_0 : vector<16xf32> to vector<1x16xf32>
      tpu.vector_store %arg11[%swap3A_71, %swap3A_72], %swap3A_75 {strides = array<i32>} : memref<128x128xf32, #tpu.memory_space<vmem>>, vector<1x16xf32>,
    }
    %scan3A_4 = arith.constant 128 : i32
    %mul3A = arith.constant 640 : i32
    %mul3A_5 = arith.muli %arg1, %mul3A : i32
    %add3A = arith.constant 0 : i32
    %add3A_6 = arith.addi %mul3A_5, %add3A : i32
    "tpu.region"() ({
      %run_scoped3A = tpu.sem_alloc : memref<!tpu.dma_semaphore, #tpu.memory_space<semaphore_mem>>
      %dma_start3A = arith.constant 0 : i32
      %dma_start3A_32 = tpu.memref_slice %arg8[%add3A_6, %dma_start3A] : memref<10240x128xf32, #tpu.memory_space<vmem_shared>> -> memref<128x128xf32, #tpu.memory_space<vmem_shared>>
      %dma_start3A_33 = arith.constant 0 : i32
      %dma_start3A_34 = tpu.memref_slice %arg8[%add3A_6, %dma_start3A_33] : memref<10240x128xf32, #tpu.memory_space<vmem_shared>> -> memref<128x128xf32, #tpu.memory_space<vmem_shared>>
      tpu.enqueue_dma source(%arg11 : memref<128x128xf32, #tpu.memory_space<vmem>>) target(%dma_start3A_34 : memref<128x128xf32, #tpu.memory_space<vmem_shared>>) target_semaphore(%run_scoped3A : memref<!tpu.dma_semaphore, #tpu.memory_space<semaphore_mem>>)
      %dma_wait3A = arith.constant 0 : i32
      %dma_wait3A_35 = tpu.memref_slice %arg8[%add3A_6, %dma_wait3A] : memref<10240x128xf32, #tpu.memory_space<vmem_shared>> -> memref<128x128xf32, #tpu.memory_space<vmem_shared>>
      %dma_wait3A_36 = arith.constant 0 : i32
      %dma_wait3A_37 = tpu.memref_slice %arg8[%add3A_6, %dma_wait3A_36] : memref<10240x128xf32, #tpu.memory_space<vmem_shared>> -> memref<128x128xf32, #tpu.memory_space<vmem_shared>>
      tpu.wait_dma2 semaphore(%run_scoped3A : memref<!tpu.dma_semaphore, #tpu.memory_space<semaphore_mem>>) src(%arg11 : memref<128x128xf32, #tpu.memory_space<vmem>>) dst(%dma_wait3A_37 : memref<128x128xf32, #tpu.memory_space<vmem_shared>>)
      tpu.yield
    }) : () -> ()
    %add3A_7 = arith.constant 128 : i32
    %add3A_8 = arith.addi %mul3A_5, %add3A_7 : i32
    "tpu.region"() ({
      %run_scoped3A = tpu.sem_alloc : memref<!tpu.dma_semaphore, #tpu.memory_space<semaphore_mem>>
      %dma_start3A = arith.constant 0 : i32
      %dma_start3A_32 = tpu.memref_slice %arg8[%add3A_8, %dma_start3A] : memref<10240x128xf32, #tpu.memory_space<vmem_shared>> -> memref<128x128xf32, #tpu.memory_space<vmem_shared>>
      %dma_start3A_33 = arith.constant 0 : i32
      %dma_start3A_34 = tpu.memref_slice %arg8[%add3A_8, %dma_start3A_33] : memref<10240x128xf32, #tpu.memory_space<vmem_shared>> -> memref<128x128xf32, #tpu.memory_space<vmem_shared>>
      tpu.enqueue_dma source(%arg11 : memref<128x128xf32, #tpu.memory_space<vmem>>) target(%dma_start3A_34 : memref<128x128xf32, #tpu.memory_space<vmem_shared>>) target_semaphore(%run_scoped3A : memref<!tpu.dma_semaphore, #tpu.memory_space<semaphore_mem>>)
      %dma_wait3A = arith.constant 0 : i32
      %dma_wait3A_35 = tpu.memref_slice %arg8[%add3A_8, %dma_wait3A] : memref<10240x128xf32, #tpu.memory_space<vmem_shared>> -> memref<128x128xf32, #tpu.memory_space<vmem_shared>>
      %dma_wait3A_36 = arith.constant 0 : i32
      %dma_wait3A_37 = tpu.memref_slice %arg8[%add3A_8, %dma_wait3A_36] : memref<10240x128xf32, #tpu.memory_space<vmem_shared>> -> memref<128x128xf32, #tpu.memory_space<vmem_shared>>
      tpu.wait_dma2 semaphore(%run_scoped3A : memref<!tpu.dma_semaphore, #tpu.memory_space<semaphore_mem>>) src(%arg11 : memref<128x128xf32, #tpu.memory_space<vmem>>) dst(%dma_wait3A_37 : memref<128x128xf32, #tpu.memory_space<vmem_shared>>)
      tpu.yield
    }) : () -> ()
    %add3A_9 = arith.constant 256 : i32
    %add3A_10 = arith.addi %mul3A_5, %add3A_9 : i32
    "tpu.region"() ({
      %run_scoped3A = tpu.sem_alloc : memref<!tpu.dma_semaphore, #tpu.memory_space<semaphore_mem>>
      %dma_start3A = arith.constant 0 : i32
      %dma_start3A_32 = tpu.memref_slice %arg8[%add3A_10, %dma_start3A] : memref<10240x128xf32, #tpu.memory_space<vmem_shared>> -> memref<128x128xf32, #tpu.memory_space<vmem_shared>>
      %dma_start3A_33 = arith.constant 0 : i32
      %dma_start3A_34 = tpu.memref_slice %arg8[%add3A_10, %dma_start3A_33] : memref<10240x128xf32, #tpu.memory_space<vmem_shared>> -> memref<128x128xf32, #tpu.memory_space<vmem_shared>>
      tpu.enqueue_dma source(%arg11 : memref<128x128xf32, #tpu.memory_space<vmem>>) target(%dma_start3A_34 : memref<128x128xf32, #tpu.memory_space<vmem_shared>>) target_semaphore(%run_scoped3A : memref<!tpu.dma_semaphore, #tpu.memory_space<semaphore_mem>>)
      %dma_wait3A = arith.constant 0 : i32
      %dma_wait3A_35 = tpu.memref_slice %arg8[%add3A_10, %dma_wait3A] : memref<10240x128xf32, #tpu.memory_space<vmem_shared>> -> memref<128x128xf32, #tpu.memory_space<vmem_shared>>
      %dma_wait3A_36 = arith.constant 0 : i32
      %dma_wait3A_37 = tpu.memref_slice %arg8[%add3A_10, %dma_wait3A_36] : memref<10240x128xf32, #tpu.memory_space<vmem_shared>> -> memref<128x128xf32, #tpu.memory_space<vmem_shared>>
      tpu.wait_dma2 semaphore(%run_scoped3A : memref<!tpu.dma_semaphore, #tpu.memory_space<semaphore_mem>>) src(%arg11 : memref<128x128xf32, #tpu.memory_space<vmem>>) dst(%dma_wait3A_37 : memref<128x128xf32, #tpu.memory_space<vmem_shared>>)
      tpu.yield
    }) : () -> ()
    %add3A_11 = arith.constant 384 : i32
    %add3A_12 = arith.addi %mul3A_5, %add3A_11 : i32
    "tpu.region"() ({
      %run_scoped3A = tpu.sem_alloc : memref<!tpu.dma_semaphore, #tpu.memory_space<semaphore_mem>>
      %dma_start3A = arith.constant 0 : i32
      %dma_start3A_32 = tpu.memref_slice %arg8[%add3A_12, %dma_start3A] : memref<10240x128xf32, #tpu.memory_space<vmem_shared>> -> memref<128x128xf32, #tpu.memory_space<vmem_shared>>
      %dma_start3A_33 = arith.constant 0 : i32
      %dma_start3A_34 = tpu.memref_slice %arg8[%add3A_12, %dma_start3A_33] : memref<10240x128xf32, #tpu.memory_space<vmem_shared>> -> memref<128x128xf32, #tpu.memory_space<vmem_shared>>
      tpu.enqueue_dma source(%arg11 : memref<128x128xf32, #tpu.memory_space<vmem>>) target(%dma_start3A_34 : memref<128x128xf32, #tpu.memory_space<vmem_shared>>) target_semaphore(%run_scoped3A : memref<!tpu.dma_semaphore, #tpu.memory_space<semaphore_mem>>)
      %dma_wait3A = arith.constant 0 : i32
      %dma_wait3A_35 = tpu.memref_slice %arg8[%add3A_12, %dma_wait3A] : memref<10240x128xf32, #tpu.memory_space<vmem_shared>> -> memref<128x128xf32, #tpu.memory_space<vmem_shared>>
      %dma_wait3A_36 = arith.constant 0 : i32
      %dma_wait3A_37 = tpu.memref_slice %arg8[%add3A_12, %dma_wait3A_36] : memref<10240x128xf32, #tpu.memory_space<vmem_shared>> -> memref<128x128xf32, #tpu.memory_space<vmem_shared>>
      tpu.wait_dma2 semaphore(%run_scoped3A : memref<!tpu.dma_semaphore, #tpu.memory_space<semaphore_mem>>) src(%arg11 : memref<128x128xf32, #tpu.memory_space<vmem>>) dst(%dma_wait3A_37 : memref<128x128xf32, #tpu.memory_space<vmem_shared>>)
      tpu.yield
    }) : () -> ()
    %add3A_13 = arith.constant 512 : i32
    %add3A_14 = arith.addi %mul3A_5, %add3A_13 : i32
    "tpu.region"() ({
      %run_scoped3A = tpu.sem_alloc : memref<!tpu.dma_semaphore, #tpu.memory_space<semaphore_mem>>
      %dma_start3A = arith.constant 0 : i32
      %dma_start3A_32 = tpu.memref_slice %arg8[%add3A_14, %dma_start3A] : memref<10240x128xf32, #tpu.memory_space<vmem_shared>> -> memref<128x128xf32, #tpu.memory_space<vmem_shared>>
      %dma_start3A_33 = arith.constant 0 : i32
      %dma_start3A_34 = tpu.memref_slice %arg8[%add3A_14, %dma_start3A_33] : memref<10240x128xf32, #tpu.memory_space<vmem_shared>> -> memref<128x128xf32, #tpu.memory_space<vmem_shared>>
      tpu.enqueue_dma source(%arg11 : memref<128x128xf32, #tpu.memory_space<vmem>>) target(%dma_start3A_34 : memref<128x128xf32, #tpu.memory_space<vmem_shared>>) target_semaphore(%run_scoped3A : memref<!tpu.dma_semaphore, #tpu.memory_space<semaphore_mem>>)
      %dma_wait3A = arith.constant 0 : i32
      %dma_wait3A_35 = tpu.memref_slice %arg8[%add3A_14, %dma_wait3A] : memref<10240x128xf32, #tpu.memory_space<vmem_shared>> -> memref<128x128xf32, #tpu.memory_space<vmem_shared>>
      %dma_wait3A_36 = arith.constant 0 : i32
      %dma_wait3A_37 = tpu.memref_slice %arg8[%add3A_14, %dma_wait3A_36] : memref<10240x128xf32, #tpu.memory_space<vmem_shared>> -> memref<128x128xf32, #tpu.memory_space<vmem_shared>>
      tpu.wait_dma2 semaphore(%run_scoped3A : memref<!tpu.dma_semaphore, #tpu.memory_space<semaphore_mem>>) src(%arg11 : memref<128x128xf32, #tpu.memory_space<vmem>>) dst(%dma_wait3A_37 : memref<128x128xf32, #tpu.memory_space<vmem_shared>>)
      tpu.yield
    }) : () -> ()
    %barrier3A = arith.constant 0 : index
    tpu.barrier barrier_id(%barrier3A)
    %eq3A = arith.constant 0 : i32
    %eq3A_15 = arith.cmpi eq, %arg0, %eq3A : i32
    %convert_element_type3A = arith.extui %eq3A_15 : i1 to i32
    %cond3A = arith.constant 0 : i32
    %cond3A_16 = arith.cmpi ne, %convert_element_type3A, %cond3A : i32
    scf.if %cond3A_16 {
      "tpu.region"() ({
        %run_scoped3A = tpu.sem_alloc : memref<!tpu.dma_semaphore, #tpu.memory_space<semaphore_mem>>
        %dma_start3A_55 = arith.constant 0 : i32
        %dma_start3A_56 = arith.constant 0 : i32
        %dma_start3A_57 = tpu.memref_slice %arg3[%arg1, %dma_start3A_55, %dma_start3A_56] : memref<16x80x128xi32, #tpu.memory_space<hbm>> -> memref<1x40x128xi32, #tpu.memory_space<hbm>>
        %dma_start3A_58 = tpu.memref_squeeze %dma_start3A_57 : memref<1x40x128xi32, #tpu.memory_space<hbm>> -> memref<40x128xi32, #tpu.memory_space<hbm>>
        %dma_start3A_59 = arith.constant 0 : i32
        %dma_start3A_60 = arith.constant 0 : i32
        %dma_start3A_61 = tpu.memref_slice %arg3[%arg1, %dma_start3A_59, %dma_start3A_60] : memref<16x80x128xi32, #tpu.memory_space<hbm>> -> memref<1x40x128xi32, #tpu.memory_space<hbm>>
        %dma_start3A_62 = tpu.memref_squeeze %dma_start3A_61 : memref<1x40x128xi32, #tpu.memory_space<hbm>> -> memref<40x128xi32, #tpu.memory_space<hbm>>
        tpu.enqueue_dma source(%dma_start3A_62 : memref<40x128xi32, #tpu.memory_space<hbm>>) target(%arg9 : memref<40x128xi32, #tpu.memory_space<vmem>>) target_semaphore(%run_scoped3A : memref<!tpu.dma_semaphore, #tpu.memory_space<semaphore_mem>>)
        %dma_wait3A = arith.constant 0 : i32
        %dma_wait3A_63 = arith.constant 0 : i32
        %dma_wait3A_64 = tpu.memref_slice %arg3[%arg1, %dma_wait3A, %dma_wait3A_63] : memref<16x80x128xi32, #tpu.memory_space<hbm>> -> memref<1x40x128xi32, #tpu.memory_space<hbm>>
        %dma_wait3A_65 = tpu.memref_squeeze %dma_wait3A_64 : memref<1x40x128xi32, #tpu.memory_space<hbm>> -> memref<40x128xi32, #tpu.memory_space<hbm>>
        %dma_wait3A_66 = arith.constant 0 : i32
        %dma_wait3A_67 = arith.constant 0 : i32
        %dma_wait3A_68 = tpu.memref_slice %arg3[%arg1, %dma_wait3A_66, %dma_wait3A_67] : memref<16x80x128xi32, #tpu.memory_space<hbm>> -> memref<1x40x128xi32, #tpu.memory_space<hbm>>
        %dma_wait3A_69 = tpu.memref_squeeze %dma_wait3A_68 : memref<1x40x128xi32, #tpu.memory_space<hbm>> -> memref<40x128xi32, #tpu.memory_space<hbm>>
        tpu.wait_dma2 semaphore(%run_scoped3A : memref<!tpu.dma_semaphore, #tpu.memory_space<semaphore_mem>>) src(%dma_wait3A_69 : memref<40x128xi32, #tpu.memory_space<hbm>>) dst(%arg9 : memref<40x128xi32, #tpu.memory_space<vmem>>)
        tpu.yield
      }) : () -> ()
      "tpu.region"() ({
        %run_scoped3A = tpu.sem_alloc : memref<!tpu.dma_semaphore, #tpu.memory_space<semaphore_mem>>
        %dma_start3A_55 = arith.constant 0 : i32
        %dma_start3A_56 = arith.constant 0 : i32
        %dma_start3A_57 = tpu.memref_slice %arg4[%arg1, %dma_start3A_55, %dma_start3A_56] : memref<16x80x128xi32, #tpu.memory_space<hbm>> -> memref<1x40x128xi32, #tpu.memory_space<hbm>>
        %dma_start3A_58 = tpu.memref_squeeze %dma_start3A_57 : memref<1x40x128xi32, #tpu.memory_space<hbm>> -> memref<40x128xi32, #tpu.memory_space<hbm>>
        %dma_start3A_59 = arith.constant 0 : i32
        %dma_start3A_60 = arith.constant 0 : i32
        %dma_start3A_61 = tpu.memref_slice %arg4[%arg1, %dma_start3A_59, %dma_start3A_60] : memref<16x80x128xi32, #tpu.memory_space<hbm>> -> memref<1x40x128xi32, #tpu.memory_space<hbm>>
        %dma_start3A_62 = tpu.memref_squeeze %dma_start3A_61 : memref<1x40x128xi32, #tpu.memory_space<hbm>> -> memref<40x128xi32, #tpu.memory_space<hbm>>
        tpu.enqueue_dma source(%dma_start3A_62 : memref<40x128xi32, #tpu.memory_space<hbm>>) target(%arg10 : memref<40x128xi32, #tpu.memory_space<vmem>>) target_semaphore(%run_scoped3A : memref<!tpu.dma_semaphore, #tpu.memory_space<semaphore_mem>>)
        %dma_wait3A = arith.constant 0 : i32
        %dma_wait3A_63 = arith.constant 0 : i32
        %dma_wait3A_64 = tpu.memref_slice %arg4[%arg1, %dma_wait3A, %dma_wait3A_63] : memref<16x80x128xi32, #tpu.memory_space<hbm>> -> memref<1x40x128xi32, #tpu.memory_space<hbm>>
        %dma_wait3A_65 = tpu.memref_squeeze %dma_wait3A_64 : memref<1x40x128xi32, #tpu.memory_space<hbm>> -> memref<40x128xi32, #tpu.memory_space<hbm>>
        %dma_wait3A_66 = arith.constant 0 : i32
        %dma_wait3A_67 = arith.constant 0 : i32
        %dma_wait3A_68 = tpu.memref_slice %arg4[%arg1, %dma_wait3A_66, %dma_wait3A_67] : memref<16x80x128xi32, #tpu.memory_space<hbm>> -> memref<1x40x128xi32, #tpu.memory_space<hbm>>
        %dma_wait3A_69 = tpu.memref_squeeze %dma_wait3A_68 : memref<1x40x128xi32, #tpu.memory_space<hbm>> -> memref<40x128xi32, #tpu.memory_space<hbm>>
        tpu.wait_dma2 semaphore(%run_scoped3A : memref<!tpu.dma_semaphore, #tpu.memory_space<semaphore_mem>>) src(%dma_wait3A_69 : memref<40x128xi32, #tpu.memory_space<hbm>>) dst(%arg10 : memref<40x128xi32, #tpu.memory_space<vmem>>)
        tpu.yield
      }) : () -> ()
      %dma_start3A = arith.constant 0 : i32
      %dma_start3A_32 = arith.constant 0 : i32
      %dma_start3A_33 = tpu.memref_slice %arg9[%dma_start3A, %dma_start3A_32] : memref<40x128xi32, #tpu.memory_space<vmem>> -> memref<1x128xi32, #tpu.memory_space<vmem>>
      %dma_start3A_34 = tpu.memref_squeeze %dma_start3A_33 : memref<1x128xi32, #tpu.memory_space<vmem>> -> memref<128xi32, #tpu.memory_space<vmem>>
      %dma_start3A_35 = arith.constant 0 : i32
      %dma_start3A_36 = arith.constant 0 : i32
      %dma_start3A_37 = tpu.memref_slice %arg2[%dma_start3A_35, %dma_start3A_36] : memref<20000x128xf32, #tpu.memory_space<hbm>> -> memref<20000x128xf32, #tpu.memory_space<hbm>>
      tpu.enqueue_indirect_dma source(%dma_start3A_37 : memref<20000x128xf32, #tpu.memory_space<hbm>>) target(%arg11 : memref<128x128xf32, #tpu.memory_space<vmem>>) offsets(%dma_start3A_34 : memref<128xi32, #tpu.memory_space<vmem>>) semaphore(%arg13 : memref<!tpu.dma_semaphore, #tpu.memory_space<semaphore_mem>>)
      %scan3A_38 = arith.constant 0 : i32
      %scan3A_39 = arith.constant 20 : i32
      %scan3A_40 = arith.addi %scan3A_38, %scan3A_39 : i32
      %scan3A_41 = arith.constant 1 : i32
      scf.for %scan3A_55 = %scan3A_38 to %scan3A_40 step %scan3A_41  : i32 {
        %mul3A_56 = arith.constant 1 : i32
        %mul3A_57 = arith.muli %scan3A_55, %mul3A_56 : i32
        %add3A_58 = arith.constant 0 : i32
        %add3A_59 = arith.addi %add3A_58, %mul3A_57 : i32
        %mul3A_60 = arith.constant 2 : i32
        %mul3A_61 = arith.muli %add3A_59, %mul3A_60 : i32
        %add3A_62 = arith.constant 1 : i32
        %add3A_63 = arith.addi %mul3A_61, %add3A_62 : i32
        %dma_start3A_64 = arith.constant 0 : i32
        %dma_start3A_65 = tpu.memref_slice %arg9[%add3A_63, %dma_start3A_64] : memref<40x128xi32, #tpu.memory_space<vmem>> -> memref<1x128xi32, #tpu.memory_space<vmem>>
        %dma_start3A_66 = tpu.memref_squeeze %dma_start3A_65 : memref<1x128xi32, #tpu.memory_space<vmem>> -> memref<128xi32, #tpu.memory_space<vmem>>
        %dma_start3A_67 = arith.constant 0 : i32
        %dma_start3A_68 = arith.constant 0 : i32
        %dma_start3A_69 = tpu.memref_slice %arg2[%dma_start3A_67, %dma_start3A_68] : memref<20000x128xf32, #tpu.memory_space<hbm>> -> memref<20000x128xf32, #tpu.memory_space<hbm>>
        tpu.enqueue_indirect_dma source(%dma_start3A_69 : memref<20000x128xf32, #tpu.memory_space<hbm>>) target(%arg12 : memref<128x128xf32, #tpu.memory_space<vmem>>) offsets(%dma_start3A_66 : memref<128xi32, #tpu.memory_space<vmem>>) semaphore(%arg13 : memref<!tpu.dma_semaphore, #tpu.memory_space<semaphore_mem>>)
        %dma_wait3A = arith.constant 0 : i32
        %dma_wait3A_70 = tpu.memref_slice %arg9[%mul3A_61, %dma_wait3A] : memref<40x128xi32, #tpu.memory_space<vmem>> -> memref<1x128xi32, #tpu.memory_space<vmem>>
        %dma_wait3A_71 = tpu.memref_squeeze %dma_wait3A_70 : memref<1x128xi32, #tpu.memory_space<vmem>> -> memref<128xi32, #tpu.memory_space<vmem>>
        %dma_wait3A_72 = arith.constant 0 : i32
        %dma_wait3A_73 = arith.constant 0 : i32
        %dma_wait3A_74 = tpu.memref_slice %arg2[%dma_wait3A_72, %dma_wait3A_73] : memref<20000x128xf32, #tpu.memory_space<hbm>> -> memref<20000x128xf32, #tpu.memory_space<hbm>>
        tpu.wait_indirect_dma semaphore(%arg13 : memref<!tpu.dma_semaphore, #tpu.memory_space<semaphore_mem>>) src(%dma_wait3A_74 : memref<20000x128xf32, #tpu.memory_space<hbm>>) dst(%arg11 : memref<128x128xf32, #tpu.memory_space<vmem>>)
        "tpu.region"() ({
          %run_scoped3A = tpu.sem_alloc : memref<!tpu.dma_semaphore, #tpu.memory_space<semaphore_mem>>
          %dma_start3A_86 = arith.constant 0 : i32
          %dma_start3A_87 = tpu.memref_slice %arg10[%mul3A_61, %dma_start3A_86] : memref<40x128xi32, #tpu.memory_space<vmem>> -> memref<1x128xi32, #tpu.memory_space<vmem>>
          %dma_start3A_88 = tpu.memref_squeeze %dma_start3A_87 : memref<1x128xi32, #tpu.memory_space<vmem>> -> memref<128xi32, #tpu.memory_space<vmem>>
          %dma_start3A_89 = arith.constant 0 : i32
          %dma_start3A_90 = arith.constant 0 : i32
          %dma_start3A_91 = tpu.memref_slice %arg8[%dma_start3A_89, %dma_start3A_90] : memref<10240x128xf32, #tpu.memory_space<vmem_shared>> -> memref<10240x128xf32, #tpu.memory_space<vmem_shared>>
          tpu.enqueue_indirect_dma source(%arg11 : memref<128x128xf32, #tpu.memory_space<vmem>>) target(%dma_start3A_91 : memref<10240x128xf32, #tpu.memory_space<vmem_shared>>) offsets(%dma_start3A_88 : memref<128xi32, #tpu.memory_space<vmem>>) semaphore(%run_scoped3A : memref<!tpu.dma_semaphore, #tpu.memory_space<semaphore_mem>>) {add = true}
          %dma_wait3A_92 = arith.constant 0 : i32
          %dma_wait3A_93 = tpu.memref_slice %arg10[%mul3A_61, %dma_wait3A_92] : memref<40x128xi32, #tpu.memory_space<vmem>> -> memref<1x128xi32, #tpu.memory_space<vmem>>
          %dma_wait3A_94 = tpu.memref_squeeze %dma_wait3A_93 : memref<1x128xi32, #tpu.memory_space<vmem>> -> memref<128xi32, #tpu.memory_space<vmem>>
          %dma_wait3A_95 = arith.constant 0 : i32
          %dma_wait3A_96 = arith.constant 0 : i32
          %dma_wait3A_97 = tpu.memref_slice %arg8[%dma_wait3A_95, %dma_wait3A_96] : memref<10240x128xf32, #tpu.memory_space<vmem_shared>> -> memref<10240x128xf32, #tpu.memory_space<vmem_shared>>
          tpu.wait_indirect_dma semaphore(%run_scoped3A : memref<!tpu.dma_semaphore, #tpu.memory_space<semaphore_mem>>) src(%arg11 : memref<128x128xf32, #tpu.memory_space<vmem>>) dst(%dma_wait3A_97 : memref<10240x128xf32, #tpu.memory_space<vmem_shared>>)
          tpu.yield
        }) : () -> ()
        %lt3A_75 = arith.constant 19 : i32
        %lt3A_76 = arith.cmpi slt, %add3A_59, %lt3A_75 : i32
        %convert_element_type3A_77 = arith.extui %lt3A_76 : i1 to i32
        %cond3A_78 = arith.constant 0 : i32
        %cond3A_79 = arith.cmpi ne, %convert_element_type3A_77, %cond3A_78 : i32
        scf.if %cond3A_79 {
          %add3A_86 = arith.constant 2 : i32
          %add3A_87 = arith.addi %mul3A_61, %add3A_86 : i32
          %dma_start3A_88 = arith.constant 0 : i32
          %dma_start3A_89 = tpu.memref_slice %arg9[%add3A_87, %dma_start3A_88] : memref<40x128xi32, #tpu.memory_space<vmem>> -> memref<1x128xi32, #tpu.memory_space<vmem>>
          %dma_start3A_90 = tpu.memref_squeeze %dma_start3A_89 : memref<1x128xi32, #tpu.memory_space<vmem>> -> memref<128xi32, #tpu.memory_space<vmem>>
          %dma_start3A_91 = arith.constant 0 : i32
          %dma_start3A_92 = arith.constant 0 : i32
          %dma_start3A_93 = tpu.memref_slice %arg2[%dma_start3A_91, %dma_start3A_92] : memref<20000x128xf32, #tpu.memory_space<hbm>> -> memref<20000x128xf32, #tpu.memory_space<hbm>>
          tpu.enqueue_indirect_dma source(%dma_start3A_93 : memref<20000x128xf32, #tpu.memory_space<hbm>>) target(%arg11 : memref<128x128xf32, #tpu.memory_space<vmem>>) offsets(%dma_start3A_90 : memref<128xi32, #tpu.memory_space<vmem>>) semaphore(%arg13 : memref<!tpu.dma_semaphore, #tpu.memory_space<semaphore_mem>>)
        } else {
        }
        %dma_wait3A_80 = arith.constant 0 : i32
        %dma_wait3A_81 = tpu.memref_slice %arg9[%add3A_63, %dma_wait3A_80] : memref<40x128xi32, #tpu.memory_space<vmem>> -> memref<1x128xi32, #tpu.memory_space<vmem>>
        %dma_wait3A_82 = tpu.memref_squeeze %dma_wait3A_81 : memref<1x128xi32, #tpu.memory_space<vmem>> -> memref<128xi32, #tpu.memory_space<vmem>>
        %dma_wait3A_83 = arith.constant 0 : i32
        %dma_wait3A_84 = arith.constant 0 : i32
        %dma_wait3A_85 = tpu.memref_slice %arg2[%dma_wait3A_83, %dma_wait3A_84] : memref<20000x128xf32, #tpu.memory_space<hbm>> -> memref<20000x128xf32, #tpu.memory_space<hbm>>
        tpu.wait_indirect_dma semaphore(%arg13 : memref<!tpu.dma_semaphore, #tpu.memory_space<semaphore_mem>>) src(%dma_wait3A_85 : memref<20000x128xf32, #tpu.memory_space<hbm>>) dst(%arg12 : memref<128x128xf32, #tpu.memory_space<vmem>>)
        "tpu.region"() ({
          %run_scoped3A = tpu.sem_alloc : memref<!tpu.dma_semaphore, #tpu.memory_space<semaphore_mem>>
          %dma_start3A_86 = arith.constant 0 : i32
          %dma_start3A_87 = tpu.memref_slice %arg10[%add3A_63, %dma_start3A_86] : memref<40x128xi32, #tpu.memory_space<vmem>> -> memref<1x128xi32, #tpu.memory_space<vmem>>
          %dma_start3A_88 = tpu.memref_squeeze %dma_start3A_87 : memref<1x128xi32, #tpu.memory_space<vmem>> -> memref<128xi32, #tpu.memory_space<vmem>>
          %dma_start3A_89 = arith.constant 0 : i32
          %dma_start3A_90 = arith.constant 0 : i32
          %dma_start3A_91 = tpu.memref_slice %arg8[%dma_start3A_89, %dma_start3A_90] : memref<10240x128xf32, #tpu.memory_space<vmem_shared>> -> memref<10240x128xf32, #tpu.memory_space<vmem_shared>>
          tpu.enqueue_indirect_dma source(%arg12 : memref<128x128xf32, #tpu.memory_space<vmem>>) target(%dma_start3A_91 : memref<10240x128xf32, #tpu.memory_space<vmem_shared>>) offsets(%dma_start3A_88 : memref<128xi32, #tpu.memory_space<vmem>>) semaphore(%run_scoped3A : memref<!tpu.dma_semaphore, #tpu.memory_space<semaphore_mem>>) {add = true}
          %dma_wait3A_92 = arith.constant 0 : i32
          %dma_wait3A_93 = tpu.memref_slice %arg10[%add3A_63, %dma_wait3A_92] : memref<40x128xi32, #tpu.memory_space<vmem>> -> memref<1x128xi32, #tpu.memory_space<vmem>>
          %dma_wait3A_94 = tpu.memref_squeeze %dma_wait3A_93 : memref<1x128xi32, #tpu.memory_space<vmem>> -> memref<128xi32, #tpu.memory_space<vmem>>
          %dma_wait3A_95 = arith.constant 0 : i32
          %dma_wait3A_96 = arith.constant 0 : i32
          %dma_wait3A_97 = tpu.memref_slice %arg8[%dma_wait3A_95, %dma_wait3A_96] : memref<10240x128xf32, #tpu.memory_space<vmem_shared>> -> memref<10240x128xf32, #tpu.memory_space<vmem_shared>>
          tpu.wait_indirect_dma semaphore(%run_scoped3A : memref<!tpu.dma_semaphore, #tpu.memory_space<semaphore_mem>>) src(%arg12 : memref<128x128xf32, #tpu.memory_space<vmem>>) dst(%dma_wait3A_97 : memref<10240x128xf32, #tpu.memory_space<vmem_shared>>)
          tpu.yield
        }) : () -> ()
      }
      %scan3A_42 = arith.constant 20 : i32
      "tpu.region"() ({
        %run_scoped3A = tpu.sem_alloc : memref<!tpu.dma_semaphore, #tpu.memory_space<semaphore_mem>>
        %dma_start3A_55 = arith.constant 40 : i32
        %dma_start3A_56 = arith.constant 0 : i32
        %dma_start3A_57 = tpu.memref_slice %arg3[%arg1, %dma_start3A_55, %dma_start3A_56] : memref<16x80x128xi32, #tpu.memory_space<hbm>> -> memref<1x40x128xi32, #tpu.memory_space<hbm>>
        %dma_start3A_58 = tpu.memref_squeeze %dma_start3A_57 : memref<1x40x128xi32, #tpu.memory_space<hbm>> -> memref<40x128xi32, #tpu.memory_space<hbm>>
        %dma_start3A_59 = arith.constant 40 : i32
        %dma_start3A_60 = arith.constant 0 : i32
        %dma_start3A_61 = tpu.memref_slice %arg3[%arg1, %dma_start3A_59, %dma_start3A_60] : memref<16x80x128xi32, #tpu.memory_space<hbm>> -> memref<1x40x128xi32, #tpu.memory_space<hbm>>
        %dma_start3A_62 = tpu.memref_squeeze %dma_start3A_61 : memref<1x40x128xi32, #tpu.memory_space<hbm>> -> memref<40x128xi32, #tpu.memory_space<hbm>>
        tpu.enqueue_dma source(%dma_start3A_62 : memref<40x128xi32, #tpu.memory_space<hbm>>) target(%arg9 : memref<40x128xi32, #tpu.memory_space<vmem>>) target_semaphore(%run_scoped3A : memref<!tpu.dma_semaphore, #tpu.memory_space<semaphore_mem>>)
        %dma_wait3A = arith.constant 40 : i32
        %dma_wait3A_63 = arith.constant 0 : i32
        %dma_wait3A_64 = tpu.memref_slice %arg3[%arg1, %dma_wait3A, %dma_wait3A_63] : memref<16x80x128xi32, #tpu.memory_space<hbm>> -> memref<1x40x128xi32, #tpu.memory_space<hbm>>
        %dma_wait3A_65 = tpu.memref_squeeze %dma_wait3A_64 : memref<1x40x128xi32, #tpu.memory_space<hbm>> -> memref<40x128xi32, #tpu.memory_space<hbm>>
        %dma_wait3A_66 = arith.constant 40 : i32
        %dma_wait3A_67 = arith.constant 0 : i32
        %dma_wait3A_68 = tpu.memref_slice %arg3[%arg1, %dma_wait3A_66, %dma_wait3A_67] : memref<16x80x128xi32, #tpu.memory_space<hbm>> -> memref<1x40x128xi32, #tpu.memory_space<hbm>>
        %dma_wait3A_69 = tpu.memref_squeeze %dma_wait3A_68 : memref<1x40x128xi32, #tpu.memory_space<hbm>> -> memref<40x128xi32, #tpu.memory_space<hbm>>
        tpu.wait_dma2 semaphore(%run_scoped3A : memref<!tpu.dma_semaphore, #tpu.memory_space<semaphore_mem>>) src(%dma_wait3A_69 : memref<40x128xi32, #tpu.memory_space<hbm>>) dst(%arg9 : memref<40x128xi32, #tpu.memory_space<vmem>>)
        tpu.yield
      }) : () -> ()
      "tpu.region"() ({
        %run_scoped3A = tpu.sem_alloc : memref<!tpu.dma_semaphore, #tpu.memory_space<semaphore_mem>>
        %dma_start3A_55 = arith.constant 40 : i32
        %dma_start3A_56 = arith.constant 0 : i32
        %dma_start3A_57 = tpu.memref_slice %arg4[%arg1, %dma_start3A_55, %dma_start3A_56] : memref<16x80x128xi32, #tpu.memory_space<hbm>> -> memref<1x40x128xi32, #tpu.memory_space<hbm>>
        %dma_start3A_58 = tpu.memref_squeeze %dma_start3A_57 : memref<1x40x128xi32, #tpu.memory_space<hbm>> -> memref<40x128xi32, #tpu.memory_space<hbm>>
        %dma_start3A_59 = arith.constant 40 : i32
        %dma_start3A_60 = arith.constant 0 : i32
        %dma_start3A_61 = tpu.memref_slice %arg4[%arg1, %dma_start3A_59, %dma_start3A_60] : memref<16x80x128xi32, #tpu.memory_space<hbm>> -> memref<1x40x128xi32, #tpu.memory_space<hbm>>
        %dma_start3A_62 = tpu.memref_squeeze %dma_start3A_61 : memref<1x40x128xi32, #tpu.memory_space<hbm>> -> memref<40x128xi32, #tpu.memory_space<hbm>>
        tpu.enqueue_dma source(%dma_start3A_62 : memref<40x128xi32, #tpu.memory_space<hbm>>) target(%arg10 : memref<40x128xi32, #tpu.memory_space<vmem>>) target_semaphore(%run_scoped3A : memref<!tpu.dma_semaphore, #tpu.memory_space<semaphore_mem>>)
        %dma_wait3A = arith.constant 40 : i32
        %dma_wait3A_63 = arith.constant 0 : i32
        %dma_wait3A_64 = tpu.memref_slice %arg4[%arg1, %dma_wait3A, %dma_wait3A_63] : memref<16x80x128xi32, #tpu.memory_space<hbm>> -> memref<1x40x128xi32, #tpu.memory_space<hbm>>
        %dma_wait3A_65 = tpu.memref_squeeze %dma_wait3A_64 : memref<1x40x128xi32, #tpu.memory_space<hbm>> -> memref<40x128xi32, #tpu.memory_space<hbm>>
        %dma_wait3A_66 = arith.constant 40 : i32
        %dma_wait3A_67 = arith.constant 0 : i32
        %dma_wait3A_68 = tpu.memref_slice %arg4[%arg1, %dma_wait3A_66, %dma_wait3A_67] : memref<16x80x128xi32, #tpu.memory_space<hbm>> -> memref<1x40x128xi32, #tpu.memory_space<hbm>>
        %dma_wait3A_69 = tpu.memref_squeeze %dma_wait3A_68 : memref<1x40x128xi32, #tpu.memory_space<hbm>> -> memref<40x128xi32, #tpu.memory_space<hbm>>
        tpu.wait_dma2 semaphore(%run_scoped3A : memref<!tpu.dma_semaphore, #tpu.memory_space<semaphore_mem>>) src(%dma_wait3A_69 : memref<40x128xi32, #tpu.memory_space<hbm>>) dst(%arg10 : memref<40x128xi32, #tpu.memory_space<vmem>>)
        tpu.yield
      }) : () -> ()
      %dma_start3A_43 = arith.constant 0 : i32
      %dma_start3A_44 = arith.constant 0 : i32
      %dma_start3A_45 = tpu.memref_slice %arg9[%dma_start3A_43, %dma_start3A_44] : memref<40x128xi32, #tpu.memory_space<vmem>> -> memref<1x128xi32, #tpu.memory_space<vmem>>
      %dma_start3A_46 = tpu.memref_squeeze %dma_start3A_45 : memref<1x128xi32, #tpu.memory_space<vmem>> -> memref<128xi32, #tpu.memory_space<vmem>>
      %dma_start3A_47 = arith.constant 0 : i32
      %dma_start3A_48 = arith.constant 0 : i32
      %dma_start3A_49 = tpu.memref_slice %arg2[%dma_start3A_47, %dma_start3A_48] : memref<20000x128xf32, #tpu.memory_space<hbm>> -> memref<20000x128xf32, #tpu.memory_space<hbm>>
      tpu.enqueue_indirect_dma source(%dma_start3A_49 : memref<20000x128xf32, #tpu.memory_space<hbm>>) target(%arg11 : memref<128x128xf32, #tpu.memory_space<vmem>>) offsets(%dma_start3A_46 : memref<128xi32, #tpu.memory_space<vmem>>) semaphore(%arg13 : memref<!tpu.dma_semaphore, #tpu.memory_space<semaphore_mem>>)
      %scan3A_50 = arith.constant 0 : i32
      %scan3A_51 = arith.constant 20 : i32
      %scan3A_52 = arith.addi %scan3A_50, %scan3A_51 : i32
      %scan3A_53 = arith.constant 1 : i32
      scf.for %scan3A_55 = %scan3A_50 to %scan3A_52 step %scan3A_53  : i32 {
        %mul3A_56 = arith.constant 1 : i32
        %mul3A_57 = arith.muli %scan3A_55, %mul3A_56 : i32
        %add3A_58 = arith.constant 0 : i32
        %add3A_59 = arith.addi %add3A_58, %mul3A_57 : i32
        %mul3A_60 = arith.constant 2 : i32
        %mul3A_61 = arith.muli %add3A_59, %mul3A_60 : i32
        %add3A_62 = arith.constant 1 : i32
        %add3A_63 = arith.addi %mul3A_61, %add3A_62 : i32
        %dma_start3A_64 = arith.constant 0 : i32
        %dma_start3A_65 = tpu.memref_slice %arg9[%add3A_63, %dma_start3A_64] : memref<40x128xi32, #tpu.memory_space<vmem>> -> memref<1x128xi32, #tpu.memory_space<vmem>>
        %dma_start3A_66 = tpu.memref_squeeze %dma_start3A_65 : memref<1x128xi32, #tpu.memory_space<vmem>> -> memref<128xi32, #tpu.memory_space<vmem>>
        %dma_start3A_67 = arith.constant 0 : i32
        %dma_start3A_68 = arith.constant 0 : i32
        %dma_start3A_69 = tpu.memref_slice %arg2[%dma_start3A_67, %dma_start3A_68] : memref<20000x128xf32, #tpu.memory_space<hbm>> -> memref<20000x128xf32, #tpu.memory_space<hbm>>
        tpu.enqueue_indirect_dma source(%dma_start3A_69 : memref<20000x128xf32, #tpu.memory_space<hbm>>) target(%arg12 : memref<128x128xf32, #tpu.memory_space<vmem>>) offsets(%dma_start3A_66 : memref<128xi32, #tpu.memory_space<vmem>>) semaphore(%arg13 : memref<!tpu.dma_semaphore, #tpu.memory_space<semaphore_mem>>)
        %dma_wait3A = arith.constant 0 : i32
        %dma_wait3A_70 = tpu.memref_slice %arg9[%mul3A_61, %dma_wait3A] : memref<40x128xi32, #tpu.memory_space<vmem>> -> memref<1x128xi32, #tpu.memory_space<vmem>>
        %dma_wait3A_71 = tpu.memref_squeeze %dma_wait3A_70 : memref<1x128xi32, #tpu.memory_space<vmem>> -> memref<128xi32, #tpu.memory_space<vmem>>
        %dma_wait3A_72 = arith.constant 0 : i32
        %dma_wait3A_73 = arith.constant 0 : i32
        %dma_wait3A_74 = tpu.memref_slice %arg2[%dma_wait3A_72, %dma_wait3A_73] : memref<20000x128xf32, #tpu.memory_space<hbm>> -> memref<20000x128xf32, #tpu.memory_space<hbm>>
        tpu.wait_indirect_dma semaphore(%arg13 : memref<!tpu.dma_semaphore, #tpu.memory_space<semaphore_mem>>) src(%dma_wait3A_74 : memref<20000x128xf32, #tpu.memory_space<hbm>>) dst(%arg11 : memref<128x128xf32, #tpu.memory_space<vmem>>)
        "tpu.region"() ({
          %run_scoped3A = tpu.sem_alloc : memref<!tpu.dma_semaphore, #tpu.memory_space<semaphore_mem>>
          %dma_start3A_86 = arith.constant 0 : i32
          %dma_start3A_87 = tpu.memref_slice %arg10[%mul3A_61, %dma_start3A_86] : memref<40x128xi32, #tpu.memory_space<vmem>> -> memref<1x128xi32, #tpu.memory_space<vmem>>
          %dma_start3A_88 = tpu.memref_squeeze %dma_start3A_87 : memref<1x128xi32, #tpu.memory_space<vmem>> -> memref<128xi32, #tpu.memory_space<vmem>>
          %dma_start3A_89 = arith.constant 0 : i32
          %dma_start3A_90 = arith.constant 0 : i32
          %dma_start3A_91 = tpu.memref_slice %arg8[%dma_start3A_89, %dma_start3A_90] : memref<10240x128xf32, #tpu.memory_space<vmem_shared>> -> memref<10240x128xf32, #tpu.memory_space<vmem_shared>>
          tpu.enqueue_indirect_dma source(%arg11 : memref<128x128xf32, #tpu.memory_space<vmem>>) target(%dma_start3A_91 : memref<10240x128xf32, #tpu.memory_space<vmem_shared>>) offsets(%dma_start3A_88 : memref<128xi32, #tpu.memory_space<vmem>>) semaphore(%run_scoped3A : memref<!tpu.dma_semaphore, #tpu.memory_space<semaphore_mem>>) {add = true}
          %dma_wait3A_92 = arith.constant 0 : i32
          %dma_wait3A_93 = tpu.memref_slice %arg10[%mul3A_61, %dma_wait3A_92] : memref<40x128xi32, #tpu.memory_space<vmem>> -> memref<1x128xi32, #tpu.memory_space<vmem>>
          %dma_wait3A_94 = tpu.memref_squeeze %dma_wait3A_93 : memref<1x128xi32, #tpu.memory_space<vmem>> -> memref<128xi32, #tpu.memory_space<vmem>>
          %dma_wait3A_95 = arith.constant 0 : i32
          %dma_wait3A_96 = arith.constant 0 : i32
          %dma_wait3A_97 = tpu.memref_slice %arg8[%dma_wait3A_95, %dma_wait3A_96] : memref<10240x128xf32, #tpu.memory_space<vmem_shared>> -> memref<10240x128xf32, #tpu.memory_space<vmem_shared>>
          tpu.wait_indirect_dma semaphore(%run_scoped3A : memref<!tpu.dma_semaphore, #tpu.memory_space<semaphore_mem>>) src(%arg11 : memref<128x128xf32, #tpu.memory_space<vmem>>) dst(%dma_wait3A_97 : memref<10240x128xf32, #tpu.memory_space<vmem_shared>>)
          tpu.yield
        }) : () -> ()
        %lt3A_75 = arith.constant 19 : i32
        %lt3A_76 = arith.cmpi slt, %add3A_59, %lt3A_75 : i32
        %convert_element_type3A_77 = arith.extui %lt3A_76 : i1 to i32
        %cond3A_78 = arith.constant 0 : i32
        %cond3A_79 = arith.cmpi ne, %convert_element_type3A_77, %cond3A_78 : i32
        scf.if %cond3A_79 {
          %add3A_86 = arith.constant 2 : i32
          %add3A_87 = arith.addi %mul3A_61, %add3A_86 : i32
          %dma_start3A_88 = arith.constant 0 : i32
          %dma_start3A_89 = tpu.memref_slice %arg9[%add3A_87, %dma_start3A_88] : memref<40x128xi32, #tpu.memory_space<vmem>> -> memref<1x128xi32, #tpu.memory_space<vmem>>
          %dma_start3A_90 = tpu.memref_squeeze %dma_start3A_89 : memref<1x128xi32, #tpu.memory_space<vmem>> -> memref<128xi32, #tpu.memory_space<vmem>>
          %dma_start3A_91 = arith.constant 0 : i32
          %dma_start3A_92 = arith.constant 0 : i32
          %dma_start3A_93 = tpu.memref_slice %arg2[%dma_start3A_91, %dma_start3A_92] : memref<20000x128xf32, #tpu.memory_space<hbm>> -> memref<20000x128xf32, #tpu.memory_space<hbm>>
          tpu.enqueue_indirect_dma source(%dma_start3A_93 : memref<20000x128xf32, #tpu.memory_space<hbm>>) target(%arg11 : memref<128x128xf32, #tpu.memory_space<vmem>>) offsets(%dma_start3A_90 : memref<128xi32, #tpu.memory_space<vmem>>) semaphore(%arg13 : memref<!tpu.dma_semaphore, #tpu.memory_space<semaphore_mem>>)
        } else {
        }
        %dma_wait3A_80 = arith.constant 0 : i32
        %dma_wait3A_81 = tpu.memref_slice %arg9[%add3A_63, %dma_wait3A_80] : memref<40x128xi32, #tpu.memory_space<vmem>> -> memref<1x128xi32, #tpu.memory_space<vmem>>
        %dma_wait3A_82 = tpu.memref_squeeze %dma_wait3A_81 : memref<1x128xi32, #tpu.memory_space<vmem>> -> memref<128xi32, #tpu.memory_space<vmem>>
        %dma_wait3A_83 = arith.constant 0 : i32
        %dma_wait3A_84 = arith.constant 0 : i32
        %dma_wait3A_85 = tpu.memref_slice %arg2[%dma_wait3A_83, %dma_wait3A_84] : memref<20000x128xf32, #tpu.memory_space<hbm>> -> memref<20000x128xf32, #tpu.memory_space<hbm>>
        tpu.wait_indirect_dma semaphore(%arg13 : memref<!tpu.dma_semaphore, #tpu.memory_space<semaphore_mem>>) src(%dma_wait3A_85 : memref<20000x128xf32, #tpu.memory_space<hbm>>) dst(%arg12 : memref<128x128xf32, #tpu.memory_space<vmem>>)
        "tpu.region"() ({
          %run_scoped3A = tpu.sem_alloc : memref<!tpu.dma_semaphore, #tpu.memory_space<semaphore_mem>>
          %dma_start3A_86 = arith.constant 0 : i32
          %dma_start3A_87 = tpu.memref_slice %arg10[%add3A_63, %dma_start3A_86] : memref<40x128xi32, #tpu.memory_space<vmem>> -> memref<1x128xi32, #tpu.memory_space<vmem>>
          %dma_start3A_88 = tpu.memref_squeeze %dma_start3A_87 : memref<1x128xi32, #tpu.memory_space<vmem>> -> memref<128xi32, #tpu.memory_space<vmem>>
          %dma_start3A_89 = arith.constant 0 : i32
          %dma_start3A_90 = arith.constant 0 : i32
          %dma_start3A_91 = tpu.memref_slice %arg8[%dma_start3A_89, %dma_start3A_90] : memref<10240x128xf32, #tpu.memory_space<vmem_shared>> -> memref<10240x128xf32, #tpu.memory_space<vmem_shared>>
          tpu.enqueue_indirect_dma source(%arg12 : memref<128x128xf32, #tpu.memory_space<vmem>>) target(%dma_start3A_91 : memref<10240x128xf32, #tpu.memory_space<vmem_shared>>) offsets(%dma_start3A_88 : memref<128xi32, #tpu.memory_space<vmem>>) semaphore(%run_scoped3A : memref<!tpu.dma_semaphore, #tpu.memory_space<semaphore_mem>>) {add = true}
          %dma_wait3A_92 = arith.constant 0 : i32
          %dma_wait3A_93 = tpu.memref_slice %arg10[%add3A_63, %dma_wait3A_92] : memref<40x128xi32, #tpu.memory_space<vmem>> -> memref<1x128xi32, #tpu.memory_space<vmem>>
          %dma_wait3A_94 = tpu.memref_squeeze %dma_wait3A_93 : memref<1x128xi32, #tpu.memory_space<vmem>> -> memref<128xi32, #tpu.memory_space<vmem>>
          %dma_wait3A_95 = arith.constant 0 : i32
          %dma_wait3A_96 = arith.constant 0 : i32
          %dma_wait3A_97 = tpu.memref_slice %arg8[%dma_wait3A_95, %dma_wait3A_96] : memref<10240x128xf32, #tpu.memory_space<vmem_shared>> -> memref<10240x128xf32, #tpu.memory_space<vmem_shared>>
          tpu.wait_indirect_dma semaphore(%run_scoped3A : memref<!tpu.dma_semaphore, #tpu.memory_space<semaphore_mem>>) src(%arg12 : memref<128x128xf32, #tpu.memory_space<vmem>>) dst(%dma_wait3A_97 : memref<10240x128xf32, #tpu.memory_space<vmem_shared>>)
          tpu.yield
        }) : () -> ()
      }
      %scan3A_54 = arith.constant 20 : i32
    } else {
    }
    %eq3A_17 = arith.constant 1 : i32
    %eq3A_18 = arith.cmpi eq, %arg0, %eq3A_17 : i32
    %convert_element_type3A_19 = arith.extui %eq3A_18 : i1 to i32
    %cond3A_20 = arith.constant 0 : i32
    %cond3A_21 = arith.cmpi ne, %convert_element_type3A_19, %cond3A_20 : i32
    scf.if %cond3A_21 {
      "tpu.region"() ({
        %run_scoped3A = tpu.sem_alloc : memref<!tpu.dma_semaphore, #tpu.memory_space<semaphore_mem>>
        %dma_start3A_43 = arith.constant 0 : i32
        %dma_start3A_44 = arith.constant 0 : i32
        %dma_start3A_45 = tpu.memref_slice %arg5[%arg1, %dma_start3A_43, %dma_start3A_44] : memref<16x40x128xi32, #tpu.memory_space<hbm>> -> memref<1x40x128xi32, #tpu.memory_space<hbm>>
        %dma_start3A_46 = tpu.memref_squeeze %dma_start3A_45 : memref<1x40x128xi32, #tpu.memory_space<hbm>> -> memref<40x128xi32, #tpu.memory_space<hbm>>
        %dma_start3A_47 = arith.constant 0 : i32
        %dma_start3A_48 = arith.constant 0 : i32
        %dma_start3A_49 = tpu.memref_slice %arg5[%arg1, %dma_start3A_47, %dma_start3A_48] : memref<16x40x128xi32, #tpu.memory_space<hbm>> -> memref<1x40x128xi32, #tpu.memory_space<hbm>>
        %dma_start3A_50 = tpu.memref_squeeze %dma_start3A_49 : memref<1x40x128xi32, #tpu.memory_space<hbm>> -> memref<40x128xi32, #tpu.memory_space<hbm>>
        tpu.enqueue_dma source(%dma_start3A_50 : memref<40x128xi32, #tpu.memory_space<hbm>>) target(%arg9 : memref<40x128xi32, #tpu.memory_space<vmem>>) target_semaphore(%run_scoped3A : memref<!tpu.dma_semaphore, #tpu.memory_space<semaphore_mem>>)
        %dma_wait3A = arith.constant 0 : i32
        %dma_wait3A_51 = arith.constant 0 : i32
        %dma_wait3A_52 = tpu.memref_slice %arg5[%arg1, %dma_wait3A, %dma_wait3A_51] : memref<16x40x128xi32, #tpu.memory_space<hbm>> -> memref<1x40x128xi32, #tpu.memory_space<hbm>>
        %dma_wait3A_53 = tpu.memref_squeeze %dma_wait3A_52 : memref<1x40x128xi32, #tpu.memory_space<hbm>> -> memref<40x128xi32, #tpu.memory_space<hbm>>
        %dma_wait3A_54 = arith.constant 0 : i32
        %dma_wait3A_55 = arith.constant 0 : i32
        %dma_wait3A_56 = tpu.memref_slice %arg5[%arg1, %dma_wait3A_54, %dma_wait3A_55] : memref<16x40x128xi32, #tpu.memory_space<hbm>> -> memref<1x40x128xi32, #tpu.memory_space<hbm>>
        %dma_wait3A_57 = tpu.memref_squeeze %dma_wait3A_56 : memref<1x40x128xi32, #tpu.memory_space<hbm>> -> memref<40x128xi32, #tpu.memory_space<hbm>>
        tpu.wait_dma2 semaphore(%run_scoped3A : memref<!tpu.dma_semaphore, #tpu.memory_space<semaphore_mem>>) src(%dma_wait3A_57 : memref<40x128xi32, #tpu.memory_space<hbm>>) dst(%arg9 : memref<40x128xi32, #tpu.memory_space<vmem>>)
        tpu.yield
      }) : () -> ()
      "tpu.region"() ({
        %run_scoped3A = tpu.sem_alloc : memref<!tpu.dma_semaphore, #tpu.memory_space<semaphore_mem>>
        %dma_start3A_43 = arith.constant 0 : i32
        %dma_start3A_44 = arith.constant 0 : i32
        %dma_start3A_45 = tpu.memref_slice %arg6[%arg1, %dma_start3A_43, %dma_start3A_44] : memref<16x40x128xi32, #tpu.memory_space<hbm>> -> memref<1x40x128xi32, #tpu.memory_space<hbm>>
        %dma_start3A_46 = tpu.memref_squeeze %dma_start3A_45 : memref<1x40x128xi32, #tpu.memory_space<hbm>> -> memref<40x128xi32, #tpu.memory_space<hbm>>
        %dma_start3A_47 = arith.constant 0 : i32
        %dma_start3A_48 = arith.constant 0 : i32
        %dma_start3A_49 = tpu.memref_slice %arg6[%arg1, %dma_start3A_47, %dma_start3A_48] : memref<16x40x128xi32, #tpu.memory_space<hbm>> -> memref<1x40x128xi32, #tpu.memory_space<hbm>>
        %dma_start3A_50 = tpu.memref_squeeze %dma_start3A_49 : memref<1x40x128xi32, #tpu.memory_space<hbm>> -> memref<40x128xi32, #tpu.memory_space<hbm>>
        tpu.enqueue_dma source(%dma_start3A_50 : memref<40x128xi32, #tpu.memory_space<hbm>>) target(%arg10 : memref<40x128xi32, #tpu.memory_space<vmem>>) target_semaphore(%run_scoped3A : memref<!tpu.dma_semaphore, #tpu.memory_space<semaphore_mem>>)
        %dma_wait3A = arith.constant 0 : i32
        %dma_wait3A_51 = arith.constant 0 : i32
        %dma_wait3A_52 = tpu.memref_slice %arg6[%arg1, %dma_wait3A, %dma_wait3A_51] : memref<16x40x128xi32, #tpu.memory_space<hbm>> -> memref<1x40x128xi32, #tpu.memory_space<hbm>>
        %dma_wait3A_53 = tpu.memref_squeeze %dma_wait3A_52 : memref<1x40x128xi32, #tpu.memory_space<hbm>> -> memref<40x128xi32, #tpu.memory_space<hbm>>
        %dma_wait3A_54 = arith.constant 0 : i32
        %dma_wait3A_55 = arith.constant 0 : i32
        %dma_wait3A_56 = tpu.memref_slice %arg6[%arg1, %dma_wait3A_54, %dma_wait3A_55] : memref<16x40x128xi32, #tpu.memory_space<hbm>> -> memref<1x40x128xi32, #tpu.memory_space<hbm>>
        %dma_wait3A_57 = tpu.memref_squeeze %dma_wait3A_56 : memref<1x40x128xi32, #tpu.memory_space<hbm>> -> memref<40x128xi32, #tpu.memory_space<hbm>>
        tpu.wait_dma2 semaphore(%run_scoped3A : memref<!tpu.dma_semaphore, #tpu.memory_space<semaphore_mem>>) src(%dma_wait3A_57 : memref<40x128xi32, #tpu.memory_space<hbm>>) dst(%arg10 : memref<40x128xi32, #tpu.memory_space<vmem>>)
        tpu.yield
      }) : () -> ()
      %dma_start3A = arith.constant 0 : i32
      %dma_start3A_32 = arith.constant 0 : i32
      %dma_start3A_33 = tpu.memref_slice %arg9[%dma_start3A, %dma_start3A_32] : memref<40x128xi32, #tpu.memory_space<vmem>> -> memref<1x128xi32, #tpu.memory_space<vmem>>
      %dma_start3A_34 = tpu.memref_squeeze %dma_start3A_33 : memref<1x128xi32, #tpu.memory_space<vmem>> -> memref<128xi32, #tpu.memory_space<vmem>>
      %dma_start3A_35 = arith.constant 0 : i32
      %dma_start3A_36 = arith.constant 0 : i32
      %dma_start3A_37 = tpu.memref_slice %arg2[%dma_start3A_35, %dma_start3A_36] : memref<20000x128xf32, #tpu.memory_space<hbm>> -> memref<20000x128xf32, #tpu.memory_space<hbm>>
      tpu.enqueue_indirect_dma source(%dma_start3A_37 : memref<20000x128xf32, #tpu.memory_space<hbm>>) target(%arg11 : memref<128x128xf32, #tpu.memory_space<vmem>>) offsets(%dma_start3A_34 : memref<128xi32, #tpu.memory_space<vmem>>) semaphore(%arg13 : memref<!tpu.dma_semaphore, #tpu.memory_space<semaphore_mem>>)
      %scan3A_38 = arith.constant 0 : i32
      %scan3A_39 = arith.constant 20 : i32
      %scan3A_40 = arith.addi %scan3A_38, %scan3A_39 : i32
      %scan3A_41 = arith.constant 1 : i32
      scf.for %scan3A_43 = %scan3A_38 to %scan3A_40 step %scan3A_41  : i32 {
        %mul3A_44 = arith.constant 1 : i32
        %mul3A_45 = arith.muli %scan3A_43, %mul3A_44 : i32
        %add3A_46 = arith.constant 0 : i32
        %add3A_47 = arith.addi %add3A_46, %mul3A_45 : i32
        %mul3A_48 = arith.constant 2 : i32
        %mul3A_49 = arith.muli %add3A_47, %mul3A_48 : i32
        %add3A_50 = arith.constant 1 : i32
        %add3A_51 = arith.addi %mul3A_49, %add3A_50 : i32
        %dma_start3A_52 = arith.constant 0 : i32
        %dma_start3A_53 = tpu.memref_slice %arg9[%add3A_51, %dma_start3A_52] : memref<40x128xi32, #tpu.memory_space<vmem>> -> memref<1x128xi32, #tpu.memory_space<vmem>>
        %dma_start3A_54 = tpu.memref_squeeze %dma_start3A_53 : memref<1x128xi32, #tpu.memory_space<vmem>> -> memref<128xi32, #tpu.memory_space<vmem>>
        %dma_start3A_55 = arith.constant 0 : i32
        %dma_start3A_56 = arith.constant 0 : i32
        %dma_start3A_57 = tpu.memref_slice %arg2[%dma_start3A_55, %dma_start3A_56] : memref<20000x128xf32, #tpu.memory_space<hbm>> -> memref<20000x128xf32, #tpu.memory_space<hbm>>
        tpu.enqueue_indirect_dma source(%dma_start3A_57 : memref<20000x128xf32, #tpu.memory_space<hbm>>) target(%arg12 : memref<128x128xf32, #tpu.memory_space<vmem>>) offsets(%dma_start3A_54 : memref<128xi32, #tpu.memory_space<vmem>>) semaphore(%arg13 : memref<!tpu.dma_semaphore, #tpu.memory_space<semaphore_mem>>)
        %dma_wait3A = arith.constant 0 : i32
        %dma_wait3A_58 = tpu.memref_slice %arg9[%mul3A_49, %dma_wait3A] : memref<40x128xi32, #tpu.memory_space<vmem>> -> memref<1x128xi32, #tpu.memory_space<vmem>>
        %dma_wait3A_59 = tpu.memref_squeeze %dma_wait3A_58 : memref<1x128xi32, #tpu.memory_space<vmem>> -> memref<128xi32, #tpu.memory_space<vmem>>
        %dma_wait3A_60 = arith.constant 0 : i32
        %dma_wait3A_61 = arith.constant 0 : i32
        %dma_wait3A_62 = tpu.memref_slice %arg2[%dma_wait3A_60, %dma_wait3A_61] : memref<20000x128xf32, #tpu.memory_space<hbm>> -> memref<20000x128xf32, #tpu.memory_space<hbm>>
        tpu.wait_indirect_dma semaphore(%arg13 : memref<!tpu.dma_semaphore, #tpu.memory_space<semaphore_mem>>) src(%dma_wait3A_62 : memref<20000x128xf32, #tpu.memory_space<hbm>>) dst(%arg11 : memref<128x128xf32, #tpu.memory_space<vmem>>)
        "tpu.region"() ({
          %run_scoped3A = tpu.sem_alloc : memref<!tpu.dma_semaphore, #tpu.memory_space<semaphore_mem>>
          %dma_start3A_74 = arith.constant 0 : i32
          %dma_start3A_75 = tpu.memref_slice %arg10[%mul3A_49, %dma_start3A_74] : memref<40x128xi32, #tpu.memory_space<vmem>> -> memref<1x128xi32, #tpu.memory_space<vmem>>
          %dma_start3A_76 = tpu.memref_squeeze %dma_start3A_75 : memref<1x128xi32, #tpu.memory_space<vmem>> -> memref<128xi32, #tpu.memory_space<vmem>>
          %dma_start3A_77 = arith.constant 0 : i32
          %dma_start3A_78 = arith.constant 0 : i32
          %dma_start3A_79 = tpu.memref_slice %arg8[%dma_start3A_77, %dma_start3A_78] : memref<10240x128xf32, #tpu.memory_space<vmem_shared>> -> memref<10240x128xf32, #tpu.memory_space<vmem_shared>>
          tpu.enqueue_indirect_dma source(%arg11 : memref<128x128xf32, #tpu.memory_space<vmem>>) target(%dma_start3A_79 : memref<10240x128xf32, #tpu.memory_space<vmem_shared>>) offsets(%dma_start3A_76 : memref<128xi32, #tpu.memory_space<vmem>>) semaphore(%run_scoped3A : memref<!tpu.dma_semaphore, #tpu.memory_space<semaphore_mem>>) {add = true}
          %dma_wait3A_80 = arith.constant 0 : i32
          %dma_wait3A_81 = tpu.memref_slice %arg10[%mul3A_49, %dma_wait3A_80] : memref<40x128xi32, #tpu.memory_space<vmem>> -> memref<1x128xi32, #tpu.memory_space<vmem>>
          %dma_wait3A_82 = tpu.memref_squeeze %dma_wait3A_81 : memref<1x128xi32, #tpu.memory_space<vmem>> -> memref<128xi32, #tpu.memory_space<vmem>>
          %dma_wait3A_83 = arith.constant 0 : i32
          %dma_wait3A_84 = arith.constant 0 : i32
          %dma_wait3A_85 = tpu.memref_slice %arg8[%dma_wait3A_83, %dma_wait3A_84] : memref<10240x128xf32, #tpu.memory_space<vmem_shared>> -> memref<10240x128xf32, #tpu.memory_space<vmem_shared>>
          tpu.wait_indirect_dma semaphore(%run_scoped3A : memref<!tpu.dma_semaphore, #tpu.memory_space<semaphore_mem>>) src(%arg11 : memref<128x128xf32, #tpu.memory_space<vmem>>) dst(%dma_wait3A_85 : memref<10240x128xf32, #tpu.memory_space<vmem_shared>>)
          tpu.yield
        }) : () -> ()
        %lt3A_63 = arith.constant 19 : i32
        %lt3A_64 = arith.cmpi slt, %add3A_47, %lt3A_63 : i32
        %convert_element_type3A_65 = arith.extui %lt3A_64 : i1 to i32
        %cond3A_66 = arith.constant 0 : i32
        %cond3A_67 = arith.cmpi ne, %convert_element_type3A_65, %cond3A_66 : i32
        scf.if %cond3A_67 {
          %add3A_74 = arith.constant 2 : i32
          %add3A_75 = arith.addi %mul3A_49, %add3A_74 : i32
          %dma_start3A_76 = arith.constant 0 : i32
          %dma_start3A_77 = tpu.memref_slice %arg9[%add3A_75, %dma_start3A_76] : memref<40x128xi32, #tpu.memory_space<vmem>> -> memref<1x128xi32, #tpu.memory_space<vmem>>
          %dma_start3A_78 = tpu.memref_squeeze %dma_start3A_77 : memref<1x128xi32, #tpu.memory_space<vmem>> -> memref<128xi32, #tpu.memory_space<vmem>>
          %dma_start3A_79 = arith.constant 0 : i32
          %dma_start3A_80 = arith.constant 0 : i32
          %dma_start3A_81 = tpu.memref_slice %arg2[%dma_start3A_79, %dma_start3A_80] : memref<20000x128xf32, #tpu.memory_space<hbm>> -> memref<20000x128xf32, #tpu.memory_space<hbm>>
          tpu.enqueue_indirect_dma source(%dma_start3A_81 : memref<20000x128xf32, #tpu.memory_space<hbm>>) target(%arg11 : memref<128x128xf32, #tpu.memory_space<vmem>>) offsets(%dma_start3A_78 : memref<128xi32, #tpu.memory_space<vmem>>) semaphore(%arg13 : memref<!tpu.dma_semaphore, #tpu.memory_space<semaphore_mem>>)
        } else {
        }
        %dma_wait3A_68 = arith.constant 0 : i32
        %dma_wait3A_69 = tpu.memref_slice %arg9[%add3A_51, %dma_wait3A_68] : memref<40x128xi32, #tpu.memory_space<vmem>> -> memref<1x128xi32, #tpu.memory_space<vmem>>
        %dma_wait3A_70 = tpu.memref_squeeze %dma_wait3A_69 : memref<1x128xi32, #tpu.memory_space<vmem>> -> memref<128xi32, #tpu.memory_space<vmem>>
        %dma_wait3A_71 = arith.constant 0 : i32
        %dma_wait3A_72 = arith.constant 0 : i32
        %dma_wait3A_73 = tpu.memref_slice %arg2[%dma_wait3A_71, %dma_wait3A_72] : memref<20000x128xf32, #tpu.memory_space<hbm>> -> memref<20000x128xf32, #tpu.memory_space<hbm>>
        tpu.wait_indirect_dma semaphore(%arg13 : memref<!tpu.dma_semaphore, #tpu.memory_space<semaphore_mem>>) src(%dma_wait3A_73 : memref<20000x128xf32, #tpu.memory_space<hbm>>) dst(%arg12 : memref<128x128xf32, #tpu.memory_space<vmem>>)
        "tpu.region"() ({
          %run_scoped3A = tpu.sem_alloc : memref<!tpu.dma_semaphore, #tpu.memory_space<semaphore_mem>>
          %dma_start3A_74 = arith.constant 0 : i32
          %dma_start3A_75 = tpu.memref_slice %arg10[%add3A_51, %dma_start3A_74] : memref<40x128xi32, #tpu.memory_space<vmem>> -> memref<1x128xi32, #tpu.memory_space<vmem>>
          %dma_start3A_76 = tpu.memref_squeeze %dma_start3A_75 : memref<1x128xi32, #tpu.memory_space<vmem>> -> memref<128xi32, #tpu.memory_space<vmem>>
          %dma_start3A_77 = arith.constant 0 : i32
          %dma_start3A_78 = arith.constant 0 : i32
          %dma_start3A_79 = tpu.memref_slice %arg8[%dma_start3A_77, %dma_start3A_78] : memref<10240x128xf32, #tpu.memory_space<vmem_shared>> -> memref<10240x128xf32, #tpu.memory_space<vmem_shared>>
          tpu.enqueue_indirect_dma source(%arg12 : memref<128x128xf32, #tpu.memory_space<vmem>>) target(%dma_start3A_79 : memref<10240x128xf32, #tpu.memory_space<vmem_shared>>) offsets(%dma_start3A_76 : memref<128xi32, #tpu.memory_space<vmem>>) semaphore(%run_scoped3A : memref<!tpu.dma_semaphore, #tpu.memory_space<semaphore_mem>>) {add = true}
          %dma_wait3A_80 = arith.constant 0 : i32
          %dma_wait3A_81 = tpu.memref_slice %arg10[%add3A_51, %dma_wait3A_80] : memref<40x128xi32, #tpu.memory_space<vmem>> -> memref<1x128xi32, #tpu.memory_space<vmem>>
          %dma_wait3A_82 = tpu.memref_squeeze %dma_wait3A_81 : memref<1x128xi32, #tpu.memory_space<vmem>> -> memref<128xi32, #tpu.memory_space<vmem>>
          %dma_wait3A_83 = arith.constant 0 : i32
          %dma_wait3A_84 = arith.constant 0 : i32
          %dma_wait3A_85 = tpu.memref_slice %arg8[%dma_wait3A_83, %dma_wait3A_84] : memref<10240x128xf32, #tpu.memory_space<vmem_shared>> -> memref<10240x128xf32, #tpu.memory_space<vmem_shared>>
          tpu.wait_indirect_dma semaphore(%run_scoped3A : memref<!tpu.dma_semaphore, #tpu.memory_space<semaphore_mem>>) src(%arg12 : memref<128x128xf32, #tpu.memory_space<vmem>>) dst(%dma_wait3A_85 : memref<10240x128xf32, #tpu.memory_space<vmem_shared>>)
          tpu.yield
        }) : () -> ()
      }
      %scan3A_42 = arith.constant 20 : i32
    } else {
    }
    %barrier3A_22 = arith.constant 0 : index
    tpu.barrier barrier_id(%barrier3A_22)
    %lt3A = arith.constant 15 : i32
    %lt3A_23 = arith.cmpi slt, %arg1, %lt3A : i32
    %convert_element_type3A_24 = arith.extui %lt3A_23 : i1 to i32
    %cond3A_25 = arith.constant 0 : i32
    %cond3A_26 = arith.cmpi ne, %convert_element_type3A_24, %cond3A_25 : i32
    scf.if %cond3A_26 {
      %mul3A_32 = arith.constant 640 : i32
      %mul3A_33 = arith.muli %arg1, %mul3A_32 : i32
      %mul3A_34 = arith.constant 640 : i32
      %mul3A_35 = arith.muli %arg1, %mul3A_34 : i32
      "tpu.region"() ({
        %run_scoped3A = tpu.sem_alloc : memref<!tpu.dma_semaphore, #tpu.memory_space<semaphore_mem>>
        %dma_start3A = arith.constant 0 : i32
        %dma_start3A_36 = tpu.memref_slice %arg7[%arg0, %mul3A_35, %dma_start3A] : memref<2x10000x128xf32, #tpu.memory_space<hbm>> -> memref<1x640x128xf32, #tpu.memory_space<hbm>>
        %dma_start3A_37 = tpu.memref_squeeze %dma_start3A_36 : memref<1x640x128xf32, #tpu.memory_space<hbm>> -> memref<640x128xf32, #tpu.memory_space<hbm>>
        %dma_start3A_38 = arith.constant 0 : i32
        %dma_start3A_39 = tpu.memref_slice %arg8[%mul3A_33, %dma_start3A_38] : memref<10240x128xf32, #tpu.memory_space<vmem_shared>> -> memref<640x128xf32, #tpu.memory_space<vmem_shared>>
        tpu.enqueue_dma source(%dma_start3A_39 : memref<640x128xf32, #tpu.memory_space<vmem_shared>>) target(%dma_start3A_37 : memref<640x128xf32, #tpu.memory_space<hbm>>) target_semaphore(%run_scoped3A : memref<!tpu.dma_semaphore, #tpu.memory_space<semaphore_mem>>)
        %dma_wait3A = arith.constant 0 : i32
        %dma_wait3A_40 = tpu.memref_slice %arg7[%arg0, %mul3A_35, %dma_wait3A] : memref<2x10000x128xf32, #tpu.memory_space<hbm>> -> memref<1x640x128xf32, #tpu.memory_space<hbm>>
        %dma_wait3A_41 = tpu.memref_squeeze %dma_wait3A_40 : memref<1x640x128xf32, #tpu.memory_space<hbm>> -> memref<640x128xf32, #tpu.memory_space<hbm>>
        %dma_wait3A_42 = arith.constant 0 : i32
        %dma_wait3A_43 = tpu.memref_slice %arg8[%mul3A_33, %dma_wait3A_42] : memref<10240x128xf32, #tpu.memory_space<vmem_shared>> -> memref<640x128xf32, #tpu.memory_space<vmem_shared>>
        tpu.wait_dma2 semaphore(%run_scoped3A : memref<!tpu.dma_semaphore, #tpu.memory_space<semaphore_mem>>) src(%dma_wait3A_43 : memref<640x128xf32, #tpu.memory_space<vmem_shared>>) dst(%dma_wait3A_41 : memref<640x128xf32, #tpu.memory_space<hbm>>)
        tpu.yield
      }) : () -> ()
    } else {
    }
    %eq3A_27 = arith.constant 15 : i32
    %eq3A_28 = arith.cmpi eq, %arg1, %eq3A_27 : i32
    %convert_element_type3A_29 = arith.extui %eq3A_28 : i1 to i32
    %cond3A_30 = arith.constant 0 : i32
    %cond3A_31 = arith.cmpi ne, %convert_element_type3A_29, %cond3A_30 : i32
    scf.if %cond3A_31 {
      "tpu.region"() ({
        %run_scoped3A = tpu.sem_alloc : memref<!tpu.dma_semaphore, #tpu.memory_space<semaphore_mem>>
        %dma_start3A = arith.constant 9600 : i32
        %dma_start3A_32 = arith.constant 0 : i32
        %dma_start3A_33 = tpu.memref_slice %arg7[%arg0, %dma_start3A, %dma_start3A_32] : memref<2x10000x128xf32, #tpu.memory_space<hbm>> -> memref<1x400x128xf32, #tpu.memory_space<hbm>>
        %dma_start3A_34 = tpu.memref_squeeze %dma_start3A_33 : memref<1x400x128xf32, #tpu.memory_space<hbm>> -> memref<400x128xf32, #tpu.memory_space<hbm>>
        %dma_start3A_35 = arith.constant 9600 : i32
        %dma_start3A_36 = arith.constant 0 : i32
        %dma_start3A_37 = tpu.memref_slice %arg8[%dma_start3A_35, %dma_start3A_36] : memref<10240x128xf32, #tpu.memory_space<vmem_shared>> -> memref<400x128xf32, #tpu.memory_space<vmem_shared>>
        tpu.enqueue_dma source(%dma_start3A_37 : memref<400x128xf32, #tpu.memory_space<vmem_shared>>) target(%dma_start3A_34 : memref<400x128xf32, #tpu.memory_space<hbm>>) target_semaphore(%run_scoped3A : memref<!tpu.dma_semaphore, #tpu.memory_space<semaphore_mem>>)
        %dma_wait3A = arith.constant 9600 : i32
        %dma_wait3A_38 = arith.constant 0 : i32
        %dma_wait3A_39 = tpu.memref_slice %arg7[%arg0, %dma_wait3A, %dma_wait3A_38] : memref<2x10000x128xf32, #tpu.memory_space<hbm>> -> memref<1x400x128xf32, #tpu.memory_space<hbm>>
        %dma_wait3A_40 = tpu.memref_squeeze %dma_wait3A_39 : memref<1x400x128xf32, #tpu.memory_space<hbm>> -> memref<400x128xf32, #tpu.memory_space<hbm>>
        %dma_wait3A_41 = arith.constant 9600 : i32
        %dma_wait3A_42 = arith.constant 0 : i32
        %dma_wait3A_43 = tpu.memref_slice %arg8[%dma_wait3A_41, %dma_wait3A_42] : memref<10240x128xf32, #tpu.memory_space<vmem_shared>> -> memref<400x128xf32, #tpu.memory_space<vmem_shared>>
        tpu.wait_dma2 semaphore(%run_scoped3A : memref<!tpu.dma_semaphore, #tpu.memory_space<semaphore_mem>>) src(%dma_wait3A_43 : memref<400x128xf32, #tpu.memory_space<vmem_shared>>) dst(%dma_wait3A_40 : memref<400x128xf32, #tpu.memory_space<hbm>>)
        tpu.yield
      }) : () -> ()
    } else {
    }
    return
  }
}

#map = affine_map<(d0, d1) -> (0, 0)>
#map1 = affine_map<(d0, d1) -> (0, 0, 0, 0)>
#map2 = affine_map<(d0, d1) -> (0, 0, 0)>
module attributes {stable_mosaic.version = 14 : i64} {
  func.func @body(%arg0: i32, %arg1: i32, %arg2: memref<20000x128xi32, #tpu.memory_space<hbm>>, %arg3: memref<2x16x20x128xi32, #tpu.memory_space<hbm>>, %arg4: memref<2x16x20x128xi32, #tpu.memory_space<hbm>>, %arg5: memref<2x10000x128xi32, #tpu.memory_space<hbm>>, %arg6: memref<10240x128xi32, #tpu.memory_space<vmem_shared>>, %arg7: memref<20x128xi32, #tpu.memory_space<vmem>>, %arg8: memref<20x128xi32, #tpu.memory_space<vmem>>, %arg9: memref<128x128xi32, #tpu.memory_space<vmem>>, %arg10: memref<128x128xi32, #tpu.memory_space<vmem>>, %arg11: memref<!tpu.dma_semaphore, #tpu.memory_space<semaphore_mem>>) attributes {dimension_semantics = [#tpu.dimension_semantics<core_parallel>, #tpu.dimension_semantics<subcore_parallel>], iteration_bounds = array<i64: 2, 16>, scalar_prefetch = 0 : i64, scratch_operands = 6 : i64, tpu.core_type = #tpu.core_type<sc_vector_subcore>, window_params = [{transform_indices = #map}, {transform_indices = #map1}, {transform_indices = #map1}, {transform_indices = #map2}]} {
    %broadcast_in_dim3A = arith.constant 0 : i32
    %broadcast_in_dim3A_0 = vector.broadcast %broadcast_in_dim3A : i32 to vector<16xi32>
    %scan3A = arith.constant 0 : i32
    %scan3A_1 = arith.constant 128 : i32
    %scan3A_2 = arith.addi %scan3A, %scan3A_1 : i32
    %scan3A_3 = arith.constant 1 : i32
    scf.for %scan3A_33 = %scan3A to %scan3A_2 step %scan3A_3  : i32 {
      %mul3A_34 = arith.constant 1 : i32
      %mul3A_35 = arith.muli %scan3A_33, %mul3A_34 : i32
      %add3A_36 = arith.constant 0 : i32
      %add3A_37 = arith.addi %add3A_36, %mul3A_35 : i32
      %swap3A = arith.index_cast %add3A_37 : i32 to index
      %swap3A_38 = arith.constant 0 : index
      %swap3A_39 = tpu.vector_load %arg9[%swap3A, %swap3A_38] {strides = array<i32>} : memref<128x128xi32, #tpu.memory_space<vmem>>, vector<1x16xi32>,
      %swap3A_40 = vector.shape_cast %swap3A_39 : vector<1x16xi32> to vector<16xi32>
      %swap3A_41 = vector.shape_cast %broadcast_in_dim3A_0 : vector<16xi32> to vector<1x16xi32>
      tpu.vector_store %arg9[%swap3A, %swap3A_38], %swap3A_41 {strides = array<i32>} : memref<128x128xi32, #tpu.memory_space<vmem>>, vector<1x16xi32>,
      %swap3A_42 = arith.index_cast %add3A_37 : i32 to index
      %swap3A_43 = arith.constant 16 : index
      %swap3A_44 = tpu.vector_load %arg9[%swap3A_42, %swap3A_43] {strides = array<i32>} : memref<128x128xi32, #tpu.memory_space<vmem>>, vector<1x16xi32>,
      %swap3A_45 = vector.shape_cast %swap3A_44 : vector<1x16xi32> to vector<16xi32>
      %swap3A_46 = vector.shape_cast %broadcast_in_dim3A_0 : vector<16xi32> to vector<1x16xi32>
      tpu.vector_store %arg9[%swap3A_42, %swap3A_43], %swap3A_46 {strides = array<i32>} : memref<128x128xi32, #tpu.memory_space<vmem>>, vector<1x16xi32>,
      %swap3A_47 = arith.index_cast %add3A_37 : i32 to index
      %swap3A_48 = arith.constant 32 : index
      %swap3A_49 = tpu.vector_load %arg9[%swap3A_47, %swap3A_48] {strides = array<i32>} : memref<128x128xi32, #tpu.memory_space<vmem>>, vector<1x16xi32>,
      %swap3A_50 = vector.shape_cast %swap3A_49 : vector<1x16xi32> to vector<16xi32>
      %swap3A_51 = vector.shape_cast %broadcast_in_dim3A_0 : vector<16xi32> to vector<1x16xi32>
      tpu.vector_store %arg9[%swap3A_47, %swap3A_48], %swap3A_51 {strides = array<i32>} : memref<128x128xi32, #tpu.memory_space<vmem>>, vector<1x16xi32>,
      %swap3A_52 = arith.index_cast %add3A_37 : i32 to index
      %swap3A_53 = arith.constant 48 : index
      %swap3A_54 = tpu.vector_load %arg9[%swap3A_52, %swap3A_53] {strides = array<i32>} : memref<128x128xi32, #tpu.memory_space<vmem>>, vector<1x16xi32>,
      %swap3A_55 = vector.shape_cast %swap3A_54 : vector<1x16xi32> to vector<16xi32>
      %swap3A_56 = vector.shape_cast %broadcast_in_dim3A_0 : vector<16xi32> to vector<1x16xi32>
      tpu.vector_store %arg9[%swap3A_52, %swap3A_53], %swap3A_56 {strides = array<i32>} : memref<128x128xi32, #tpu.memory_space<vmem>>, vector<1x16xi32>,
      %swap3A_57 = arith.index_cast %add3A_37 : i32 to index
      %swap3A_58 = arith.constant 64 : index
      %swap3A_59 = tpu.vector_load %arg9[%swap3A_57, %swap3A_58] {strides = array<i32>} : memref<128x128xi32, #tpu.memory_space<vmem>>, vector<1x16xi32>,
      %swap3A_60 = vector.shape_cast %swap3A_59 : vector<1x16xi32> to vector<16xi32>
      %swap3A_61 = vector.shape_cast %broadcast_in_dim3A_0 : vector<16xi32> to vector<1x16xi32>
      tpu.vector_store %arg9[%swap3A_57, %swap3A_58], %swap3A_61 {strides = array<i32>} : memref<128x128xi32, #tpu.memory_space<vmem>>, vector<1x16xi32>,
      %swap3A_62 = arith.index_cast %add3A_37 : i32 to index
      %swap3A_63 = arith.constant 80 : index
      %swap3A_64 = tpu.vector_load %arg9[%swap3A_62, %swap3A_63] {strides = array<i32>} : memref<128x128xi32, #tpu.memory_space<vmem>>, vector<1x16xi32>,
      %swap3A_65 = vector.shape_cast %swap3A_64 : vector<1x16xi32> to vector<16xi32>
      %swap3A_66 = vector.shape_cast %broadcast_in_dim3A_0 : vector<16xi32> to vector<1x16xi32>
      tpu.vector_store %arg9[%swap3A_62, %swap3A_63], %swap3A_66 {strides = array<i32>} : memref<128x128xi32, #tpu.memory_space<vmem>>, vector<1x16xi32>,
      %swap3A_67 = arith.index_cast %add3A_37 : i32 to index
      %swap3A_68 = arith.constant 96 : index
      %swap3A_69 = tpu.vector_load %arg9[%swap3A_67, %swap3A_68] {strides = array<i32>} : memref<128x128xi32, #tpu.memory_space<vmem>>, vector<1x16xi32>,
      %swap3A_70 = vector.shape_cast %swap3A_69 : vector<1x16xi32> to vector<16xi32>
      %swap3A_71 = vector.shape_cast %broadcast_in_dim3A_0 : vector<16xi32> to vector<1x16xi32>
      tpu.vector_store %arg9[%swap3A_67, %swap3A_68], %swap3A_71 {strides = array<i32>} : memref<128x128xi32, #tpu.memory_space<vmem>>, vector<1x16xi32>,
      %swap3A_72 = arith.index_cast %add3A_37 : i32 to index
      %swap3A_73 = arith.constant 112 : index
      %swap3A_74 = tpu.vector_load %arg9[%swap3A_72, %swap3A_73] {strides = array<i32>} : memref<128x128xi32, #tpu.memory_space<vmem>>, vector<1x16xi32>,
      %swap3A_75 = vector.shape_cast %swap3A_74 : vector<1x16xi32> to vector<16xi32>
      %swap3A_76 = vector.shape_cast %broadcast_in_dim3A_0 : vector<16xi32> to vector<1x16xi32>
      tpu.vector_store %arg9[%swap3A_72, %swap3A_73], %swap3A_76 {strides = array<i32>} : memref<128x128xi32, #tpu.memory_space<vmem>>, vector<1x16xi32>,
    }
    %scan3A_4 = arith.constant 128 : i32
    %mul3A = arith.constant 640 : i32
    %mul3A_5 = arith.muli %arg1, %mul3A : i32
    %add3A = arith.constant 0 : i32
    %add3A_6 = arith.addi %mul3A_5, %add3A : i32
    "tpu.region"() ({
      %run_scoped3A = tpu.sem_alloc : memref<!tpu.dma_semaphore, #tpu.memory_space<semaphore_mem>>
      %dma_start3A_33 = arith.constant 0 : i32
      %dma_start3A_34 = tpu.memref_slice %arg6[%add3A_6, %dma_start3A_33] : memref<10240x128xi32, #tpu.memory_space<vmem_shared>> -> memref<128x128xi32, #tpu.memory_space<vmem_shared>>
      %dma_start3A_35 = arith.constant 0 : i32
      %dma_start3A_36 = tpu.memref_slice %arg6[%add3A_6, %dma_start3A_35] : memref<10240x128xi32, #tpu.memory_space<vmem_shared>> -> memref<128x128xi32, #tpu.memory_space<vmem_shared>>
      tpu.enqueue_dma source(%arg9 : memref<128x128xi32, #tpu.memory_space<vmem>>) target(%dma_start3A_36 : memref<128x128xi32, #tpu.memory_space<vmem_shared>>) target_semaphore(%run_scoped3A : memref<!tpu.dma_semaphore, #tpu.memory_space<semaphore_mem>>)
      %dma_wait3A = arith.constant 0 : i32
      %dma_wait3A_37 = tpu.memref_slice %arg6[%add3A_6, %dma_wait3A] : memref<10240x128xi32, #tpu.memory_space<vmem_shared>> -> memref<128x128xi32, #tpu.memory_space<vmem_shared>>
      %dma_wait3A_38 = arith.constant 0 : i32
      %dma_wait3A_39 = tpu.memref_slice %arg6[%add3A_6, %dma_wait3A_38] : memref<10240x128xi32, #tpu.memory_space<vmem_shared>> -> memref<128x128xi32, #tpu.memory_space<vmem_shared>>
      tpu.wait_dma2 semaphore(%run_scoped3A : memref<!tpu.dma_semaphore, #tpu.memory_space<semaphore_mem>>) src(%arg9 : memref<128x128xi32, #tpu.memory_space<vmem>>) dst(%dma_wait3A_39 : memref<128x128xi32, #tpu.memory_space<vmem_shared>>)
      tpu.yield
    }) : () -> ()
    %add3A_7 = arith.constant 128 : i32
    %add3A_8 = arith.addi %mul3A_5, %add3A_7 : i32
    "tpu.region"() ({
      %run_scoped3A = tpu.sem_alloc : memref<!tpu.dma_semaphore, #tpu.memory_space<semaphore_mem>>
      %dma_start3A_33 = arith.constant 0 : i32
      %dma_start3A_34 = tpu.memref_slice %arg6[%add3A_8, %dma_start3A_33] : memref<10240x128xi32, #tpu.memory_space<vmem_shared>> -> memref<128x128xi32, #tpu.memory_space<vmem_shared>>
      %dma_start3A_35 = arith.constant 0 : i32
      %dma_start3A_36 = tpu.memref_slice %arg6[%add3A_8, %dma_start3A_35] : memref<10240x128xi32, #tpu.memory_space<vmem_shared>> -> memref<128x128xi32, #tpu.memory_space<vmem_shared>>
      tpu.enqueue_dma source(%arg9 : memref<128x128xi32, #tpu.memory_space<vmem>>) target(%dma_start3A_36 : memref<128x128xi32, #tpu.memory_space<vmem_shared>>) target_semaphore(%run_scoped3A : memref<!tpu.dma_semaphore, #tpu.memory_space<semaphore_mem>>)
      %dma_wait3A = arith.constant 0 : i32
      %dma_wait3A_37 = tpu.memref_slice %arg6[%add3A_8, %dma_wait3A] : memref<10240x128xi32, #tpu.memory_space<vmem_shared>> -> memref<128x128xi32, #tpu.memory_space<vmem_shared>>
      %dma_wait3A_38 = arith.constant 0 : i32
      %dma_wait3A_39 = tpu.memref_slice %arg6[%add3A_8, %dma_wait3A_38] : memref<10240x128xi32, #tpu.memory_space<vmem_shared>> -> memref<128x128xi32, #tpu.memory_space<vmem_shared>>
      tpu.wait_dma2 semaphore(%run_scoped3A : memref<!tpu.dma_semaphore, #tpu.memory_space<semaphore_mem>>) src(%arg9 : memref<128x128xi32, #tpu.memory_space<vmem>>) dst(%dma_wait3A_39 : memref<128x128xi32, #tpu.memory_space<vmem_shared>>)
      tpu.yield
    }) : () -> ()
    %add3A_9 = arith.constant 256 : i32
    %add3A_10 = arith.addi %mul3A_5, %add3A_9 : i32
    "tpu.region"() ({
      %run_scoped3A = tpu.sem_alloc : memref<!tpu.dma_semaphore, #tpu.memory_space<semaphore_mem>>
      %dma_start3A_33 = arith.constant 0 : i32
      %dma_start3A_34 = tpu.memref_slice %arg6[%add3A_10, %dma_start3A_33] : memref<10240x128xi32, #tpu.memory_space<vmem_shared>> -> memref<128x128xi32, #tpu.memory_space<vmem_shared>>
      %dma_start3A_35 = arith.constant 0 : i32
      %dma_start3A_36 = tpu.memref_slice %arg6[%add3A_10, %dma_start3A_35] : memref<10240x128xi32, #tpu.memory_space<vmem_shared>> -> memref<128x128xi32, #tpu.memory_space<vmem_shared>>
      tpu.enqueue_dma source(%arg9 : memref<128x128xi32, #tpu.memory_space<vmem>>) target(%dma_start3A_36 : memref<128x128xi32, #tpu.memory_space<vmem_shared>>) target_semaphore(%run_scoped3A : memref<!tpu.dma_semaphore, #tpu.memory_space<semaphore_mem>>)
      %dma_wait3A = arith.constant 0 : i32
      %dma_wait3A_37 = tpu.memref_slice %arg6[%add3A_10, %dma_wait3A] : memref<10240x128xi32, #tpu.memory_space<vmem_shared>> -> memref<128x128xi32, #tpu.memory_space<vmem_shared>>
      %dma_wait3A_38 = arith.constant 0 : i32
      %dma_wait3A_39 = tpu.memref_slice %arg6[%add3A_10, %dma_wait3A_38] : memref<10240x128xi32, #tpu.memory_space<vmem_shared>> -> memref<128x128xi32, #tpu.memory_space<vmem_shared>>
      tpu.wait_dma2 semaphore(%run_scoped3A : memref<!tpu.dma_semaphore, #tpu.memory_space<semaphore_mem>>) src(%arg9 : memref<128x128xi32, #tpu.memory_space<vmem>>) dst(%dma_wait3A_39 : memref<128x128xi32, #tpu.memory_space<vmem_shared>>)
      tpu.yield
    }) : () -> ()
    %add3A_11 = arith.constant 384 : i32
    %add3A_12 = arith.addi %mul3A_5, %add3A_11 : i32
    "tpu.region"() ({
      %run_scoped3A = tpu.sem_alloc : memref<!tpu.dma_semaphore, #tpu.memory_space<semaphore_mem>>
      %dma_start3A_33 = arith.constant 0 : i32
      %dma_start3A_34 = tpu.memref_slice %arg6[%add3A_12, %dma_start3A_33] : memref<10240x128xi32, #tpu.memory_space<vmem_shared>> -> memref<128x128xi32, #tpu.memory_space<vmem_shared>>
      %dma_start3A_35 = arith.constant 0 : i32
      %dma_start3A_36 = tpu.memref_slice %arg6[%add3A_12, %dma_start3A_35] : memref<10240x128xi32, #tpu.memory_space<vmem_shared>> -> memref<128x128xi32, #tpu.memory_space<vmem_shared>>
      tpu.enqueue_dma source(%arg9 : memref<128x128xi32, #tpu.memory_space<vmem>>) target(%dma_start3A_36 : memref<128x128xi32, #tpu.memory_space<vmem_shared>>) target_semaphore(%run_scoped3A : memref<!tpu.dma_semaphore, #tpu.memory_space<semaphore_mem>>)
      %dma_wait3A = arith.constant 0 : i32
      %dma_wait3A_37 = tpu.memref_slice %arg6[%add3A_12, %dma_wait3A] : memref<10240x128xi32, #tpu.memory_space<vmem_shared>> -> memref<128x128xi32, #tpu.memory_space<vmem_shared>>
      %dma_wait3A_38 = arith.constant 0 : i32
      %dma_wait3A_39 = tpu.memref_slice %arg6[%add3A_12, %dma_wait3A_38] : memref<10240x128xi32, #tpu.memory_space<vmem_shared>> -> memref<128x128xi32, #tpu.memory_space<vmem_shared>>
      tpu.wait_dma2 semaphore(%run_scoped3A : memref<!tpu.dma_semaphore, #tpu.memory_space<semaphore_mem>>) src(%arg9 : memref<128x128xi32, #tpu.memory_space<vmem>>) dst(%dma_wait3A_39 : memref<128x128xi32, #tpu.memory_space<vmem_shared>>)
      tpu.yield
    }) : () -> ()
    %add3A_13 = arith.constant 512 : i32
    %add3A_14 = arith.addi %mul3A_5, %add3A_13 : i32
    "tpu.region"() ({
      %run_scoped3A = tpu.sem_alloc : memref<!tpu.dma_semaphore, #tpu.memory_space<semaphore_mem>>
      %dma_start3A_33 = arith.constant 0 : i32
      %dma_start3A_34 = tpu.memref_slice %arg6[%add3A_14, %dma_start3A_33] : memref<10240x128xi32, #tpu.memory_space<vmem_shared>> -> memref<128x128xi32, #tpu.memory_space<vmem_shared>>
      %dma_start3A_35 = arith.constant 0 : i32
      %dma_start3A_36 = tpu.memref_slice %arg6[%add3A_14, %dma_start3A_35] : memref<10240x128xi32, #tpu.memory_space<vmem_shared>> -> memref<128x128xi32, #tpu.memory_space<vmem_shared>>
      tpu.enqueue_dma source(%arg9 : memref<128x128xi32, #tpu.memory_space<vmem>>) target(%dma_start3A_36 : memref<128x128xi32, #tpu.memory_space<vmem_shared>>) target_semaphore(%run_scoped3A : memref<!tpu.dma_semaphore, #tpu.memory_space<semaphore_mem>>)
      %dma_wait3A = arith.constant 0 : i32
      %dma_wait3A_37 = tpu.memref_slice %arg6[%add3A_14, %dma_wait3A] : memref<10240x128xi32, #tpu.memory_space<vmem_shared>> -> memref<128x128xi32, #tpu.memory_space<vmem_shared>>
      %dma_wait3A_38 = arith.constant 0 : i32
      %dma_wait3A_39 = tpu.memref_slice %arg6[%add3A_14, %dma_wait3A_38] : memref<10240x128xi32, #tpu.memory_space<vmem_shared>> -> memref<128x128xi32, #tpu.memory_space<vmem_shared>>
      tpu.wait_dma2 semaphore(%run_scoped3A : memref<!tpu.dma_semaphore, #tpu.memory_space<semaphore_mem>>) src(%arg9 : memref<128x128xi32, #tpu.memory_space<vmem>>) dst(%dma_wait3A_39 : memref<128x128xi32, #tpu.memory_space<vmem_shared>>)
      tpu.yield
    }) : () -> ()
    %barrier3A = arith.constant 0 : index
    tpu.barrier barrier_id(%barrier3A)
    "tpu.region"() ({
      %run_scoped3A = tpu.sem_alloc : memref<!tpu.dma_semaphore, #tpu.memory_space<semaphore_mem>>
      %dma_start3A_33 = arith.constant 0 : i32
      %dma_start3A_34 = arith.constant 0 : i32
      %dma_start3A_35 = tpu.memref_slice %arg3[%arg0, %arg1, %dma_start3A_33, %dma_start3A_34] : memref<2x16x20x128xi32, #tpu.memory_space<hbm>> -> memref<1x1x20x128xi32, #tpu.memory_space<hbm>>
      %dma_start3A_36 = tpu.memref_squeeze %dma_start3A_35 : memref<1x1x20x128xi32, #tpu.memory_space<hbm>> -> memref<20x128xi32, #tpu.memory_space<hbm>>
      %dma_start3A_37 = arith.constant 0 : i32
      %dma_start3A_38 = arith.constant 0 : i32
      %dma_start3A_39 = tpu.memref_slice %arg3[%arg0, %arg1, %dma_start3A_37, %dma_start3A_38] : memref<2x16x20x128xi32, #tpu.memory_space<hbm>> -> memref<1x1x20x128xi32, #tpu.memory_space<hbm>>
      %dma_start3A_40 = tpu.memref_squeeze %dma_start3A_39 : memref<1x1x20x128xi32, #tpu.memory_space<hbm>> -> memref<20x128xi32, #tpu.memory_space<hbm>>
      tpu.enqueue_dma source(%dma_start3A_40 : memref<20x128xi32, #tpu.memory_space<hbm>>) target(%arg7 : memref<20x128xi32, #tpu.memory_space<vmem>>) target_semaphore(%run_scoped3A : memref<!tpu.dma_semaphore, #tpu.memory_space<semaphore_mem>>)
      %dma_wait3A = arith.constant 0 : i32
      %dma_wait3A_41 = arith.constant 0 : i32
      %dma_wait3A_42 = tpu.memref_slice %arg3[%arg0, %arg1, %dma_wait3A, %dma_wait3A_41] : memref<2x16x20x128xi32, #tpu.memory_space<hbm>> -> memref<1x1x20x128xi32, #tpu.memory_space<hbm>>
      %dma_wait3A_43 = tpu.memref_squeeze %dma_wait3A_42 : memref<1x1x20x128xi32, #tpu.memory_space<hbm>> -> memref<20x128xi32, #tpu.memory_space<hbm>>
      %dma_wait3A_44 = arith.constant 0 : i32
      %dma_wait3A_45 = arith.constant 0 : i32
      %dma_wait3A_46 = tpu.memref_slice %arg3[%arg0, %arg1, %dma_wait3A_44, %dma_wait3A_45] : memref<2x16x20x128xi32, #tpu.memory_space<hbm>> -> memref<1x1x20x128xi32, #tpu.memory_space<hbm>>
      %dma_wait3A_47 = tpu.memref_squeeze %dma_wait3A_46 : memref<1x1x20x128xi32, #tpu.memory_space<hbm>> -> memref<20x128xi32, #tpu.memory_space<hbm>>
      tpu.wait_dma2 semaphore(%run_scoped3A : memref<!tpu.dma_semaphore, #tpu.memory_space<semaphore_mem>>) src(%dma_wait3A_47 : memref<20x128xi32, #tpu.memory_space<hbm>>) dst(%arg7 : memref<20x128xi32, #tpu.memory_space<vmem>>)
      tpu.yield
    }) : () -> ()
    "tpu.region"() ({
      %run_scoped3A = tpu.sem_alloc : memref<!tpu.dma_semaphore, #tpu.memory_space<semaphore_mem>>
      %dma_start3A_33 = arith.constant 0 : i32
      %dma_start3A_34 = arith.constant 0 : i32
      %dma_start3A_35 = tpu.memref_slice %arg4[%arg0, %arg1, %dma_start3A_33, %dma_start3A_34] : memref<2x16x20x128xi32, #tpu.memory_space<hbm>> -> memref<1x1x20x128xi32, #tpu.memory_space<hbm>>
      %dma_start3A_36 = tpu.memref_squeeze %dma_start3A_35 : memref<1x1x20x128xi32, #tpu.memory_space<hbm>> -> memref<20x128xi32, #tpu.memory_space<hbm>>
      %dma_start3A_37 = arith.constant 0 : i32
      %dma_start3A_38 = arith.constant 0 : i32
      %dma_start3A_39 = tpu.memref_slice %arg4[%arg0, %arg1, %dma_start3A_37, %dma_start3A_38] : memref<2x16x20x128xi32, #tpu.memory_space<hbm>> -> memref<1x1x20x128xi32, #tpu.memory_space<hbm>>
      %dma_start3A_40 = tpu.memref_squeeze %dma_start3A_39 : memref<1x1x20x128xi32, #tpu.memory_space<hbm>> -> memref<20x128xi32, #tpu.memory_space<hbm>>
      tpu.enqueue_dma source(%dma_start3A_40 : memref<20x128xi32, #tpu.memory_space<hbm>>) target(%arg8 : memref<20x128xi32, #tpu.memory_space<vmem>>) target_semaphore(%run_scoped3A : memref<!tpu.dma_semaphore, #tpu.memory_space<semaphore_mem>>)
      %dma_wait3A = arith.constant 0 : i32
      %dma_wait3A_41 = arith.constant 0 : i32
      %dma_wait3A_42 = tpu.memref_slice %arg4[%arg0, %arg1, %dma_wait3A, %dma_wait3A_41] : memref<2x16x20x128xi32, #tpu.memory_space<hbm>> -> memref<1x1x20x128xi32, #tpu.memory_space<hbm>>
      %dma_wait3A_43 = tpu.memref_squeeze %dma_wait3A_42 : memref<1x1x20x128xi32, #tpu.memory_space<hbm>> -> memref<20x128xi32, #tpu.memory_space<hbm>>
      %dma_wait3A_44 = arith.constant 0 : i32
      %dma_wait3A_45 = arith.constant 0 : i32
      %dma_wait3A_46 = tpu.memref_slice %arg4[%arg0, %arg1, %dma_wait3A_44, %dma_wait3A_45] : memref<2x16x20x128xi32, #tpu.memory_space<hbm>> -> memref<1x1x20x128xi32, #tpu.memory_space<hbm>>
      %dma_wait3A_47 = tpu.memref_squeeze %dma_wait3A_46 : memref<1x1x20x128xi32, #tpu.memory_space<hbm>> -> memref<20x128xi32, #tpu.memory_space<hbm>>
      tpu.wait_dma2 semaphore(%run_scoped3A : memref<!tpu.dma_semaphore, #tpu.memory_space<semaphore_mem>>) src(%dma_wait3A_47 : memref<20x128xi32, #tpu.memory_space<hbm>>) dst(%arg8 : memref<20x128xi32, #tpu.memory_space<vmem>>)
      tpu.yield
    }) : () -> ()
    %dma_start3A = arith.constant 0 : i32
    %dma_start3A_15 = arith.constant 0 : i32
    %dma_start3A_16 = tpu.memref_slice %arg7[%dma_start3A, %dma_start3A_15] : memref<20x128xi32, #tpu.memory_space<vmem>> -> memref<1x128xi32, #tpu.memory_space<vmem>>
    %dma_start3A_17 = tpu.memref_squeeze %dma_start3A_16 : memref<1x128xi32, #tpu.memory_space<vmem>> -> memref<128xi32, #tpu.memory_space<vmem>>
    %dma_start3A_18 = arith.constant 0 : i32
    %dma_start3A_19 = arith.constant 0 : i32
    %dma_start3A_20 = tpu.memref_slice %arg2[%dma_start3A_18, %dma_start3A_19] : memref<20000x128xi32, #tpu.memory_space<hbm>> -> memref<20000x128xi32, #tpu.memory_space<hbm>>
    tpu.enqueue_indirect_dma source(%dma_start3A_20 : memref<20000x128xi32, #tpu.memory_space<hbm>>) target(%arg9 : memref<128x128xi32, #tpu.memory_space<vmem>>) offsets(%dma_start3A_17 : memref<128xi32, #tpu.memory_space<vmem>>) semaphore(%arg11 : memref<!tpu.dma_semaphore, #tpu.memory_space<semaphore_mem>>)
    %scan3A_21 = arith.constant 0 : i32
    %scan3A_22 = arith.constant 10 : i32
    %scan3A_23 = arith.addi %scan3A_21, %scan3A_22 : i32
    %scan3A_24 = arith.constant 1 : i32
    scf.for %scan3A_33 = %scan3A_21 to %scan3A_23 step %scan3A_24  : i32 {
      %mul3A_34 = arith.constant 1 : i32
      %mul3A_35 = arith.muli %scan3A_33, %mul3A_34 : i32
      %add3A_36 = arith.constant 0 : i32
      %add3A_37 = arith.addi %add3A_36, %mul3A_35 : i32
      %mul3A_38 = arith.constant 2 : i32
      %mul3A_39 = arith.muli %add3A_37, %mul3A_38 : i32
      %add3A_40 = arith.constant 1 : i32
      %add3A_41 = arith.addi %mul3A_39, %add3A_40 : i32
      %dma_start3A_42 = arith.constant 0 : i32
      %dma_start3A_43 = tpu.memref_slice %arg7[%add3A_41, %dma_start3A_42] : memref<20x128xi32, #tpu.memory_space<vmem>> -> memref<1x128xi32, #tpu.memory_space<vmem>>
      %dma_start3A_44 = tpu.memref_squeeze %dma_start3A_43 : memref<1x128xi32, #tpu.memory_space<vmem>> -> memref<128xi32, #tpu.memory_space<vmem>>
      %dma_start3A_45 = arith.constant 0 : i32
      %dma_start3A_46 = arith.constant 0 : i32
      %dma_start3A_47 = tpu.memref_slice %arg2[%dma_start3A_45, %dma_start3A_46] : memref<20000x128xi32, #tpu.memory_space<hbm>> -> memref<20000x128xi32, #tpu.memory_space<hbm>>
      tpu.enqueue_indirect_dma source(%dma_start3A_47 : memref<20000x128xi32, #tpu.memory_space<hbm>>) target(%arg10 : memref<128x128xi32, #tpu.memory_space<vmem>>) offsets(%dma_start3A_44 : memref<128xi32, #tpu.memory_space<vmem>>) semaphore(%arg11 : memref<!tpu.dma_semaphore, #tpu.memory_space<semaphore_mem>>)
      %dma_wait3A = arith.constant 0 : i32
      %dma_wait3A_48 = tpu.memref_slice %arg7[%mul3A_39, %dma_wait3A] : memref<20x128xi32, #tpu.memory_space<vmem>> -> memref<1x128xi32, #tpu.memory_space<vmem>>
      %dma_wait3A_49 = tpu.memref_squeeze %dma_wait3A_48 : memref<1x128xi32, #tpu.memory_space<vmem>> -> memref<128xi32, #tpu.memory_space<vmem>>
      %dma_wait3A_50 = arith.constant 0 : i32
      %dma_wait3A_51 = arith.constant 0 : i32
      %dma_wait3A_52 = tpu.memref_slice %arg2[%dma_wait3A_50, %dma_wait3A_51] : memref<20000x128xi32, #tpu.memory_space<hbm>> -> memref<20000x128xi32, #tpu.memory_space<hbm>>
      tpu.wait_indirect_dma semaphore(%arg11 : memref<!tpu.dma_semaphore, #tpu.memory_space<semaphore_mem>>) src(%dma_wait3A_52 : memref<20000x128xi32, #tpu.memory_space<hbm>>) dst(%arg9 : memref<128x128xi32, #tpu.memory_space<vmem>>)
      "tpu.region"() ({
        %run_scoped3A = tpu.sem_alloc : memref<!tpu.dma_semaphore, #tpu.memory_space<semaphore_mem>>
        %dma_start3A_64 = arith.constant 0 : i32
        %dma_start3A_65 = tpu.memref_slice %arg8[%mul3A_39, %dma_start3A_64] : memref<20x128xi32, #tpu.memory_space<vmem>> -> memref<1x128xi32, #tpu.memory_space<vmem>>
        %dma_start3A_66 = tpu.memref_squeeze %dma_start3A_65 : memref<1x128xi32, #tpu.memory_space<vmem>> -> memref<128xi32, #tpu.memory_space<vmem>>
        %dma_start3A_67 = arith.constant 0 : i32
        %dma_start3A_68 = arith.constant 0 : i32
        %dma_start3A_69 = tpu.memref_slice %arg6[%dma_start3A_67, %dma_start3A_68] : memref<10240x128xi32, #tpu.memory_space<vmem_shared>> -> memref<10240x128xi32, #tpu.memory_space<vmem_shared>>
        tpu.enqueue_indirect_dma source(%arg9 : memref<128x128xi32, #tpu.memory_space<vmem>>) target(%dma_start3A_69 : memref<10240x128xi32, #tpu.memory_space<vmem_shared>>) offsets(%dma_start3A_66 : memref<128xi32, #tpu.memory_space<vmem>>) semaphore(%run_scoped3A : memref<!tpu.dma_semaphore, #tpu.memory_space<semaphore_mem>>) {add = true}
        %dma_wait3A_70 = arith.constant 0 : i32
        %dma_wait3A_71 = tpu.memref_slice %arg8[%mul3A_39, %dma_wait3A_70] : memref<20x128xi32, #tpu.memory_space<vmem>> -> memref<1x128xi32, #tpu.memory_space<vmem>>
        %dma_wait3A_72 = tpu.memref_squeeze %dma_wait3A_71 : memref<1x128xi32, #tpu.memory_space<vmem>> -> memref<128xi32, #tpu.memory_space<vmem>>
        %dma_wait3A_73 = arith.constant 0 : i32
        %dma_wait3A_74 = arith.constant 0 : i32
        %dma_wait3A_75 = tpu.memref_slice %arg6[%dma_wait3A_73, %dma_wait3A_74] : memref<10240x128xi32, #tpu.memory_space<vmem_shared>> -> memref<10240x128xi32, #tpu.memory_space<vmem_shared>>
        tpu.wait_indirect_dma semaphore(%run_scoped3A : memref<!tpu.dma_semaphore, #tpu.memory_space<semaphore_mem>>) src(%arg9 : memref<128x128xi32, #tpu.memory_space<vmem>>) dst(%dma_wait3A_75 : memref<10240x128xi32, #tpu.memory_space<vmem_shared>>)
        tpu.yield
      }) : () -> ()
      %lt3A_53 = arith.constant 9 : i32
      %lt3A_54 = arith.cmpi slt, %add3A_37, %lt3A_53 : i32
      %convert_element_type3A_55 = arith.extui %lt3A_54 : i1 to i32
      %cond3A_56 = arith.constant 0 : i32
      %cond3A_57 = arith.cmpi ne, %convert_element_type3A_55, %cond3A_56 : i32
      scf.if %cond3A_57 {
        %add3A_64 = arith.constant 2 : i32
        %add3A_65 = arith.addi %mul3A_39, %add3A_64 : i32
        %dma_start3A_66 = arith.constant 0 : i32
        %dma_start3A_67 = tpu.memref_slice %arg7[%add3A_65, %dma_start3A_66] : memref<20x128xi32, #tpu.memory_space<vmem>> -> memref<1x128xi32, #tpu.memory_space<vmem>>
        %dma_start3A_68 = tpu.memref_squeeze %dma_start3A_67 : memref<1x128xi32, #tpu.memory_space<vmem>> -> memref<128xi32, #tpu.memory_space<vmem>>
        %dma_start3A_69 = arith.constant 0 : i32
        %dma_start3A_70 = arith.constant 0 : i32
        %dma_start3A_71 = tpu.memref_slice %arg2[%dma_start3A_69, %dma_start3A_70] : memref<20000x128xi32, #tpu.memory_space<hbm>> -> memref<20000x128xi32, #tpu.memory_space<hbm>>
        tpu.enqueue_indirect_dma source(%dma_start3A_71 : memref<20000x128xi32, #tpu.memory_space<hbm>>) target(%arg9 : memref<128x128xi32, #tpu.memory_space<vmem>>) offsets(%dma_start3A_68 : memref<128xi32, #tpu.memory_space<vmem>>) semaphore(%arg11 : memref<!tpu.dma_semaphore, #tpu.memory_space<semaphore_mem>>)
      } else {
      }
      %dma_wait3A_58 = arith.constant 0 : i32
      %dma_wait3A_59 = tpu.memref_slice %arg7[%add3A_41, %dma_wait3A_58] : memref<20x128xi32, #tpu.memory_space<vmem>> -> memref<1x128xi32, #tpu.memory_space<vmem>>
      %dma_wait3A_60 = tpu.memref_squeeze %dma_wait3A_59 : memref<1x128xi32, #tpu.memory_space<vmem>> -> memref<128xi32, #tpu.memory_space<vmem>>
      %dma_wait3A_61 = arith.constant 0 : i32
      %dma_wait3A_62 = arith.constant 0 : i32
      %dma_wait3A_63 = tpu.memref_slice %arg2[%dma_wait3A_61, %dma_wait3A_62] : memref<20000x128xi32, #tpu.memory_space<hbm>> -> memref<20000x128xi32, #tpu.memory_space<hbm>>
      tpu.wait_indirect_dma semaphore(%arg11 : memref<!tpu.dma_semaphore, #tpu.memory_space<semaphore_mem>>) src(%dma_wait3A_63 : memref<20000x128xi32, #tpu.memory_space<hbm>>) dst(%arg10 : memref<128x128xi32, #tpu.memory_space<vmem>>)
      "tpu.region"() ({
        %run_scoped3A = tpu.sem_alloc : memref<!tpu.dma_semaphore, #tpu.memory_space<semaphore_mem>>
        %dma_start3A_64 = arith.constant 0 : i32
        %dma_start3A_65 = tpu.memref_slice %arg8[%add3A_41, %dma_start3A_64] : memref<20x128xi32, #tpu.memory_space<vmem>> -> memref<1x128xi32, #tpu.memory_space<vmem>>
        %dma_start3A_66 = tpu.memref_squeeze %dma_start3A_65 : memref<1x128xi32, #tpu.memory_space<vmem>> -> memref<128xi32, #tpu.memory_space<vmem>>
        %dma_start3A_67 = arith.constant 0 : i32
        %dma_start3A_68 = arith.constant 0 : i32
        %dma_start3A_69 = tpu.memref_slice %arg6[%dma_start3A_67, %dma_start3A_68] : memref<10240x128xi32, #tpu.memory_space<vmem_shared>> -> memref<10240x128xi32, #tpu.memory_space<vmem_shared>>
        tpu.enqueue_indirect_dma source(%arg10 : memref<128x128xi32, #tpu.memory_space<vmem>>) target(%dma_start3A_69 : memref<10240x128xi32, #tpu.memory_space<vmem_shared>>) offsets(%dma_start3A_66 : memref<128xi32, #tpu.memory_space<vmem>>) semaphore(%run_scoped3A : memref<!tpu.dma_semaphore, #tpu.memory_space<semaphore_mem>>) {add = true}
        %dma_wait3A_70 = arith.constant 0 : i32
        %dma_wait3A_71 = tpu.memref_slice %arg8[%add3A_41, %dma_wait3A_70] : memref<20x128xi32, #tpu.memory_space<vmem>> -> memref<1x128xi32, #tpu.memory_space<vmem>>
        %dma_wait3A_72 = tpu.memref_squeeze %dma_wait3A_71 : memref<1x128xi32, #tpu.memory_space<vmem>> -> memref<128xi32, #tpu.memory_space<vmem>>
        %dma_wait3A_73 = arith.constant 0 : i32
        %dma_wait3A_74 = arith.constant 0 : i32
        %dma_wait3A_75 = tpu.memref_slice %arg6[%dma_wait3A_73, %dma_wait3A_74] : memref<10240x128xi32, #tpu.memory_space<vmem_shared>> -> memref<10240x128xi32, #tpu.memory_space<vmem_shared>>
        tpu.wait_indirect_dma semaphore(%run_scoped3A : memref<!tpu.dma_semaphore, #tpu.memory_space<semaphore_mem>>) src(%arg10 : memref<128x128xi32, #tpu.memory_space<vmem>>) dst(%dma_wait3A_75 : memref<10240x128xi32, #tpu.memory_space<vmem_shared>>)
        tpu.yield
      }) : () -> ()
    }
    %scan3A_25 = arith.constant 10 : i32
    %barrier3A_26 = arith.constant 0 : index
    tpu.barrier barrier_id(%barrier3A_26)
    %lt3A = arith.constant 15 : i32
    %lt3A_27 = arith.cmpi slt, %arg1, %lt3A : i32
    %convert_element_type3A = arith.extui %lt3A_27 : i1 to i32
    %cond3A = arith.constant 0 : i32
    %cond3A_28 = arith.cmpi ne, %convert_element_type3A, %cond3A : i32
    scf.if %cond3A_28 {
      %mul3A_33 = arith.constant 640 : i32
      %mul3A_34 = arith.muli %arg1, %mul3A_33 : i32
      %mul3A_35 = arith.constant 640 : i32
      %mul3A_36 = arith.muli %arg1, %mul3A_35 : i32
      "tpu.region"() ({
        %run_scoped3A = tpu.sem_alloc : memref<!tpu.dma_semaphore, #tpu.memory_space<semaphore_mem>>
        %dma_start3A_37 = arith.constant 0 : i32
        %dma_start3A_38 = tpu.memref_slice %arg5[%arg0, %mul3A_36, %dma_start3A_37] : memref<2x10000x128xi32, #tpu.memory_space<hbm>> -> memref<1x640x128xi32, #tpu.memory_space<hbm>>
        %dma_start3A_39 = tpu.memref_squeeze %dma_start3A_38 : memref<1x640x128xi32, #tpu.memory_space<hbm>> -> memref<640x128xi32, #tpu.memory_space<hbm>>
        %dma_start3A_40 = arith.constant 0 : i32
        %dma_start3A_41 = tpu.memref_slice %arg6[%mul3A_34, %dma_start3A_40] : memref<10240x128xi32, #tpu.memory_space<vmem_shared>> -> memref<640x128xi32, #tpu.memory_space<vmem_shared>>
        tpu.enqueue_dma source(%dma_start3A_41 : memref<640x128xi32, #tpu.memory_space<vmem_shared>>) target(%dma_start3A_39 : memref<640x128xi32, #tpu.memory_space<hbm>>) target_semaphore(%run_scoped3A : memref<!tpu.dma_semaphore, #tpu.memory_space<semaphore_mem>>)
        %dma_wait3A = arith.constant 0 : i32
        %dma_wait3A_42 = tpu.memref_slice %arg5[%arg0, %mul3A_36, %dma_wait3A] : memref<2x10000x128xi32, #tpu.memory_space<hbm>> -> memref<1x640x128xi32, #tpu.memory_space<hbm>>
        %dma_wait3A_43 = tpu.memref_squeeze %dma_wait3A_42 : memref<1x640x128xi32, #tpu.memory_space<hbm>> -> memref<640x128xi32, #tpu.memory_space<hbm>>
        %dma_wait3A_44 = arith.constant 0 : i32
        %dma_wait3A_45 = tpu.memref_slice %arg6[%mul3A_34, %dma_wait3A_44] : memref<10240x128xi32, #tpu.memory_space<vmem_shared>> -> memref<640x128xi32, #tpu.memory_space<vmem_shared>>
        tpu.wait_dma2 semaphore(%run_scoped3A : memref<!tpu.dma_semaphore, #tpu.memory_space<semaphore_mem>>) src(%dma_wait3A_45 : memref<640x128xi32, #tpu.memory_space<vmem_shared>>) dst(%dma_wait3A_43 : memref<640x128xi32, #tpu.memory_space<hbm>>)
        tpu.yield
      }) : () -> ()
    } else {
    }
    %eq3A = arith.constant 15 : i32
    %eq3A_29 = arith.cmpi eq, %arg1, %eq3A : i32
    %convert_element_type3A_30 = arith.extui %eq3A_29 : i1 to i32
    %cond3A_31 = arith.constant 0 : i32
    %cond3A_32 = arith.cmpi ne, %convert_element_type3A_30, %cond3A_31 : i32
    scf.if %cond3A_32 {
      "tpu.region"() ({
        %run_scoped3A = tpu.sem_alloc : memref<!tpu.dma_semaphore, #tpu.memory_space<semaphore_mem>>
        %dma_start3A_33 = arith.constant 9600 : i32
        %dma_start3A_34 = arith.constant 0 : i32
        %dma_start3A_35 = tpu.memref_slice %arg5[%arg0, %dma_start3A_33, %dma_start3A_34] : memref<2x10000x128xi32, #tpu.memory_space<hbm>> -> memref<1x400x128xi32, #tpu.memory_space<hbm>>
        %dma_start3A_36 = tpu.memref_squeeze %dma_start3A_35 : memref<1x400x128xi32, #tpu.memory_space<hbm>> -> memref<400x128xi32, #tpu.memory_space<hbm>>
        %dma_start3A_37 = arith.constant 9600 : i32
        %dma_start3A_38 = arith.constant 0 : i32
        %dma_start3A_39 = tpu.memref_slice %arg6[%dma_start3A_37, %dma_start3A_38] : memref<10240x128xi32, #tpu.memory_space<vmem_shared>> -> memref<400x128xi32, #tpu.memory_space<vmem_shared>>
        tpu.enqueue_dma source(%dma_start3A_39 : memref<400x128xi32, #tpu.memory_space<vmem_shared>>) target(%dma_start3A_36 : memref<400x128xi32, #tpu.memory_space<hbm>>) target_semaphore(%run_scoped3A : memref<!tpu.dma_semaphore, #tpu.memory_space<semaphore_mem>>)
        %dma_wait3A = arith.constant 9600 : i32
        %dma_wait3A_40 = arith.constant 0 : i32
        %dma_wait3A_41 = tpu.memref_slice %arg5[%arg0, %dma_wait3A, %dma_wait3A_40] : memref<2x10000x128xi32, #tpu.memory_space<hbm>> -> memref<1x400x128xi32, #tpu.memory_space<hbm>>
        %dma_wait3A_42 = tpu.memref_squeeze %dma_wait3A_41 : memref<1x400x128xi32, #tpu.memory_space<hbm>> -> memref<400x128xi32, #tpu.memory_space<hbm>>
        %dma_wait3A_43 = arith.constant 9600 : i32
        %dma_wait3A_44 = arith.constant 0 : i32
        %dma_wait3A_45 = tpu.memref_slice %arg6[%dma_wait3A_43, %dma_wait3A_44] : memref<10240x128xi32, #tpu.memory_space<vmem_shared>> -> memref<400x128xi32, #tpu.memory_space<vmem_shared>>
        tpu.wait_dma2 semaphore(%run_scoped3A : memref<!tpu.dma_semaphore, #tpu.memory_space<semaphore_mem>>) src(%dma_wait3A_45 : memref<400x128xi32, #tpu.memory_space<vmem_shared>>) dst(%dma_wait3A_42 : memref<400x128xi32, #tpu.memory_space<hbm>>)
        tpu.yield
      }) : () -> ()
    } else {
    }
    return
  }
}

#map = affine_map<(d0, d1) -> (0, 0)>
#map1 = affine_map<(d0, d1) -> (0, 0, 0, 0)>
#map2 = affine_map<(d0, d1) -> (0, 0, 0)>
module attributes {stable_mosaic.version = 14 : i64} {
  func.func @body(%arg0: i32, %arg1: i32, %arg2: memref<20000x128xi32, #tpu.memory_space<hbm>>, %arg3: memref<2x16x40x128xi32, #tpu.memory_space<hbm>>, %arg4: memref<2x16x40x128xi32, #tpu.memory_space<hbm>>, %arg5: memref<2x10000x128xi32, #tpu.memory_space<hbm>>, %arg6: memref<10240x128xi32, #tpu.memory_space<vmem_shared>>, %arg7: memref<40x128xi32, #tpu.memory_space<vmem>>, %arg8: memref<40x128xi32, #tpu.memory_space<vmem>>, %arg9: memref<128x128xi32, #tpu.memory_space<vmem>>, %arg10: memref<128x128xi32, #tpu.memory_space<vmem>>, %arg11: memref<!tpu.dma_semaphore, #tpu.memory_space<semaphore_mem>>) attributes {dimension_semantics = [#tpu.dimension_semantics<core_parallel>, #tpu.dimension_semantics<subcore_parallel>], iteration_bounds = array<i64: 2, 16>, scalar_prefetch = 0 : i64, scratch_operands = 6 : i64, tpu.core_type = #tpu.core_type<sc_vector_subcore>, window_params = [{transform_indices = #map}, {transform_indices = #map1}, {transform_indices = #map1}, {transform_indices = #map2}]} {
    %broadcast_in_dim3A = arith.constant 0 : i32
    %broadcast_in_dim3A_0 = vector.broadcast %broadcast_in_dim3A : i32 to vector<16xi32>
    %scan3A = arith.constant 0 : i32
    %scan3A_1 = arith.constant 128 : i32
    %scan3A_2 = arith.addi %scan3A, %scan3A_1 : i32
    %scan3A_3 = arith.constant 1 : i32
    scf.for %scan3A_33 = %scan3A to %scan3A_2 step %scan3A_3  : i32 {
      %mul3A_34 = arith.constant 1 : i32
      %mul3A_35 = arith.muli %scan3A_33, %mul3A_34 : i32
      %add3A_36 = arith.constant 0 : i32
      %add3A_37 = arith.addi %add3A_36, %mul3A_35 : i32
      %swap3A = arith.index_cast %add3A_37 : i32 to index
      %swap3A_38 = arith.constant 0 : index
      %swap3A_39 = tpu.vector_load %arg9[%swap3A, %swap3A_38] {strides = array<i32>} : memref<128x128xi32, #tpu.memory_space<vmem>>, vector<1x16xi32>,
      %swap3A_40 = vector.shape_cast %swap3A_39 : vector<1x16xi32> to vector<16xi32>
      %swap3A_41 = vector.shape_cast %broadcast_in_dim3A_0 : vector<16xi32> to vector<1x16xi32>
      tpu.vector_store %arg9[%swap3A, %swap3A_38], %swap3A_41 {strides = array<i32>} : memref<128x128xi32, #tpu.memory_space<vmem>>, vector<1x16xi32>,
      %swap3A_42 = arith.index_cast %add3A_37 : i32 to index
      %swap3A_43 = arith.constant 16 : index
      %swap3A_44 = tpu.vector_load %arg9[%swap3A_42, %swap3A_43] {strides = array<i32>} : memref<128x128xi32, #tpu.memory_space<vmem>>, vector<1x16xi32>,
      %swap3A_45 = vector.shape_cast %swap3A_44 : vector<1x16xi32> to vector<16xi32>
      %swap3A_46 = vector.shape_cast %broadcast_in_dim3A_0 : vector<16xi32> to vector<1x16xi32>
      tpu.vector_store %arg9[%swap3A_42, %swap3A_43], %swap3A_46 {strides = array<i32>} : memref<128x128xi32, #tpu.memory_space<vmem>>, vector<1x16xi32>,
      %swap3A_47 = arith.index_cast %add3A_37 : i32 to index
      %swap3A_48 = arith.constant 32 : index
      %swap3A_49 = tpu.vector_load %arg9[%swap3A_47, %swap3A_48] {strides = array<i32>} : memref<128x128xi32, #tpu.memory_space<vmem>>, vector<1x16xi32>,
      %swap3A_50 = vector.shape_cast %swap3A_49 : vector<1x16xi32> to vector<16xi32>
      %swap3A_51 = vector.shape_cast %broadcast_in_dim3A_0 : vector<16xi32> to vector<1x16xi32>
      tpu.vector_store %arg9[%swap3A_47, %swap3A_48], %swap3A_51 {strides = array<i32>} : memref<128x128xi32, #tpu.memory_space<vmem>>, vector<1x16xi32>,
      %swap3A_52 = arith.index_cast %add3A_37 : i32 to index
      %swap3A_53 = arith.constant 48 : index
      %swap3A_54 = tpu.vector_load %arg9[%swap3A_52, %swap3A_53] {strides = array<i32>} : memref<128x128xi32, #tpu.memory_space<vmem>>, vector<1x16xi32>,
      %swap3A_55 = vector.shape_cast %swap3A_54 : vector<1x16xi32> to vector<16xi32>
      %swap3A_56 = vector.shape_cast %broadcast_in_dim3A_0 : vector<16xi32> to vector<1x16xi32>
      tpu.vector_store %arg9[%swap3A_52, %swap3A_53], %swap3A_56 {strides = array<i32>} : memref<128x128xi32, #tpu.memory_space<vmem>>, vector<1x16xi32>,
      %swap3A_57 = arith.index_cast %add3A_37 : i32 to index
      %swap3A_58 = arith.constant 64 : index
      %swap3A_59 = tpu.vector_load %arg9[%swap3A_57, %swap3A_58] {strides = array<i32>} : memref<128x128xi32, #tpu.memory_space<vmem>>, vector<1x16xi32>,
      %swap3A_60 = vector.shape_cast %swap3A_59 : vector<1x16xi32> to vector<16xi32>
      %swap3A_61 = vector.shape_cast %broadcast_in_dim3A_0 : vector<16xi32> to vector<1x16xi32>
      tpu.vector_store %arg9[%swap3A_57, %swap3A_58], %swap3A_61 {strides = array<i32>} : memref<128x128xi32, #tpu.memory_space<vmem>>, vector<1x16xi32>,
      %swap3A_62 = arith.index_cast %add3A_37 : i32 to index
      %swap3A_63 = arith.constant 80 : index
      %swap3A_64 = tpu.vector_load %arg9[%swap3A_62, %swap3A_63] {strides = array<i32>} : memref<128x128xi32, #tpu.memory_space<vmem>>, vector<1x16xi32>,
      %swap3A_65 = vector.shape_cast %swap3A_64 : vector<1x16xi32> to vector<16xi32>
      %swap3A_66 = vector.shape_cast %broadcast_in_dim3A_0 : vector<16xi32> to vector<1x16xi32>
      tpu.vector_store %arg9[%swap3A_62, %swap3A_63], %swap3A_66 {strides = array<i32>} : memref<128x128xi32, #tpu.memory_space<vmem>>, vector<1x16xi32>,
      %swap3A_67 = arith.index_cast %add3A_37 : i32 to index
      %swap3A_68 = arith.constant 96 : index
      %swap3A_69 = tpu.vector_load %arg9[%swap3A_67, %swap3A_68] {strides = array<i32>} : memref<128x128xi32, #tpu.memory_space<vmem>>, vector<1x16xi32>,
      %swap3A_70 = vector.shape_cast %swap3A_69 : vector<1x16xi32> to vector<16xi32>
      %swap3A_71 = vector.shape_cast %broadcast_in_dim3A_0 : vector<16xi32> to vector<1x16xi32>
      tpu.vector_store %arg9[%swap3A_67, %swap3A_68], %swap3A_71 {strides = array<i32>} : memref<128x128xi32, #tpu.memory_space<vmem>>, vector<1x16xi32>,
      %swap3A_72 = arith.index_cast %add3A_37 : i32 to index
      %swap3A_73 = arith.constant 112 : index
      %swap3A_74 = tpu.vector_load %arg9[%swap3A_72, %swap3A_73] {strides = array<i32>} : memref<128x128xi32, #tpu.memory_space<vmem>>, vector<1x16xi32>,
      %swap3A_75 = vector.shape_cast %swap3A_74 : vector<1x16xi32> to vector<16xi32>
      %swap3A_76 = vector.shape_cast %broadcast_in_dim3A_0 : vector<16xi32> to vector<1x16xi32>
      tpu.vector_store %arg9[%swap3A_72, %swap3A_73], %swap3A_76 {strides = array<i32>} : memref<128x128xi32, #tpu.memory_space<vmem>>, vector<1x16xi32>,
    }
    %scan3A_4 = arith.constant 128 : i32
    %mul3A = arith.constant 640 : i32
    %mul3A_5 = arith.muli %arg1, %mul3A : i32
    %add3A = arith.constant 0 : i32
    %add3A_6 = arith.addi %mul3A_5, %add3A : i32
    "tpu.region"() ({
      %run_scoped3A = tpu.sem_alloc : memref<!tpu.dma_semaphore, #tpu.memory_space<semaphore_mem>>
      %dma_start3A_33 = arith.constant 0 : i32
      %dma_start3A_34 = tpu.memref_slice %arg6[%add3A_6, %dma_start3A_33] : memref<10240x128xi32, #tpu.memory_space<vmem_shared>> -> memref<128x128xi32, #tpu.memory_space<vmem_shared>>
      %dma_start3A_35 = arith.constant 0 : i32
      %dma_start3A_36 = tpu.memref_slice %arg6[%add3A_6, %dma_start3A_35] : memref<10240x128xi32, #tpu.memory_space<vmem_shared>> -> memref<128x128xi32, #tpu.memory_space<vmem_shared>>
      tpu.enqueue_dma source(%arg9 : memref<128x128xi32, #tpu.memory_space<vmem>>) target(%dma_start3A_36 : memref<128x128xi32, #tpu.memory_space<vmem_shared>>) target_semaphore(%run_scoped3A : memref<!tpu.dma_semaphore, #tpu.memory_space<semaphore_mem>>)
      %dma_wait3A = arith.constant 0 : i32
      %dma_wait3A_37 = tpu.memref_slice %arg6[%add3A_6, %dma_wait3A] : memref<10240x128xi32, #tpu.memory_space<vmem_shared>> -> memref<128x128xi32, #tpu.memory_space<vmem_shared>>
      %dma_wait3A_38 = arith.constant 0 : i32
      %dma_wait3A_39 = tpu.memref_slice %arg6[%add3A_6, %dma_wait3A_38] : memref<10240x128xi32, #tpu.memory_space<vmem_shared>> -> memref<128x128xi32, #tpu.memory_space<vmem_shared>>
      tpu.wait_dma2 semaphore(%run_scoped3A : memref<!tpu.dma_semaphore, #tpu.memory_space<semaphore_mem>>) src(%arg9 : memref<128x128xi32, #tpu.memory_space<vmem>>) dst(%dma_wait3A_39 : memref<128x128xi32, #tpu.memory_space<vmem_shared>>)
      tpu.yield
    }) : () -> ()
    %add3A_7 = arith.constant 128 : i32
    %add3A_8 = arith.addi %mul3A_5, %add3A_7 : i32
    "tpu.region"() ({
      %run_scoped3A = tpu.sem_alloc : memref<!tpu.dma_semaphore, #tpu.memory_space<semaphore_mem>>
      %dma_start3A_33 = arith.constant 0 : i32
      %dma_start3A_34 = tpu.memref_slice %arg6[%add3A_8, %dma_start3A_33] : memref<10240x128xi32, #tpu.memory_space<vmem_shared>> -> memref<128x128xi32, #tpu.memory_space<vmem_shared>>
      %dma_start3A_35 = arith.constant 0 : i32
      %dma_start3A_36 = tpu.memref_slice %arg6[%add3A_8, %dma_start3A_35] : memref<10240x128xi32, #tpu.memory_space<vmem_shared>> -> memref<128x128xi32, #tpu.memory_space<vmem_shared>>
      tpu.enqueue_dma source(%arg9 : memref<128x128xi32, #tpu.memory_space<vmem>>) target(%dma_start3A_36 : memref<128x128xi32, #tpu.memory_space<vmem_shared>>) target_semaphore(%run_scoped3A : memref<!tpu.dma_semaphore, #tpu.memory_space<semaphore_mem>>)
      %dma_wait3A = arith.constant 0 : i32
      %dma_wait3A_37 = tpu.memref_slice %arg6[%add3A_8, %dma_wait3A] : memref<10240x128xi32, #tpu.memory_space<vmem_shared>> -> memref<128x128xi32, #tpu.memory_space<vmem_shared>>
      %dma_wait3A_38 = arith.constant 0 : i32
      %dma_wait3A_39 = tpu.memref_slice %arg6[%add3A_8, %dma_wait3A_38] : memref<10240x128xi32, #tpu.memory_space<vmem_shared>> -> memref<128x128xi32, #tpu.memory_space<vmem_shared>>
      tpu.wait_dma2 semaphore(%run_scoped3A : memref<!tpu.dma_semaphore, #tpu.memory_space<semaphore_mem>>) src(%arg9 : memref<128x128xi32, #tpu.memory_space<vmem>>) dst(%dma_wait3A_39 : memref<128x128xi32, #tpu.memory_space<vmem_shared>>)
      tpu.yield
    }) : () -> ()
    %add3A_9 = arith.constant 256 : i32
    %add3A_10 = arith.addi %mul3A_5, %add3A_9 : i32
    "tpu.region"() ({
      %run_scoped3A = tpu.sem_alloc : memref<!tpu.dma_semaphore, #tpu.memory_space<semaphore_mem>>
      %dma_start3A_33 = arith.constant 0 : i32
      %dma_start3A_34 = tpu.memref_slice %arg6[%add3A_10, %dma_start3A_33] : memref<10240x128xi32, #tpu.memory_space<vmem_shared>> -> memref<128x128xi32, #tpu.memory_space<vmem_shared>>
      %dma_start3A_35 = arith.constant 0 : i32
      %dma_start3A_36 = tpu.memref_slice %arg6[%add3A_10, %dma_start3A_35] : memref<10240x128xi32, #tpu.memory_space<vmem_shared>> -> memref<128x128xi32, #tpu.memory_space<vmem_shared>>
      tpu.enqueue_dma source(%arg9 : memref<128x128xi32, #tpu.memory_space<vmem>>) target(%dma_start3A_36 : memref<128x128xi32, #tpu.memory_space<vmem_shared>>) target_semaphore(%run_scoped3A : memref<!tpu.dma_semaphore, #tpu.memory_space<semaphore_mem>>)
      %dma_wait3A = arith.constant 0 : i32
      %dma_wait3A_37 = tpu.memref_slice %arg6[%add3A_10, %dma_wait3A] : memref<10240x128xi32, #tpu.memory_space<vmem_shared>> -> memref<128x128xi32, #tpu.memory_space<vmem_shared>>
      %dma_wait3A_38 = arith.constant 0 : i32
      %dma_wait3A_39 = tpu.memref_slice %arg6[%add3A_10, %dma_wait3A_38] : memref<10240x128xi32, #tpu.memory_space<vmem_shared>> -> memref<128x128xi32, #tpu.memory_space<vmem_shared>>
      tpu.wait_dma2 semaphore(%run_scoped3A : memref<!tpu.dma_semaphore, #tpu.memory_space<semaphore_mem>>) src(%arg9 : memref<128x128xi32, #tpu.memory_space<vmem>>) dst(%dma_wait3A_39 : memref<128x128xi32, #tpu.memory_space<vmem_shared>>)
      tpu.yield
    }) : () -> ()
    %add3A_11 = arith.constant 384 : i32
    %add3A_12 = arith.addi %mul3A_5, %add3A_11 : i32
    "tpu.region"() ({
      %run_scoped3A = tpu.sem_alloc : memref<!tpu.dma_semaphore, #tpu.memory_space<semaphore_mem>>
      %dma_start3A_33 = arith.constant 0 : i32
      %dma_start3A_34 = tpu.memref_slice %arg6[%add3A_12, %dma_start3A_33] : memref<10240x128xi32, #tpu.memory_space<vmem_shared>> -> memref<128x128xi32, #tpu.memory_space<vmem_shared>>
      %dma_start3A_35 = arith.constant 0 : i32
      %dma_start3A_36 = tpu.memref_slice %arg6[%add3A_12, %dma_start3A_35] : memref<10240x128xi32, #tpu.memory_space<vmem_shared>> -> memref<128x128xi32, #tpu.memory_space<vmem_shared>>
      tpu.enqueue_dma source(%arg9 : memref<128x128xi32, #tpu.memory_space<vmem>>) target(%dma_start3A_36 : memref<128x128xi32, #tpu.memory_space<vmem_shared>>) target_semaphore(%run_scoped3A : memref<!tpu.dma_semaphore, #tpu.memory_space<semaphore_mem>>)
      %dma_wait3A = arith.constant 0 : i32
      %dma_wait3A_37 = tpu.memref_slice %arg6[%add3A_12, %dma_wait3A] : memref<10240x128xi32, #tpu.memory_space<vmem_shared>> -> memref<128x128xi32, #tpu.memory_space<vmem_shared>>
      %dma_wait3A_38 = arith.constant 0 : i32
      %dma_wait3A_39 = tpu.memref_slice %arg6[%add3A_12, %dma_wait3A_38] : memref<10240x128xi32, #tpu.memory_space<vmem_shared>> -> memref<128x128xi32, #tpu.memory_space<vmem_shared>>
      tpu.wait_dma2 semaphore(%run_scoped3A : memref<!tpu.dma_semaphore, #tpu.memory_space<semaphore_mem>>) src(%arg9 : memref<128x128xi32, #tpu.memory_space<vmem>>) dst(%dma_wait3A_39 : memref<128x128xi32, #tpu.memory_space<vmem_shared>>)
      tpu.yield
    }) : () -> ()
    %add3A_13 = arith.constant 512 : i32
    %add3A_14 = arith.addi %mul3A_5, %add3A_13 : i32
    "tpu.region"() ({
      %run_scoped3A = tpu.sem_alloc : memref<!tpu.dma_semaphore, #tpu.memory_space<semaphore_mem>>
      %dma_start3A_33 = arith.constant 0 : i32
      %dma_start3A_34 = tpu.memref_slice %arg6[%add3A_14, %dma_start3A_33] : memref<10240x128xi32, #tpu.memory_space<vmem_shared>> -> memref<128x128xi32, #tpu.memory_space<vmem_shared>>
      %dma_start3A_35 = arith.constant 0 : i32
      %dma_start3A_36 = tpu.memref_slice %arg6[%add3A_14, %dma_start3A_35] : memref<10240x128xi32, #tpu.memory_space<vmem_shared>> -> memref<128x128xi32, #tpu.memory_space<vmem_shared>>
      tpu.enqueue_dma source(%arg9 : memref<128x128xi32, #tpu.memory_space<vmem>>) target(%dma_start3A_36 : memref<128x128xi32, #tpu.memory_space<vmem_shared>>) target_semaphore(%run_scoped3A : memref<!tpu.dma_semaphore, #tpu.memory_space<semaphore_mem>>)
      %dma_wait3A = arith.constant 0 : i32
      %dma_wait3A_37 = tpu.memref_slice %arg6[%add3A_14, %dma_wait3A] : memref<10240x128xi32, #tpu.memory_space<vmem_shared>> -> memref<128x128xi32, #tpu.memory_space<vmem_shared>>
      %dma_wait3A_38 = arith.constant 0 : i32
      %dma_wait3A_39 = tpu.memref_slice %arg6[%add3A_14, %dma_wait3A_38] : memref<10240x128xi32, #tpu.memory_space<vmem_shared>> -> memref<128x128xi32, #tpu.memory_space<vmem_shared>>
      tpu.wait_dma2 semaphore(%run_scoped3A : memref<!tpu.dma_semaphore, #tpu.memory_space<semaphore_mem>>) src(%arg9 : memref<128x128xi32, #tpu.memory_space<vmem>>) dst(%dma_wait3A_39 : memref<128x128xi32, #tpu.memory_space<vmem_shared>>)
      tpu.yield
    }) : () -> ()
    %barrier3A = arith.constant 0 : index
    tpu.barrier barrier_id(%barrier3A)
    "tpu.region"() ({
      %run_scoped3A = tpu.sem_alloc : memref<!tpu.dma_semaphore, #tpu.memory_space<semaphore_mem>>
      %dma_start3A_33 = arith.constant 0 : i32
      %dma_start3A_34 = arith.constant 0 : i32
      %dma_start3A_35 = tpu.memref_slice %arg3[%arg0, %arg1, %dma_start3A_33, %dma_start3A_34] : memref<2x16x40x128xi32, #tpu.memory_space<hbm>> -> memref<1x1x40x128xi32, #tpu.memory_space<hbm>>
      %dma_start3A_36 = tpu.memref_squeeze %dma_start3A_35 : memref<1x1x40x128xi32, #tpu.memory_space<hbm>> -> memref<40x128xi32, #tpu.memory_space<hbm>>
      %dma_start3A_37 = arith.constant 0 : i32
      %dma_start3A_38 = arith.constant 0 : i32
      %dma_start3A_39 = tpu.memref_slice %arg3[%arg0, %arg1, %dma_start3A_37, %dma_start3A_38] : memref<2x16x40x128xi32, #tpu.memory_space<hbm>> -> memref<1x1x40x128xi32, #tpu.memory_space<hbm>>
      %dma_start3A_40 = tpu.memref_squeeze %dma_start3A_39 : memref<1x1x40x128xi32, #tpu.memory_space<hbm>> -> memref<40x128xi32, #tpu.memory_space<hbm>>
      tpu.enqueue_dma source(%dma_start3A_40 : memref<40x128xi32, #tpu.memory_space<hbm>>) target(%arg7 : memref<40x128xi32, #tpu.memory_space<vmem>>) target_semaphore(%run_scoped3A : memref<!tpu.dma_semaphore, #tpu.memory_space<semaphore_mem>>)
      %dma_wait3A = arith.constant 0 : i32
      %dma_wait3A_41 = arith.constant 0 : i32
      %dma_wait3A_42 = tpu.memref_slice %arg3[%arg0, %arg1, %dma_wait3A, %dma_wait3A_41] : memref<2x16x40x128xi32, #tpu.memory_space<hbm>> -> memref<1x1x40x128xi32, #tpu.memory_space<hbm>>
      %dma_wait3A_43 = tpu.memref_squeeze %dma_wait3A_42 : memref<1x1x40x128xi32, #tpu.memory_space<hbm>> -> memref<40x128xi32, #tpu.memory_space<hbm>>
      %dma_wait3A_44 = arith.constant 0 : i32
      %dma_wait3A_45 = arith.constant 0 : i32
      %dma_wait3A_46 = tpu.memref_slice %arg3[%arg0, %arg1, %dma_wait3A_44, %dma_wait3A_45] : memref<2x16x40x128xi32, #tpu.memory_space<hbm>> -> memref<1x1x40x128xi32, #tpu.memory_space<hbm>>
      %dma_wait3A_47 = tpu.memref_squeeze %dma_wait3A_46 : memref<1x1x40x128xi32, #tpu.memory_space<hbm>> -> memref<40x128xi32, #tpu.memory_space<hbm>>
      tpu.wait_dma2 semaphore(%run_scoped3A : memref<!tpu.dma_semaphore, #tpu.memory_space<semaphore_mem>>) src(%dma_wait3A_47 : memref<40x128xi32, #tpu.memory_space<hbm>>) dst(%arg7 : memref<40x128xi32, #tpu.memory_space<vmem>>)
      tpu.yield
    }) : () -> ()
    "tpu.region"() ({
      %run_scoped3A = tpu.sem_alloc : memref<!tpu.dma_semaphore, #tpu.memory_space<semaphore_mem>>
      %dma_start3A_33 = arith.constant 0 : i32
      %dma_start3A_34 = arith.constant 0 : i32
      %dma_start3A_35 = tpu.memref_slice %arg4[%arg0, %arg1, %dma_start3A_33, %dma_start3A_34] : memref<2x16x40x128xi32, #tpu.memory_space<hbm>> -> memref<1x1x40x128xi32, #tpu.memory_space<hbm>>
      %dma_start3A_36 = tpu.memref_squeeze %dma_start3A_35 : memref<1x1x40x128xi32, #tpu.memory_space<hbm>> -> memref<40x128xi32, #tpu.memory_space<hbm>>
      %dma_start3A_37 = arith.constant 0 : i32
      %dma_start3A_38 = arith.constant 0 : i32
      %dma_start3A_39 = tpu.memref_slice %arg4[%arg0, %arg1, %dma_start3A_37, %dma_start3A_38] : memref<2x16x40x128xi32, #tpu.memory_space<hbm>> -> memref<1x1x40x128xi32, #tpu.memory_space<hbm>>
      %dma_start3A_40 = tpu.memref_squeeze %dma_start3A_39 : memref<1x1x40x128xi32, #tpu.memory_space<hbm>> -> memref<40x128xi32, #tpu.memory_space<hbm>>
      tpu.enqueue_dma source(%dma_start3A_40 : memref<40x128xi32, #tpu.memory_space<hbm>>) target(%arg8 : memref<40x128xi32, #tpu.memory_space<vmem>>) target_semaphore(%run_scoped3A : memref<!tpu.dma_semaphore, #tpu.memory_space<semaphore_mem>>)
      %dma_wait3A = arith.constant 0 : i32
      %dma_wait3A_41 = arith.constant 0 : i32
      %dma_wait3A_42 = tpu.memref_slice %arg4[%arg0, %arg1, %dma_wait3A, %dma_wait3A_41] : memref<2x16x40x128xi32, #tpu.memory_space<hbm>> -> memref<1x1x40x128xi32, #tpu.memory_space<hbm>>
      %dma_wait3A_43 = tpu.memref_squeeze %dma_wait3A_42 : memref<1x1x40x128xi32, #tpu.memory_space<hbm>> -> memref<40x128xi32, #tpu.memory_space<hbm>>
      %dma_wait3A_44 = arith.constant 0 : i32
      %dma_wait3A_45 = arith.constant 0 : i32
      %dma_wait3A_46 = tpu.memref_slice %arg4[%arg0, %arg1, %dma_wait3A_44, %dma_wait3A_45] : memref<2x16x40x128xi32, #tpu.memory_space<hbm>> -> memref<1x1x40x128xi32, #tpu.memory_space<hbm>>
      %dma_wait3A_47 = tpu.memref_squeeze %dma_wait3A_46 : memref<1x1x40x128xi32, #tpu.memory_space<hbm>> -> memref<40x128xi32, #tpu.memory_space<hbm>>
      tpu.wait_dma2 semaphore(%run_scoped3A : memref<!tpu.dma_semaphore, #tpu.memory_space<semaphore_mem>>) src(%dma_wait3A_47 : memref<40x128xi32, #tpu.memory_space<hbm>>) dst(%arg8 : memref<40x128xi32, #tpu.memory_space<vmem>>)
      tpu.yield
    }) : () -> ()
    %dma_start3A = arith.constant 0 : i32
    %dma_start3A_15 = arith.constant 0 : i32
    %dma_start3A_16 = tpu.memref_slice %arg7[%dma_start3A, %dma_start3A_15] : memref<40x128xi32, #tpu.memory_space<vmem>> -> memref<1x128xi32, #tpu.memory_space<vmem>>
    %dma_start3A_17 = tpu.memref_squeeze %dma_start3A_16 : memref<1x128xi32, #tpu.memory_space<vmem>> -> memref<128xi32, #tpu.memory_space<vmem>>
    %dma_start3A_18 = arith.constant 0 : i32
    %dma_start3A_19 = arith.constant 0 : i32
    %dma_start3A_20 = tpu.memref_slice %arg2[%dma_start3A_18, %dma_start3A_19] : memref<20000x128xi32, #tpu.memory_space<hbm>> -> memref<20000x128xi32, #tpu.memory_space<hbm>>
    tpu.enqueue_indirect_dma source(%dma_start3A_20 : memref<20000x128xi32, #tpu.memory_space<hbm>>) target(%arg9 : memref<128x128xi32, #tpu.memory_space<vmem>>) offsets(%dma_start3A_17 : memref<128xi32, #tpu.memory_space<vmem>>) semaphore(%arg11 : memref<!tpu.dma_semaphore, #tpu.memory_space<semaphore_mem>>)
    %scan3A_21 = arith.constant 0 : i32
    %scan3A_22 = arith.constant 20 : i32
    %scan3A_23 = arith.addi %scan3A_21, %scan3A_22 : i32
    %scan3A_24 = arith.constant 1 : i32
    scf.for %scan3A_33 = %scan3A_21 to %scan3A_23 step %scan3A_24  : i32 {
      %mul3A_34 = arith.constant 1 : i32
      %mul3A_35 = arith.muli %scan3A_33, %mul3A_34 : i32
      %add3A_36 = arith.constant 0 : i32
      %add3A_37 = arith.addi %add3A_36, %mul3A_35 : i32
      %mul3A_38 = arith.constant 2 : i32
      %mul3A_39 = arith.muli %add3A_37, %mul3A_38 : i32
      %add3A_40 = arith.constant 1 : i32
      %add3A_41 = arith.addi %mul3A_39, %add3A_40 : i32
      %dma_start3A_42 = arith.constant 0 : i32
      %dma_start3A_43 = tpu.memref_slice %arg7[%add3A_41, %dma_start3A_42] : memref<40x128xi32, #tpu.memory_space<vmem>> -> memref<1x128xi32, #tpu.memory_space<vmem>>
      %dma_start3A_44 = tpu.memref_squeeze %dma_start3A_43 : memref<1x128xi32, #tpu.memory_space<vmem>> -> memref<128xi32, #tpu.memory_space<vmem>>
      %dma_start3A_45 = arith.constant 0 : i32
      %dma_start3A_46 = arith.constant 0 : i32
      %dma_start3A_47 = tpu.memref_slice %arg2[%dma_start3A_45, %dma_start3A_46] : memref<20000x128xi32, #tpu.memory_space<hbm>> -> memref<20000x128xi32, #tpu.memory_space<hbm>>
      tpu.enqueue_indirect_dma source(%dma_start3A_47 : memref<20000x128xi32, #tpu.memory_space<hbm>>) target(%arg10 : memref<128x128xi32, #tpu.memory_space<vmem>>) offsets(%dma_start3A_44 : memref<128xi32, #tpu.memory_space<vmem>>) semaphore(%arg11 : memref<!tpu.dma_semaphore, #tpu.memory_space<semaphore_mem>>)
      %dma_wait3A = arith.constant 0 : i32
      %dma_wait3A_48 = tpu.memref_slice %arg7[%mul3A_39, %dma_wait3A] : memref<40x128xi32, #tpu.memory_space<vmem>> -> memref<1x128xi32, #tpu.memory_space<vmem>>
      %dma_wait3A_49 = tpu.memref_squeeze %dma_wait3A_48 : memref<1x128xi32, #tpu.memory_space<vmem>> -> memref<128xi32, #tpu.memory_space<vmem>>
      %dma_wait3A_50 = arith.constant 0 : i32
      %dma_wait3A_51 = arith.constant 0 : i32
      %dma_wait3A_52 = tpu.memref_slice %arg2[%dma_wait3A_50, %dma_wait3A_51] : memref<20000x128xi32, #tpu.memory_space<hbm>> -> memref<20000x128xi32, #tpu.memory_space<hbm>>
      tpu.wait_indirect_dma semaphore(%arg11 : memref<!tpu.dma_semaphore, #tpu.memory_space<semaphore_mem>>) src(%dma_wait3A_52 : memref<20000x128xi32, #tpu.memory_space<hbm>>) dst(%arg9 : memref<128x128xi32, #tpu.memory_space<vmem>>)
      "tpu.region"() ({
        %run_scoped3A = tpu.sem_alloc : memref<!tpu.dma_semaphore, #tpu.memory_space<semaphore_mem>>
        %dma_start3A_64 = arith.constant 0 : i32
        %dma_start3A_65 = tpu.memref_slice %arg8[%mul3A_39, %dma_start3A_64] : memref<40x128xi32, #tpu.memory_space<vmem>> -> memref<1x128xi32, #tpu.memory_space<vmem>>
        %dma_start3A_66 = tpu.memref_squeeze %dma_start3A_65 : memref<1x128xi32, #tpu.memory_space<vmem>> -> memref<128xi32, #tpu.memory_space<vmem>>
        %dma_start3A_67 = arith.constant 0 : i32
        %dma_start3A_68 = arith.constant 0 : i32
        %dma_start3A_69 = tpu.memref_slice %arg6[%dma_start3A_67, %dma_start3A_68] : memref<10240x128xi32, #tpu.memory_space<vmem_shared>> -> memref<10240x128xi32, #tpu.memory_space<vmem_shared>>
        tpu.enqueue_indirect_dma source(%arg9 : memref<128x128xi32, #tpu.memory_space<vmem>>) target(%dma_start3A_69 : memref<10240x128xi32, #tpu.memory_space<vmem_shared>>) offsets(%dma_start3A_66 : memref<128xi32, #tpu.memory_space<vmem>>) semaphore(%run_scoped3A : memref<!tpu.dma_semaphore, #tpu.memory_space<semaphore_mem>>) {add = true}
        %dma_wait3A_70 = arith.constant 0 : i32
        %dma_wait3A_71 = tpu.memref_slice %arg8[%mul3A_39, %dma_wait3A_70] : memref<40x128xi32, #tpu.memory_space<vmem>> -> memref<1x128xi32, #tpu.memory_space<vmem>>
        %dma_wait3A_72 = tpu.memref_squeeze %dma_wait3A_71 : memref<1x128xi32, #tpu.memory_space<vmem>> -> memref<128xi32, #tpu.memory_space<vmem>>
        %dma_wait3A_73 = arith.constant 0 : i32
        %dma_wait3A_74 = arith.constant 0 : i32
        %dma_wait3A_75 = tpu.memref_slice %arg6[%dma_wait3A_73, %dma_wait3A_74] : memref<10240x128xi32, #tpu.memory_space<vmem_shared>> -> memref<10240x128xi32, #tpu.memory_space<vmem_shared>>
        tpu.wait_indirect_dma semaphore(%run_scoped3A : memref<!tpu.dma_semaphore, #tpu.memory_space<semaphore_mem>>) src(%arg9 : memref<128x128xi32, #tpu.memory_space<vmem>>) dst(%dma_wait3A_75 : memref<10240x128xi32, #tpu.memory_space<vmem_shared>>)
        tpu.yield
      }) : () -> ()
      %lt3A_53 = arith.constant 19 : i32
      %lt3A_54 = arith.cmpi slt, %add3A_37, %lt3A_53 : i32
      %convert_element_type3A_55 = arith.extui %lt3A_54 : i1 to i32
      %cond3A_56 = arith.constant 0 : i32
      %cond3A_57 = arith.cmpi ne, %convert_element_type3A_55, %cond3A_56 : i32
      scf.if %cond3A_57 {
        %add3A_64 = arith.constant 2 : i32
        %add3A_65 = arith.addi %mul3A_39, %add3A_64 : i32
        %dma_start3A_66 = arith.constant 0 : i32
        %dma_start3A_67 = tpu.memref_slice %arg7[%add3A_65, %dma_start3A_66] : memref<40x128xi32, #tpu.memory_space<vmem>> -> memref<1x128xi32, #tpu.memory_space<vmem>>
        %dma_start3A_68 = tpu.memref_squeeze %dma_start3A_67 : memref<1x128xi32, #tpu.memory_space<vmem>> -> memref<128xi32, #tpu.memory_space<vmem>>
        %dma_start3A_69 = arith.constant 0 : i32
        %dma_start3A_70 = arith.constant 0 : i32
        %dma_start3A_71 = tpu.memref_slice %arg2[%dma_start3A_69, %dma_start3A_70] : memref<20000x128xi32, #tpu.memory_space<hbm>> -> memref<20000x128xi32, #tpu.memory_space<hbm>>
        tpu.enqueue_indirect_dma source(%dma_start3A_71 : memref<20000x128xi32, #tpu.memory_space<hbm>>) target(%arg9 : memref<128x128xi32, #tpu.memory_space<vmem>>) offsets(%dma_start3A_68 : memref<128xi32, #tpu.memory_space<vmem>>) semaphore(%arg11 : memref<!tpu.dma_semaphore, #tpu.memory_space<semaphore_mem>>)
      } else {
      }
      %dma_wait3A_58 = arith.constant 0 : i32
      %dma_wait3A_59 = tpu.memref_slice %arg7[%add3A_41, %dma_wait3A_58] : memref<40x128xi32, #tpu.memory_space<vmem>> -> memref<1x128xi32, #tpu.memory_space<vmem>>
      %dma_wait3A_60 = tpu.memref_squeeze %dma_wait3A_59 : memref<1x128xi32, #tpu.memory_space<vmem>> -> memref<128xi32, #tpu.memory_space<vmem>>
      %dma_wait3A_61 = arith.constant 0 : i32
      %dma_wait3A_62 = arith.constant 0 : i32
      %dma_wait3A_63 = tpu.memref_slice %arg2[%dma_wait3A_61, %dma_wait3A_62] : memref<20000x128xi32, #tpu.memory_space<hbm>> -> memref<20000x128xi32, #tpu.memory_space<hbm>>
      tpu.wait_indirect_dma semaphore(%arg11 : memref<!tpu.dma_semaphore, #tpu.memory_space<semaphore_mem>>) src(%dma_wait3A_63 : memref<20000x128xi32, #tpu.memory_space<hbm>>) dst(%arg10 : memref<128x128xi32, #tpu.memory_space<vmem>>)
      "tpu.region"() ({
        %run_scoped3A = tpu.sem_alloc : memref<!tpu.dma_semaphore, #tpu.memory_space<semaphore_mem>>
        %dma_start3A_64 = arith.constant 0 : i32
        %dma_start3A_65 = tpu.memref_slice %arg8[%add3A_41, %dma_start3A_64] : memref<40x128xi32, #tpu.memory_space<vmem>> -> memref<1x128xi32, #tpu.memory_space<vmem>>
        %dma_start3A_66 = tpu.memref_squeeze %dma_start3A_65 : memref<1x128xi32, #tpu.memory_space<vmem>> -> memref<128xi32, #tpu.memory_space<vmem>>
        %dma_start3A_67 = arith.constant 0 : i32
        %dma_start3A_68 = arith.constant 0 : i32
        %dma_start3A_69 = tpu.memref_slice %arg6[%dma_start3A_67, %dma_start3A_68] : memref<10240x128xi32, #tpu.memory_space<vmem_shared>> -> memref<10240x128xi32, #tpu.memory_space<vmem_shared>>
        tpu.enqueue_indirect_dma source(%arg10 : memref<128x128xi32, #tpu.memory_space<vmem>>) target(%dma_start3A_69 : memref<10240x128xi32, #tpu.memory_space<vmem_shared>>) offsets(%dma_start3A_66 : memref<128xi32, #tpu.memory_space<vmem>>) semaphore(%run_scoped3A : memref<!tpu.dma_semaphore, #tpu.memory_space<semaphore_mem>>) {add = true}
        %dma_wait3A_70 = arith.constant 0 : i32
        %dma_wait3A_71 = tpu.memref_slice %arg8[%add3A_41, %dma_wait3A_70] : memref<40x128xi32, #tpu.memory_space<vmem>> -> memref<1x128xi32, #tpu.memory_space<vmem>>
        %dma_wait3A_72 = tpu.memref_squeeze %dma_wait3A_71 : memref<1x128xi32, #tpu.memory_space<vmem>> -> memref<128xi32, #tpu.memory_space<vmem>>
        %dma_wait3A_73 = arith.constant 0 : i32
        %dma_wait3A_74 = arith.constant 0 : i32
        %dma_wait3A_75 = tpu.memref_slice %arg6[%dma_wait3A_73, %dma_wait3A_74] : memref<10240x128xi32, #tpu.memory_space<vmem_shared>> -> memref<10240x128xi32, #tpu.memory_space<vmem_shared>>
        tpu.wait_indirect_dma semaphore(%run_scoped3A : memref<!tpu.dma_semaphore, #tpu.memory_space<semaphore_mem>>) src(%arg10 : memref<128x128xi32, #tpu.memory_space<vmem>>) dst(%dma_wait3A_75 : memref<10240x128xi32, #tpu.memory_space<vmem_shared>>)
        tpu.yield
      }) : () -> ()
    }
    %scan3A_25 = arith.constant 20 : i32
    %barrier3A_26 = arith.constant 0 : index
    tpu.barrier barrier_id(%barrier3A_26)
    %lt3A = arith.constant 15 : i32
    %lt3A_27 = arith.cmpi slt, %arg1, %lt3A : i32
    %convert_element_type3A = arith.extui %lt3A_27 : i1 to i32
    %cond3A = arith.constant 0 : i32
    %cond3A_28 = arith.cmpi ne, %convert_element_type3A, %cond3A : i32
    scf.if %cond3A_28 {
      %mul3A_33 = arith.constant 640 : i32
      %mul3A_34 = arith.muli %arg1, %mul3A_33 : i32
      %mul3A_35 = arith.constant 640 : i32
      %mul3A_36 = arith.muli %arg1, %mul3A_35 : i32
      "tpu.region"() ({
        %run_scoped3A = tpu.sem_alloc : memref<!tpu.dma_semaphore, #tpu.memory_space<semaphore_mem>>
        %dma_start3A_37 = arith.constant 0 : i32
        %dma_start3A_38 = tpu.memref_slice %arg5[%arg0, %mul3A_36, %dma_start3A_37] : memref<2x10000x128xi32, #tpu.memory_space<hbm>> -> memref<1x640x128xi32, #tpu.memory_space<hbm>>
        %dma_start3A_39 = tpu.memref_squeeze %dma_start3A_38 : memref<1x640x128xi32, #tpu.memory_space<hbm>> -> memref<640x128xi32, #tpu.memory_space<hbm>>
        %dma_start3A_40 = arith.constant 0 : i32
        %dma_start3A_41 = tpu.memref_slice %arg6[%mul3A_34, %dma_start3A_40] : memref<10240x128xi32, #tpu.memory_space<vmem_shared>> -> memref<640x128xi32, #tpu.memory_space<vmem_shared>>
        tpu.enqueue_dma source(%dma_start3A_41 : memref<640x128xi32, #tpu.memory_space<vmem_shared>>) target(%dma_start3A_39 : memref<640x128xi32, #tpu.memory_space<hbm>>) target_semaphore(%run_scoped3A : memref<!tpu.dma_semaphore, #tpu.memory_space<semaphore_mem>>)
        %dma_wait3A = arith.constant 0 : i32
        %dma_wait3A_42 = tpu.memref_slice %arg5[%arg0, %mul3A_36, %dma_wait3A] : memref<2x10000x128xi32, #tpu.memory_space<hbm>> -> memref<1x640x128xi32, #tpu.memory_space<hbm>>
        %dma_wait3A_43 = tpu.memref_squeeze %dma_wait3A_42 : memref<1x640x128xi32, #tpu.memory_space<hbm>> -> memref<640x128xi32, #tpu.memory_space<hbm>>
        %dma_wait3A_44 = arith.constant 0 : i32
        %dma_wait3A_45 = tpu.memref_slice %arg6[%mul3A_34, %dma_wait3A_44] : memref<10240x128xi32, #tpu.memory_space<vmem_shared>> -> memref<640x128xi32, #tpu.memory_space<vmem_shared>>
        tpu.wait_dma2 semaphore(%run_scoped3A : memref<!tpu.dma_semaphore, #tpu.memory_space<semaphore_mem>>) src(%dma_wait3A_45 : memref<640x128xi32, #tpu.memory_space<vmem_shared>>) dst(%dma_wait3A_43 : memref<640x128xi32, #tpu.memory_space<hbm>>)
        tpu.yield
      }) : () -> ()
    } else {
    }
    %eq3A = arith.constant 15 : i32
    %eq3A_29 = arith.cmpi eq, %arg1, %eq3A : i32
    %convert_element_type3A_30 = arith.extui %eq3A_29 : i1 to i32
    %cond3A_31 = arith.constant 0 : i32
    %cond3A_32 = arith.cmpi ne, %convert_element_type3A_30, %cond3A_31 : i32
    scf.if %cond3A_32 {
      "tpu.region"() ({
        %run_scoped3A = tpu.sem_alloc : memref<!tpu.dma_semaphore, #tpu.memory_space<semaphore_mem>>
        %dma_start3A_33 = arith.constant 9600 : i32
        %dma_start3A_34 = arith.constant 0 : i32
        %dma_start3A_35 = tpu.memref_slice %arg5[%arg0, %dma_start3A_33, %dma_start3A_34] : memref<2x10000x128xi32, #tpu.memory_space<hbm>> -> memref<1x400x128xi32, #tpu.memory_space<hbm>>
        %dma_start3A_36 = tpu.memref_squeeze %dma_start3A_35 : memref<1x400x128xi32, #tpu.memory_space<hbm>> -> memref<400x128xi32, #tpu.memory_space<hbm>>
        %dma_start3A_37 = arith.constant 9600 : i32
        %dma_start3A_38 = arith.constant 0 : i32
        %dma_start3A_39 = tpu.memref_slice %arg6[%dma_start3A_37, %dma_start3A_38] : memref<10240x128xi32, #tpu.memory_space<vmem_shared>> -> memref<400x128xi32, #tpu.memory_space<vmem_shared>>
        tpu.enqueue_dma source(%dma_start3A_39 : memref<400x128xi32, #tpu.memory_space<vmem_shared>>) target(%dma_start3A_36 : memref<400x128xi32, #tpu.memory_space<hbm>>) target_semaphore(%run_scoped3A : memref<!tpu.dma_semaphore, #tpu.memory_space<semaphore_mem>>)
        %dma_wait3A = arith.constant 9600 : i32
        %dma_wait3A_40 = arith.constant 0 : i32
        %dma_wait3A_41 = tpu.memref_slice %arg5[%arg0, %dma_wait3A, %dma_wait3A_40] : memref<2x10000x128xi32, #tpu.memory_space<hbm>> -> memref<1x400x128xi32, #tpu.memory_space<hbm>>
        %dma_wait3A_42 = tpu.memref_squeeze %dma_wait3A_41 : memref<1x400x128xi32, #tpu.memory_space<hbm>> -> memref<400x128xi32, #tpu.memory_space<hbm>>
        %dma_wait3A_43 = arith.constant 9600 : i32
        %dma_wait3A_44 = arith.constant 0 : i32
        %dma_wait3A_45 = tpu.memref_slice %arg6[%dma_wait3A_43, %dma_wait3A_44] : memref<10240x128xi32, #tpu.memory_space<vmem_shared>> -> memref<400x128xi32, #tpu.memory_space<vmem_shared>>
        tpu.wait_dma2 semaphore(%run_scoped3A : memref<!tpu.dma_semaphore, #tpu.memory_space<semaphore_mem>>) src(%dma_wait3A_45 : memref<400x128xi32, #tpu.memory_space<vmem_shared>>) dst(%dma_wait3A_42 : memref<400x128xi32, #tpu.memory_space<hbm>>)
        tpu.yield
      }) : () -> ()
    } else {
    }
    return
  }
}

module attributes {stable_mosaic.version = 14 : i64} {
  func.func @_mm_stats_l1_body(%arg0: i32, %arg1: memref<1x400x128xf32, #tpu.memory_space<vmem>>, %arg2: memref<1x400x128xf32, #tpu.memory_space<vmem>>, %arg3: memref<400x128xf32, #tpu.memory_space<vmem>>, %arg4: memref<128x256xf32, #tpu.memory_space<vmem>>, %arg5: memref<128x256xf32, #tpu.memory_space<vmem>>, %arg6: memref<128x256xf32, #tpu.memory_space<vmem>>, %arg7: memref<1x256xf32, #tpu.memory_space<vmem>>, %arg8: memref<400x256xf32, #tpu.memory_space<vmem>>, %arg9: memref<8x256xf32, #tpu.memory_space<vmem>>, %arg10: memref<8x256xf32, #tpu.memory_space<vmem>>) attributes {dimension_semantics = [#tpu.dimension_semantics<arbitrary>], iteration_bounds = array<i64: 25>, scalar_prefetch = 0 : i64, scratch_operands = 1 : i64, tpu.core_type = #tpu.core_type<tc>, window_params = [{transform_indices = @transform_0, window_bounds = array<i64: 1, 400, 128>}, {transform_indices = @transform_1, window_bounds = array<i64: 1, 400, 128>}, {transform_indices = @transform_2, window_bounds = array<i64: 400, 128>}, {pipeline_mode = #tpu.pipeline_mode<synchronous>, transform_indices = @transform_3, window_bounds = array<i64: 128, 256>}, {pipeline_mode = #tpu.pipeline_mode<synchronous>, transform_indices = @transform_4, window_bounds = array<i64: 128, 256>}, {pipeline_mode = #tpu.pipeline_mode<synchronous>, transform_indices = @transform_5, window_bounds = array<i64: 128, 256>}, {pipeline_mode = #tpu.pipeline_mode<synchronous>, transform_indices = @transform_6, window_bounds = array<i64: 1, 256>}, {transform_indices = @transform_7, window_bounds = array<i64: 400, 256>}, {pipeline_mode = #tpu.pipeline_mode<synchronous>, transform_indices = @transform_8, window_bounds = array<i64: 8, 256>}]} {
    %get3A = arith.constant 0 : index
    %get3A_0 = arith.constant 0 : index
    %get3A_1 = arith.constant 0 : index
    %get3A_2 = vector.load %arg1[%get3A, %get3A_0, %get3A_1] : memref<1x400x128xf32, #tpu.memory_space<vmem>>, vector<1x400x128xf32>
    %get3A_3 = vector.shape_cast %get3A_2 : vector<1x400x128xf32> to vector<400x128xf32>
    %get3A_4 = arith.constant 0 : index
    %get3A_5 = arith.constant 0 : index
    %get3A_6 = vector.load %arg4[%get3A_4, %get3A_5] : memref<128x256xf32, #tpu.memory_space<vmem>>, vector<128x256xf32>
    %dot_general3A = arith.constant dense<0.000000e+00> : vector<400x256xf32>
    %dot_general3A_7 = tpu.matmul %get3A_3, %get3A_6, %dot_general3A {dimension_numbers = #tpu.dot_dimension_numbers<[1], [0], [0], [1], [0, 0, 1, 1], [], []>, transpose_lhs_hint = false} : vector<400x128xf32>, vector<128x256xf32>, vector<400x256xf32> -> vector<400x256xf32>
    %get3A_8 = arith.constant 0 : index
    %get3A_9 = arith.constant 0 : index
    %get3A_10 = arith.constant 0 : index
    %get3A_11 = vector.load %arg2[%get3A_8, %get3A_9, %get3A_10] : memref<1x400x128xf32, #tpu.memory_space<vmem>>, vector<1x400x128xf32>
    %get3A_12 = vector.shape_cast %get3A_11 : vector<1x400x128xf32> to vector<400x128xf32>
    %get3A_13 = arith.constant 0 : index
    %get3A_14 = arith.constant 0 : index
    %get3A_15 = vector.load %arg5[%get3A_13, %get3A_14] : memref<128x256xf32, #tpu.memory_space<vmem>>, vector<128x256xf32>
    %dot_general3A_16 = arith.constant dense<0.000000e+00> : vector<400x256xf32>
    %dot_general3A_17 = tpu.matmul %get3A_12, %get3A_15, %dot_general3A_16 {dimension_numbers = #tpu.dot_dimension_numbers<[1], [0], [0], [1], [0, 0, 1, 1], [], []>, transpose_lhs_hint = false} : vector<400x128xf32>, vector<128x256xf32>, vector<400x256xf32> -> vector<400x256xf32>
    %add3A = arith.addf %dot_general3A_7, %dot_general3A_17 : vector<400x256xf32>
    %get3A_18 = arith.constant 0 : index
    %get3A_19 = arith.constant 0 : index
    %get3A_20 = vector.load %arg3[%get3A_18, %get3A_19] : memref<400x128xf32, #tpu.memory_space<vmem>>, vector<400x128xf32>
    %get3A_21 = arith.constant 0 : index
    %get3A_22 = arith.constant 0 : index
    %get3A_23 = vector.load %arg6[%get3A_21, %get3A_22] : memref<128x256xf32, #tpu.memory_space<vmem>>, vector<128x256xf32>
    %dot_general3A_24 = arith.constant dense<0.000000e+00> : vector<400x256xf32>
    %dot_general3A_25 = tpu.matmul %get3A_20, %get3A_23, %dot_general3A_24 {dimension_numbers = #tpu.dot_dimension_numbers<[1], [0], [0], [1], [0, 0, 1, 1], [], []>, transpose_lhs_hint = false} : vector<400x128xf32>, vector<128x256xf32>, vector<400x256xf32> -> vector<400x256xf32>
    %add3A_26 = arith.addf %add3A, %dot_general3A_25 : vector<400x256xf32>
    %get3A_27 = arith.constant 0 : index
    %get3A_28 = arith.constant 0 : index
    %get3A_29 = vector.load %arg7[%get3A_27, %get3A_28] : memref<1x256xf32, #tpu.memory_space<vmem>>, vector<1x256xf32>
    %add3A_30 = vector.broadcast %get3A_29 : vector<1x256xf32> to vector<400x256xf32>
    %add3A_31 = arith.addf %add3A_26, %add3A_30 : vector<400x256xf32>
    %swap3A = arith.constant 0 : index
    %swap3A_32 = arith.constant 0 : index
    %swap3A_33 = vector.load %arg8[%swap3A, %swap3A_32] : memref<400x256xf32, #tpu.memory_space<vmem>>, vector<400x256xf32>
    tpu.vector_store %arg8[%swap3A, %swap3A_32], %add3A_31 {strides = array<i32>} : memref<400x256xf32, #tpu.memory_space<vmem>>, vector<400x256xf32>,
    %reduce_sum3A = arith.constant dense<0.000000e+00> : vector<256xf32>
    %reduce_sum3A_34 = vector.multi_reduction <add>, %add3A_31, %reduce_sum3A [0] : vector<400x256xf32> to vector<256xf32>
    %broadcast_in_dim3A = vector.shape_cast %reduce_sum3A_34 : vector<256xf32> to vector<1x256xf32>
    %mul3A = arith.mulf %add3A_31, %add3A_31 : vector<400x256xf32>
    %reduce_sum3A_35 = arith.constant dense<0.000000e+00> : vector<256xf32>
    %reduce_sum3A_36 = vector.multi_reduction <add>, %mul3A, %reduce_sum3A_35 [0] : vector<400x256xf32> to vector<256xf32>
    %broadcast_in_dim3A_37 = vector.shape_cast %reduce_sum3A_36 : vector<256xf32> to vector<1x256xf32>
    %eq3A = arith.constant 0 : i32
    %eq3A_38 = arith.cmpi eq, %arg0, %eq3A : i32
    %convert_element_type3A = arith.extui %eq3A_38 : i1 to i32
    %cond3A = arith.constant 0 : i32
    %cond3A_39 = arith.cmpi ne, %convert_element_type3A, %cond3A : i32
    scf.if %cond3A_39 {
      %broadcast_in_dim3A_59 = arith.constant 0.000000e+00 : f32
      %broadcast_in_dim3A_60 = vector.broadcast %broadcast_in_dim3A_59 : f32 to vector<8x256xf32>
      %swap3A_61 = arith.constant 0 : index
      %swap3A_62 = arith.constant 0 : index
      %swap3A_63 = vector.load %arg10[%swap3A_61, %swap3A_62] : memref<8x256xf32, #tpu.memory_space<vmem>>, vector<8x256xf32>
      tpu.vector_store %arg10[%swap3A_61, %swap3A_62], %broadcast_in_dim3A_60 {strides = array<i32>} : memref<8x256xf32, #tpu.memory_space<vmem>>, vector<8x256xf32>,
    } else {
    }
    %get3A_40 = arith.constant 0 : index
    %get3A_41 = arith.constant 0 : index
    %get3A_42 = vector.load %arg10[%get3A_40, %get3A_41] : memref<8x256xf32, #tpu.memory_space<vmem>>, vector<1x256xf32>
    %add3A_43 = arith.addf %get3A_42, %broadcast_in_dim3A : vector<1x256xf32>
    %swap3A_44 = arith.constant 0 : index
    %swap3A_45 = arith.constant 0 : index
    %swap3A_46 = vector.load %arg10[%swap3A_44, %swap3A_45] : memref<8x256xf32, #tpu.memory_space<vmem>>, vector<1x256xf32>
    tpu.vector_store %arg10[%swap3A_44, %swap3A_45], %add3A_43 {strides = array<i32>} : memref<8x256xf32, #tpu.memory_space<vmem>>, vector<1x256xf32>,
    %get3A_47 = arith.constant 1 : index
    %get3A_48 = arith.constant 0 : index
    %get3A_49 = vector.load %arg10[%get3A_47, %get3A_48] : memref<8x256xf32, #tpu.memory_space<vmem>>, vector<1x256xf32>
    %add3A_50 = arith.addf %get3A_49, %broadcast_in_dim3A_37 : vector<1x256xf32>
    %swap3A_51 = arith.constant 1 : index
    %swap3A_52 = arith.constant 0 : index
    %swap3A_53 = vector.load %arg10[%swap3A_51, %swap3A_52] : memref<8x256xf32, #tpu.memory_space<vmem>>, vector<1x256xf32>
    tpu.vector_store %arg10[%swap3A_51, %swap3A_52], %add3A_50 {strides = array<i32>} : memref<8x256xf32, #tpu.memory_space<vmem>>, vector<1x256xf32>,
    %eq3A_54 = arith.constant 24 : i32
    %eq3A_55 = arith.cmpi eq, %arg0, %eq3A_54 : i32
    %convert_element_type3A_56 = arith.extui %eq3A_55 : i1 to i32
    %cond3A_57 = arith.constant 0 : i32
    %cond3A_58 = arith.cmpi ne, %convert_element_type3A_56, %cond3A_57 : i32
    scf.if %cond3A_58 {
      %get3A_59 = arith.constant 0 : index
      %get3A_60 = arith.constant 0 : index
      %get3A_61 = vector.load %arg10[%get3A_59, %get3A_60] : memref<8x256xf32, #tpu.memory_space<vmem>>, vector<8x256xf32>
      %swap3A_62 = arith.constant 0 : index
      %swap3A_63 = arith.constant 0 : index
      %swap3A_64 = vector.load %arg9[%swap3A_62, %swap3A_63] : memref<8x256xf32, #tpu.memory_space<vmem>>, vector<8x256xf32>
      tpu.vector_store %arg9[%swap3A_62, %swap3A_63], %get3A_61 {strides = array<i32>} : memref<8x256xf32, #tpu.memory_space<vmem>>, vector<8x256xf32>,
    } else {
    }
    return
  }
  func.func @transform_0(%arg0: i32) -> (i32, i32, i32) {
    %c0_i32 = arith.constant 0 : i32
    %c0_i32_0 = arith.constant 0 : i32
    %c0_i32_1 = arith.constant 0 : i32
    return %c0_i32, %arg0, %c0_i32_0 : i32, i32, i32
  }
  func.func @transform_1(%arg0: i32) -> (i32, i32, i32) {
    %c1_i32 = arith.constant 1 : i32
    %c0_i32 = arith.constant 0 : i32
    %c0_i32_0 = arith.constant 0 : i32
    return %c1_i32, %arg0, %c0_i32 : i32, i32, i32
  }
  func.func @transform_2(%arg0: i32) -> (i32, i32) {
    %c0_i32 = arith.constant 0 : i32
    %c0_i32_0 = arith.constant 0 : i32
    return %arg0, %c0_i32 : i32, i32
  }
  func.func @transform_3(%arg0: i32) -> (i32, i32) {
    %c0_i32 = arith.constant 0 : i32
    %c0_i32_0 = arith.constant 0 : i32
    %c0_i32_1 = arith.constant 0 : i32
    return %c0_i32, %c0_i32_0 : i32, i32
  }
  func.func @transform_4(%arg0: i32) -> (i32, i32) {
    %c0_i32 = arith.constant 0 : i32
    %c0_i32_0 = arith.constant 0 : i32
    %c0_i32_1 = arith.constant 0 : i32
    return %c0_i32, %c0_i32_0 : i32, i32
  }
  func.func @transform_5(%arg0: i32) -> (i32, i32) {
    %c0_i32 = arith.constant 0 : i32
    %c0_i32_0 = arith.constant 0 : i32
    %c0_i32_1 = arith.constant 0 : i32
    return %c0_i32, %c0_i32_0 : i32, i32
  }
  func.func @transform_6(%arg0: i32) -> (i32, i32) {
    %c0_i32 = arith.constant 0 : i32
    %c0_i32_0 = arith.constant 0 : i32
    %c0_i32_1 = arith.constant 0 : i32
    return %c0_i32, %c0_i32_0 : i32, i32
  }
  func.func @transform_7(%arg0: i32) -> (i32, i32) {
    %c0_i32 = arith.constant 0 : i32
    %c0_i32_0 = arith.constant 0 : i32
    return %arg0, %c0_i32 : i32, i32
  }
  func.func @transform_8(%arg0: i32) -> (i32, i32) {
    %c0_i32 = arith.constant 0 : i32
    %c0_i32_0 = arith.constant 0 : i32
    %c0_i32_1 = arith.constant 0 : i32
    return %c0_i32, %c0_i32_0 : i32, i32
  }
}

module attributes {stable_mosaic.version = 14 : i64} {
  func.func @_bn_relu_body(%arg0: i32, %arg1: memref<400x256xf32, #tpu.memory_space<vmem>>, %arg2: memref<8x256xf32, #tpu.memory_space<vmem>>, %arg3: memref<1x256xf32, #tpu.memory_space<vmem>>, %arg4: memref<1x256xf32, #tpu.memory_space<vmem>>, %arg5: memref<400x256xf32, #tpu.memory_space<vmem>>, %arg6: memref<400x128xi32, #tpu.memory_space<vmem>>) attributes {dimension_semantics = [#tpu.dimension_semantics<arbitrary>], iteration_bounds = array<i64: 25>, scalar_prefetch = 0 : i64, scratch_operands = 0 : i64, tpu.core_type = #tpu.core_type<tc>, window_params = [{transform_indices = @transform_0, window_bounds = array<i64: 400, 256>}, {pipeline_mode = #tpu.pipeline_mode<synchronous>, transform_indices = @transform_1, window_bounds = array<i64: 8, 256>}, {pipeline_mode = #tpu.pipeline_mode<synchronous>, transform_indices = @transform_2, window_bounds = array<i64: 1, 256>}, {pipeline_mode = #tpu.pipeline_mode<synchronous>, transform_indices = @transform_3, window_bounds = array<i64: 1, 256>}, {transform_indices = @transform_4, window_bounds = array<i64: 400, 256>}, {transform_indices = @transform_5, window_bounds = array<i64: 400, 128>}]} {
    %get3A = arith.constant 0 : index
    %get3A_0 = arith.constant 0 : index
    %get3A_1 = vector.load %arg2[%get3A, %get3A_0] : memref<8x256xf32, #tpu.memory_space<vmem>>, vector<1x256xf32>
    %mul3A = arith.constant 9.99999974E-5 : f32
    %mul3A_2 = vector.broadcast %mul3A : f32 to vector<1x256xf32>
    %mul3A_3 = arith.mulf %get3A_1, %mul3A_2 : vector<1x256xf32>
    %get3A_4 = arith.constant 1 : index
    %get3A_5 = arith.constant 0 : index
    %get3A_6 = vector.load %arg2[%get3A_4, %get3A_5] : memref<8x256xf32, #tpu.memory_space<vmem>>, vector<1x256xf32>
    %mul3A_7 = arith.constant 9.99999974E-5 : f32
    %mul3A_8 = vector.broadcast %mul3A_7 : f32 to vector<1x256xf32>
    %mul3A_9 = arith.mulf %get3A_6, %mul3A_8 : vector<1x256xf32>
    %mul3A_10 = arith.mulf %mul3A_3, %mul3A_3 : vector<1x256xf32>
    %sub3A = arith.subf %mul3A_9, %mul3A_10 : vector<1x256xf32>
    %get3A_11 = arith.constant 0 : index
    %get3A_12 = arith.constant 0 : index
    %get3A_13 = vector.load %arg3[%get3A_11, %get3A_12] : memref<1x256xf32, #tpu.memory_space<vmem>>, vector<1x256xf32>
    %add3A = arith.constant 9.99999974E-6 : f32
    %add3A_14 = vector.broadcast %add3A : f32 to vector<1x256xf32>
    %add3A_15 = arith.addf %sub3A, %add3A_14 : vector<1x256xf32>
    %rsqrt3A = math.rsqrt %add3A_15 : vector<1x256xf32>
    %mul3A_16 = arith.mulf %get3A_13, %rsqrt3A : vector<1x256xf32>
    %get3A_17 = arith.constant 0 : index
    %get3A_18 = arith.constant 0 : index
    %get3A_19 = vector.load %arg1[%get3A_17, %get3A_18] : memref<400x256xf32, #tpu.memory_space<vmem>>, vector<400x256xf32>
    %mul3A_20 = vector.broadcast %mul3A_16 : vector<1x256xf32> to vector<400x256xf32>
    %mul3A_21 = arith.mulf %get3A_19, %mul3A_20 : vector<400x256xf32>
    %get3A_22 = arith.constant 0 : index
    %get3A_23 = arith.constant 0 : index
    %get3A_24 = vector.load %arg4[%get3A_22, %get3A_23] : memref<1x256xf32, #tpu.memory_space<vmem>>, vector<1x256xf32>
    %mul3A_25 = arith.mulf %mul3A_3, %mul3A_16 : vector<1x256xf32>
    %sub3A_26 = arith.subf %get3A_24, %mul3A_25 : vector<1x256xf32>
    %add3A_27 = vector.broadcast %sub3A_26 : vector<1x256xf32> to vector<400x256xf32>
    %add3A_28 = arith.addf %mul3A_21, %add3A_27 : vector<400x256xf32>
    %max3A = arith.constant 0.000000e+00 : f32
    %max3A_29 = vector.broadcast %max3A : f32 to vector<400x256xf32>
    %max3A_30 = arith.maximumf %add3A_28, %max3A_29 : vector<400x256xf32>
    %swap3A = arith.constant 0 : index
    %swap3A_31 = arith.constant 0 : index
    %swap3A_32 = vector.load %arg5[%swap3A, %swap3A_31] : memref<400x256xf32, #tpu.memory_space<vmem>>, vector<400x256xf32>
    tpu.vector_store %arg5[%swap3A, %swap3A_31], %max3A_30 {strides = array<i32>} : memref<400x256xf32, #tpu.memory_space<vmem>>, vector<400x256xf32>,
    %mul3A_33 = arith.constant 2.560000e+02 : f32
    %mul3A_34 = vector.broadcast %mul3A_33 : f32 to vector<400x256xf32>
    %mul3A_35 = arith.mulf %max3A_30, %mul3A_34 : vector<400x256xf32>
    %add3A_36 = arith.constant 5.000000e-01 : f32
    %add3A_37 = vector.broadcast %add3A_36 : f32 to vector<400x256xf32>
    %add3A_38 = arith.addf %mul3A_35, %add3A_37 : vector<400x256xf32>
    %convert_element_type3A = arith.fptosi %add3A_38 : vector<400x256xf32> to vector<400x256xi32>
    %slice3A = vector.extract_strided_slice %convert_element_type3A {offsets = [0, 0], sizes = [400, 128], strides = [1, 1]} : vector<400x256xi32> to vector<400x128xi32>
    %slice3A_39 = vector.extract_strided_slice %convert_element_type3A {offsets = [0, 128], sizes = [400, 128], strides = [1, 1]} : vector<400x256xi32> to vector<400x128xi32>
    %shift_left3A = arith.constant 16 : i32
    %shift_left3A_40 = vector.broadcast %shift_left3A : i32 to vector<400x128xi32>
    %shift_left3A_41 = arith.shli %slice3A_39, %shift_left3A_40 : vector<400x128xi32>
    %add3A_42 = arith.addi %slice3A, %shift_left3A_41 : vector<400x128xi32>
    %swap3A_43 = arith.constant 0 : index
    %swap3A_44 = arith.constant 0 : index
    %swap3A_45 = vector.load %arg6[%swap3A_43, %swap3A_44] : memref<400x128xi32, #tpu.memory_space<vmem>>, vector<400x128xi32>
    tpu.vector_store %arg6[%swap3A_43, %swap3A_44], %add3A_42 {strides = array<i32>} : memref<400x128xi32, #tpu.memory_space<vmem>>, vector<400x128xi32>,
    return
  }
  func.func @transform_0(%arg0: i32) -> (i32, i32) {
    %c0_i32 = arith.constant 0 : i32
    %c0_i32_0 = arith.constant 0 : i32
    return %arg0, %c0_i32 : i32, i32
  }
  func.func @transform_1(%arg0: i32) -> (i32, i32) {
    %c0_i32 = arith.constant 0 : i32
    %c0_i32_0 = arith.constant 0 : i32
    %c0_i32_1 = arith.constant 0 : i32
    return %c0_i32, %c0_i32_0 : i32, i32
  }
  func.func @transform_2(%arg0: i32) -> (i32, i32) {
    %c0_i32 = arith.constant 0 : i32
    %c0_i32_0 = arith.constant 0 : i32
    %c0_i32_1 = arith.constant 0 : i32
    return %c0_i32, %c0_i32_0 : i32, i32
  }
  func.func @transform_3(%arg0: i32) -> (i32, i32) {
    %c0_i32 = arith.constant 0 : i32
    %c0_i32_0 = arith.constant 0 : i32
    %c0_i32_1 = arith.constant 0 : i32
    return %c0_i32, %c0_i32_0 : i32, i32
  }
  func.func @transform_4(%arg0: i32) -> (i32, i32) {
    %c0_i32 = arith.constant 0 : i32
    %c0_i32_0 = arith.constant 0 : i32
    return %arg0, %c0_i32 : i32, i32
  }
  func.func @transform_5(%arg0: i32) -> (i32, i32) {
    %c0_i32 = arith.constant 0 : i32
    %c0_i32_0 = arith.constant 0 : i32
    return %arg0, %c0_i32 : i32, i32
  }
}

module attributes {stable_mosaic.version = 14 : i64} {
  func.func @_mm_stats_l2_body(%arg0: i32, %arg1: memref<1x400x128xi32, #tpu.memory_space<vmem>>, %arg2: memref<1x400x128xi32, #tpu.memory_space<vmem>>, %arg3: memref<1x400x128xi32, #tpu.memory_space<vmem>>, %arg4: memref<1x400x128xi32, #tpu.memory_space<vmem>>, %arg5: memref<400x256xf32, #tpu.memory_space<vmem>>, %arg6: memref<128x256xf32, #tpu.memory_space<vmem>>, %arg7: memref<128x256xf32, #tpu.memory_space<vmem>>, %arg8: memref<128x256xf32, #tpu.memory_space<vmem>>, %arg9: memref<128x256xf32, #tpu.memory_space<vmem>>, %arg10: memref<256x256xf32, #tpu.memory_space<vmem>>, %arg11: memref<1x256xf32, #tpu.memory_space<vmem>>, %arg12: memref<400x256xf32, #tpu.memory_space<vmem>>, %arg13: memref<8x256xf32, #tpu.memory_space<vmem>>, %arg14: memref<8x256xf32, #tpu.memory_space<vmem>>) attributes {dimension_semantics = [#tpu.dimension_semantics<arbitrary>], iteration_bounds = array<i64: 25>, scalar_prefetch = 0 : i64, scratch_operands = 1 : i64, tpu.core_type = #tpu.core_type<tc>, window_params = [{transform_indices = @transform_0, window_bounds = array<i64: 1, 400, 128>}, {transform_indices = @transform_1, window_bounds = array<i64: 1, 400, 128>}, {transform_indices = @transform_2, window_bounds = array<i64: 1, 400, 128>}, {transform_indices = @transform_3, window_bounds = array<i64: 1, 400, 128>}, {transform_indices = @transform_4, window_bounds = array<i64: 400, 256>}, {pipeline_mode = #tpu.pipeline_mode<synchronous>, transform_indices = @transform_5, window_bounds = array<i64: 128, 256>}, {pipeline_mode = #tpu.pipeline_mode<synchronous>, transform_indices = @transform_6, window_bounds = array<i64: 128, 256>}, {pipeline_mode = #tpu.pipeline_mode<synchronous>, transform_indices = @transform_7, window_bounds = array<i64: 128, 256>}, {pipeline_mode = #tpu.pipeline_mode<synchronous>, transform_indices = @transform_8, window_bounds = array<i64: 128, 256>}, {pipeline_mode = #tpu.pipeline_mode<synchronous>, transform_indices = @transform_9, window_bounds = array<i64: 256, 256>}, {pipeline_mode = #tpu.pipeline_mode<synchronous>, transform_indices = @transform_10, window_bounds = array<i64: 1, 256>}, {transform_indices = @transform_11, window_bounds = array<i64: 400, 256>}, {pipeline_mode = #tpu.pipeline_mode<synchronous>, transform_indices = @transform_12, window_bounds = array<i64: 8, 256>}]} {
    %get3A = arith.constant 0 : index
    %get3A_0 = arith.constant 0 : index
    %get3A_1 = arith.constant 0 : index
    %get3A_2 = vector.load %arg1[%get3A, %get3A_0, %get3A_1] : memref<1x400x128xi32, #tpu.memory_space<vmem>>, vector<1x400x128xi32>
    %get3A_3 = vector.shape_cast %get3A_2 : vector<1x400x128xi32> to vector<400x128xi32>
    %get3A_4 = arith.constant 0 : index
    %get3A_5 = arith.constant 0 : index
    %get3A_6 = arith.constant 0 : index
    %get3A_7 = vector.load %arg2[%get3A_4, %get3A_5, %get3A_6] : memref<1x400x128xi32, #tpu.memory_space<vmem>>, vector<1x400x128xi32>
    %get3A_8 = vector.shape_cast %get3A_7 : vector<1x400x128xi32> to vector<400x128xi32>
    %add3A = arith.addi %get3A_3, %get3A_8 : vector<400x128xi32>
    %and3A = arith.constant 65535 : i32
    %and3A_9 = vector.broadcast %and3A : i32 to vector<400x128xi32>
    %and3A_10 = arith.andi %add3A, %and3A_9 : vector<400x128xi32>
    %convert_element_type3A = arith.sitofp %and3A_10 : vector<400x128xi32> to vector<400x128xf32>
    %shift_right_logical3A = arith.constant 16 : i32
    %shift_right_logical3A_11 = vector.broadcast %shift_right_logical3A : i32 to vector<400x128xi32>
    %shift_right_logical3A_12 = arith.shrui %add3A, %shift_right_logical3A_11 : vector<400x128xi32>
    %convert_element_type3A_13 = arith.sitofp %shift_right_logical3A_12 : vector<400x128xi32> to vector<400x128xf32>
    %get3A_14 = arith.constant 0 : index
    %get3A_15 = arith.constant 0 : index
    %get3A_16 = arith.constant 0 : index
    %get3A_17 = vector.load %arg3[%get3A_14, %get3A_15, %get3A_16] : memref<1x400x128xi32, #tpu.memory_space<vmem>>, vector<1x400x128xi32>
    %get3A_18 = vector.shape_cast %get3A_17 : vector<1x400x128xi32> to vector<400x128xi32>
    %get3A_19 = arith.constant 0 : index
    %get3A_20 = arith.constant 0 : index
    %get3A_21 = arith.constant 0 : index
    %get3A_22 = vector.load %arg4[%get3A_19, %get3A_20, %get3A_21] : memref<1x400x128xi32, #tpu.memory_space<vmem>>, vector<1x400x128xi32>
    %get3A_23 = vector.shape_cast %get3A_22 : vector<1x400x128xi32> to vector<400x128xi32>
    %add3A_24 = arith.addi %get3A_18, %get3A_23 : vector<400x128xi32>
    %and3A_25 = arith.constant 65535 : i32
    %and3A_26 = vector.broadcast %and3A_25 : i32 to vector<400x128xi32>
    %and3A_27 = arith.andi %add3A_24, %and3A_26 : vector<400x128xi32>
    %convert_element_type3A_28 = arith.sitofp %and3A_27 : vector<400x128xi32> to vector<400x128xf32>
    %shift_right_logical3A_29 = arith.constant 16 : i32
    %shift_right_logical3A_30 = vector.broadcast %shift_right_logical3A_29 : i32 to vector<400x128xi32>
    %shift_right_logical3A_31 = arith.shrui %add3A_24, %shift_right_logical3A_30 : vector<400x128xi32>
    %convert_element_type3A_32 = arith.sitofp %shift_right_logical3A_31 : vector<400x128xi32> to vector<400x128xf32>
    %get3A_33 = arith.constant 0 : index
    %get3A_34 = arith.constant 0 : index
    %get3A_35 = vector.load %arg6[%get3A_33, %get3A_34] : memref<128x256xf32, #tpu.memory_space<vmem>>, vector<128x256xf32>
    %dot_general3A = arith.constant dense<0.000000e+00> : vector<400x256xf32>
    %dot_general3A_36 = tpu.matmul %convert_element_type3A, %get3A_35, %dot_general3A {dimension_numbers = #tpu.dot_dimension_numbers<[1], [0], [0], [1], [0, 0, 1, 1], [], []>, transpose_lhs_hint = false} : vector<400x128xf32>, vector<128x256xf32>, vector<400x256xf32> -> vector<400x256xf32>
    %get3A_37 = arith.constant 0 : index
    %get3A_38 = arith.constant 0 : index
    %get3A_39 = vector.load %arg7[%get3A_37, %get3A_38] : memref<128x256xf32, #tpu.memory_space<vmem>>, vector<128x256xf32>
    %dot_general3A_40 = arith.constant dense<0.000000e+00> : vector<400x256xf32>
    %dot_general3A_41 = tpu.matmul %convert_element_type3A_13, %get3A_39, %dot_general3A_40 {dimension_numbers = #tpu.dot_dimension_numbers<[1], [0], [0], [1], [0, 0, 1, 1], [], []>, transpose_lhs_hint = false} : vector<400x128xf32>, vector<128x256xf32>, vector<400x256xf32> -> vector<400x256xf32>
    %add3A_42 = arith.addf %dot_general3A_36, %dot_general3A_41 : vector<400x256xf32>
    %get3A_43 = arith.constant 0 : index
    %get3A_44 = arith.constant 0 : index
    %get3A_45 = vector.load %arg8[%get3A_43, %get3A_44] : memref<128x256xf32, #tpu.memory_space<vmem>>, vector<128x256xf32>
    %dot_general3A_46 = arith.constant dense<0.000000e+00> : vector<400x256xf32>
    %dot_general3A_47 = tpu.matmul %convert_element_type3A_28, %get3A_45, %dot_general3A_46 {dimension_numbers = #tpu.dot_dimension_numbers<[1], [0], [0], [1], [0, 0, 1, 1], [], []>, transpose_lhs_hint = false} : vector<400x128xf32>, vector<128x256xf32>, vector<400x256xf32> -> vector<400x256xf32>
    %add3A_48 = arith.addf %add3A_42, %dot_general3A_47 : vector<400x256xf32>
    %get3A_49 = arith.constant 0 : index
    %get3A_50 = arith.constant 0 : index
    %get3A_51 = vector.load %arg9[%get3A_49, %get3A_50] : memref<128x256xf32, #tpu.memory_space<vmem>>, vector<128x256xf32>
    %dot_general3A_52 = arith.constant dense<0.000000e+00> : vector<400x256xf32>
    %dot_general3A_53 = tpu.matmul %convert_element_type3A_32, %get3A_51, %dot_general3A_52 {dimension_numbers = #tpu.dot_dimension_numbers<[1], [0], [0], [1], [0, 0, 1, 1], [], []>, transpose_lhs_hint = false} : vector<400x128xf32>, vector<128x256xf32>, vector<400x256xf32> -> vector<400x256xf32>
    %add3A_54 = arith.addf %add3A_48, %dot_general3A_53 : vector<400x256xf32>
    %get3A_55 = arith.constant 0 : index
    %get3A_56 = arith.constant 0 : index
    %get3A_57 = vector.load %arg5[%get3A_55, %get3A_56] : memref<400x256xf32, #tpu.memory_space<vmem>>, vector<400x256xf32>
    %get3A_58 = arith.constant 0 : index
    %get3A_59 = arith.constant 0 : index
    %get3A_60 = vector.load %arg10[%get3A_58, %get3A_59] : memref<256x256xf32, #tpu.memory_space<vmem>>, vector<256x256xf32>
    %dot_general3A_61 = arith.constant dense<0.000000e+00> : vector<400x256xf32>
    %dot_general3A_62 = tpu.matmul %get3A_57, %get3A_60, %dot_general3A_61 {dimension_numbers = #tpu.dot_dimension_numbers<[1], [0], [0], [1], [0, 0, 1, 1], [], []>, transpose_lhs_hint = false} : vector<400x256xf32>, vector<256x256xf32>, vector<400x256xf32> -> vector<400x256xf32>
    %add3A_63 = arith.addf %add3A_54, %dot_general3A_62 : vector<400x256xf32>
    %get3A_64 = arith.constant 0 : index
    %get3A_65 = arith.constant 0 : index
    %get3A_66 = vector.load %arg11[%get3A_64, %get3A_65] : memref<1x256xf32, #tpu.memory_space<vmem>>, vector<1x256xf32>
    %add3A_67 = vector.broadcast %get3A_66 : vector<1x256xf32> to vector<400x256xf32>
    %add3A_68 = arith.addf %add3A_63, %add3A_67 : vector<400x256xf32>
    %swap3A = arith.constant 0 : index
    %swap3A_69 = arith.constant 0 : index
    %swap3A_70 = vector.load %arg12[%swap3A, %swap3A_69] : memref<400x256xf32, #tpu.memory_space<vmem>>, vector<400x256xf32>
    tpu.vector_store %arg12[%swap3A, %swap3A_69], %add3A_68 {strides = array<i32>} : memref<400x256xf32, #tpu.memory_space<vmem>>, vector<400x256xf32>,
    %reduce_sum3A = arith.constant dense<0.000000e+00> : vector<256xf32>
    %reduce_sum3A_71 = vector.multi_reduction <add>, %add3A_68, %reduce_sum3A [0] : vector<400x256xf32> to vector<256xf32>
    %broadcast_in_dim3A = vector.shape_cast %reduce_sum3A_71 : vector<256xf32> to vector<1x256xf32>
    %mul3A = arith.mulf %add3A_68, %add3A_68 : vector<400x256xf32>
    %reduce_sum3A_72 = arith.constant dense<0.000000e+00> : vector<256xf32>
    %reduce_sum3A_73 = vector.multi_reduction <add>, %mul3A, %reduce_sum3A_72 [0] : vector<400x256xf32> to vector<256xf32>
    %broadcast_in_dim3A_74 = vector.shape_cast %reduce_sum3A_73 : vector<256xf32> to vector<1x256xf32>
    %eq3A = arith.constant 0 : i32
    %eq3A_75 = arith.cmpi eq, %arg0, %eq3A : i32
    %convert_element_type3A_76 = arith.extui %eq3A_75 : i1 to i32
    %cond3A = arith.constant 0 : i32
    %cond3A_77 = arith.cmpi ne, %convert_element_type3A_76, %cond3A : i32
    scf.if %cond3A_77 {
      %broadcast_in_dim3A_97 = arith.constant 0.000000e+00 : f32
      %broadcast_in_dim3A_98 = vector.broadcast %broadcast_in_dim3A_97 : f32 to vector<8x256xf32>
      %swap3A_99 = arith.constant 0 : index
      %swap3A_100 = arith.constant 0 : index
      %swap3A_101 = vector.load %arg14[%swap3A_99, %swap3A_100] : memref<8x256xf32, #tpu.memory_space<vmem>>, vector<8x256xf32>
      tpu.vector_store %arg14[%swap3A_99, %swap3A_100], %broadcast_in_dim3A_98 {strides = array<i32>} : memref<8x256xf32, #tpu.memory_space<vmem>>, vector<8x256xf32>,
    } else {
    }
    %get3A_78 = arith.constant 0 : index
    %get3A_79 = arith.constant 0 : index
    %get3A_80 = vector.load %arg14[%get3A_78, %get3A_79] : memref<8x256xf32, #tpu.memory_space<vmem>>, vector<1x256xf32>
    %add3A_81 = arith.addf %get3A_80, %broadcast_in_dim3A : vector<1x256xf32>
    %swap3A_82 = arith.constant 0 : index
    %swap3A_83 = arith.constant 0 : index
    %swap3A_84 = vector.load %arg14[%swap3A_82, %swap3A_83] : memref<8x256xf32, #tpu.memory_space<vmem>>, vector<1x256xf32>
    tpu.vector_store %arg14[%swap3A_82, %swap3A_83], %add3A_81 {strides = array<i32>} : memref<8x256xf32, #tpu.memory_space<vmem>>, vector<1x256xf32>,
    %get3A_85 = arith.constant 1 : index
    %get3A_86 = arith.constant 0 : index
    %get3A_87 = vector.load %arg14[%get3A_85, %get3A_86] : memref<8x256xf32, #tpu.memory_space<vmem>>, vector<1x256xf32>
    %add3A_88 = arith.addf %get3A_87, %broadcast_in_dim3A_74 : vector<1x256xf32>
    %swap3A_89 = arith.constant 1 : index
    %swap3A_90 = arith.constant 0 : index
    %swap3A_91 = vector.load %arg14[%swap3A_89, %swap3A_90] : memref<8x256xf32, #tpu.memory_space<vmem>>, vector<1x256xf32>
    tpu.vector_store %arg14[%swap3A_89, %swap3A_90], %add3A_88 {strides = array<i32>} : memref<8x256xf32, #tpu.memory_space<vmem>>, vector<1x256xf32>,
    %eq3A_92 = arith.constant 24 : i32
    %eq3A_93 = arith.cmpi eq, %arg0, %eq3A_92 : i32
    %convert_element_type3A_94 = arith.extui %eq3A_93 : i1 to i32
    %cond3A_95 = arith.constant 0 : i32
    %cond3A_96 = arith.cmpi ne, %convert_element_type3A_94, %cond3A_95 : i32
    scf.if %cond3A_96 {
      %get3A_97 = arith.constant 0 : index
      %get3A_98 = arith.constant 0 : index
      %get3A_99 = vector.load %arg14[%get3A_97, %get3A_98] : memref<8x256xf32, #tpu.memory_space<vmem>>, vector<8x256xf32>
      %swap3A_100 = arith.constant 0 : index
      %swap3A_101 = arith.constant 0 : index
      %swap3A_102 = vector.load %arg13[%swap3A_100, %swap3A_101] : memref<8x256xf32, #tpu.memory_space<vmem>>, vector<8x256xf32>
      tpu.vector_store %arg13[%swap3A_100, %swap3A_101], %get3A_99 {strides = array<i32>} : memref<8x256xf32, #tpu.memory_space<vmem>>, vector<8x256xf32>,
    } else {
    }
    return
  }
  func.func @transform_0(%arg0: i32) -> (i32, i32, i32) {
    %c0_i32 = arith.constant 0 : i32
    %c0_i32_0 = arith.constant 0 : i32
    %c0_i32_1 = arith.constant 0 : i32
    return %c0_i32, %arg0, %c0_i32_0 : i32, i32, i32
  }
  func.func @transform_1(%arg0: i32) -> (i32, i32, i32) {
    %c1_i32 = arith.constant 1 : i32
    %c0_i32 = arith.constant 0 : i32
    %c0_i32_0 = arith.constant 0 : i32
    return %c1_i32, %arg0, %c0_i32 : i32, i32, i32
  }
  func.func @transform_2(%arg0: i32) -> (i32, i32, i32) {
    %c0_i32 = arith.constant 0 : i32
    %c0_i32_0 = arith.constant 0 : i32
    %c0_i32_1 = arith.constant 0 : i32
    return %c0_i32, %arg0, %c0_i32_0 : i32, i32, i32
  }
  func.func @transform_3(%arg0: i32) -> (i32, i32, i32) {
    %c1_i32 = arith.constant 1 : i32
    %c0_i32 = arith.constant 0 : i32
    %c0_i32_0 = arith.constant 0 : i32
    return %c1_i32, %arg0, %c0_i32 : i32, i32, i32
  }
  func.func @transform_4(%arg0: i32) -> (i32, i32) {
    %c0_i32 = arith.constant 0 : i32
    %c0_i32_0 = arith.constant 0 : i32
    return %arg0, %c0_i32 : i32, i32
  }
  func.func @transform_5(%arg0: i32) -> (i32, i32) {
    %c0_i32 = arith.constant 0 : i32
    %c0_i32_0 = arith.constant 0 : i32
    %c0_i32_1 = arith.constant 0 : i32
    return %c0_i32, %c0_i32_0 : i32, i32
  }
  func.func @transform_6(%arg0: i32) -> (i32, i32) {
    %c0_i32 = arith.constant 0 : i32
    %c0_i32_0 = arith.constant 0 : i32
    %c0_i32_1 = arith.constant 0 : i32
    return %c0_i32, %c0_i32_0 : i32, i32
  }
  func.func @transform_7(%arg0: i32) -> (i32, i32) {
    %c0_i32 = arith.constant 0 : i32
    %c0_i32_0 = arith.constant 0 : i32
    %c0_i32_1 = arith.constant 0 : i32
    return %c0_i32, %c0_i32_0 : i32, i32
  }
  func.func @transform_8(%arg0: i32) -> (i32, i32) {
    %c0_i32 = arith.constant 0 : i32
    %c0_i32_0 = arith.constant 0 : i32
    %c0_i32_1 = arith.constant 0 : i32
    return %c0_i32, %c0_i32_0 : i32, i32
  }
  func.func @transform_9(%arg0: i32) -> (i32, i32) {
    %c0_i32 = arith.constant 0 : i32
    %c0_i32_0 = arith.constant 0 : i32
    %c0_i32_1 = arith.constant 0 : i32
    return %c0_i32, %c0_i32_0 : i32, i32
  }
  func.func @transform_10(%arg0: i32) -> (i32, i32) {
    %c0_i32 = arith.constant 0 : i32
    %c0_i32_0 = arith.constant 0 : i32
    %c0_i32_1 = arith.constant 0 : i32
    return %c0_i32, %c0_i32_0 : i32, i32
  }
  func.func @transform_11(%arg0: i32) -> (i32, i32) {
    %c0_i32 = arith.constant 0 : i32
    %c0_i32_0 = arith.constant 0 : i32
    return %arg0, %c0_i32 : i32, i32
  }
  func.func @transform_12(%arg0: i32) -> (i32, i32) {
    %c0_i32 = arith.constant 0 : i32
    %c0_i32_0 = arith.constant 0 : i32
    %c0_i32_1 = arith.constant 0 : i32
    return %c0_i32, %c0_i32_0 : i32, i32
  }
}

module attributes {stable_mosaic.version = 14 : i64} {
  func.func @_bn_pool_body(%arg0: i32, %arg1: memref<400x256xf32, #tpu.memory_space<vmem>>, %arg2: memref<8x256xf32, #tpu.memory_space<vmem>>, %arg3: memref<1x256xf32, #tpu.memory_space<vmem>>, %arg4: memref<1x256xf32, #tpu.memory_space<vmem>>, %arg5: memref<1x1x400xi32, #tpu.memory_space<vmem>>, %arg6: memref<256x10xf32, #tpu.memory_space<vmem>>, %arg7: memref<1x10xf32, #tpu.memory_space<vmem>>, %arg8: memref<400x256xf32, #tpu.memory_space<vmem>>, %arg9: memref<64x10xf32, #tpu.memory_space<vmem>>, %arg10: memref<64x256xf32, #tpu.memory_space<vmem>>) attributes {dimension_semantics = [#tpu.dimension_semantics<arbitrary>], iteration_bounds = array<i64: 25>, scalar_prefetch = 0 : i64, scratch_operands = 1 : i64, tpu.core_type = #tpu.core_type<tc>, window_params = [{transform_indices = @transform_0, window_bounds = array<i64: 400, 256>}, {pipeline_mode = #tpu.pipeline_mode<synchronous>, transform_indices = @transform_1, window_bounds = array<i64: 8, 256>}, {pipeline_mode = #tpu.pipeline_mode<synchronous>, transform_indices = @transform_2, window_bounds = array<i64: 1, 256>}, {pipeline_mode = #tpu.pipeline_mode<synchronous>, transform_indices = @transform_3, window_bounds = array<i64: 1, 256>}, {transform_indices = @transform_4, window_bounds = array<i64: 1, 1, 400>}, {pipeline_mode = #tpu.pipeline_mode<synchronous>, transform_indices = @transform_5, window_bounds = array<i64: 256, 10>}, {pipeline_mode = #tpu.pipeline_mode<synchronous>, transform_indices = @transform_6, window_bounds = array<i64: 1, 10>}, {transform_indices = @transform_7, window_bounds = array<i64: 400, 256>}, {pipeline_mode = #tpu.pipeline_mode<synchronous>, transform_indices = @transform_8, window_bounds = array<i64: 64, 10>}]} {
    %get3A = arith.constant 0 : index
    %get3A_0 = arith.constant 0 : index
    %get3A_1 = vector.load %arg2[%get3A, %get3A_0] : memref<8x256xf32, #tpu.memory_space<vmem>>, vector<1x256xf32>
    %mul3A = arith.constant 9.99999974E-5 : f32
    %mul3A_2 = vector.broadcast %mul3A : f32 to vector<1x256xf32>
    %mul3A_3 = arith.mulf %get3A_1, %mul3A_2 : vector<1x256xf32>
    %get3A_4 = arith.constant 1 : index
    %get3A_5 = arith.constant 0 : index
    %get3A_6 = vector.load %arg2[%get3A_4, %get3A_5] : memref<8x256xf32, #tpu.memory_space<vmem>>, vector<1x256xf32>
    %mul3A_7 = arith.constant 9.99999974E-5 : f32
    %mul3A_8 = vector.broadcast %mul3A_7 : f32 to vector<1x256xf32>
    %mul3A_9 = arith.mulf %get3A_6, %mul3A_8 : vector<1x256xf32>
    %mul3A_10 = arith.mulf %mul3A_3, %mul3A_3 : vector<1x256xf32>
    %sub3A = arith.subf %mul3A_9, %mul3A_10 : vector<1x256xf32>
    %get3A_11 = arith.constant 0 : index
    %get3A_12 = arith.constant 0 : index
    %get3A_13 = vector.load %arg3[%get3A_11, %get3A_12] : memref<1x256xf32, #tpu.memory_space<vmem>>, vector<1x256xf32>
    %add3A = arith.constant 9.99999974E-6 : f32
    %add3A_14 = vector.broadcast %add3A : f32 to vector<1x256xf32>
    %add3A_15 = arith.addf %sub3A, %add3A_14 : vector<1x256xf32>
    %rsqrt3A = math.rsqrt %add3A_15 : vector<1x256xf32>
    %mul3A_16 = arith.mulf %get3A_13, %rsqrt3A : vector<1x256xf32>
    %get3A_17 = arith.constant 0 : index
    %get3A_18 = arith.constant 0 : index
    %get3A_19 = vector.load %arg1[%get3A_17, %get3A_18] : memref<400x256xf32, #tpu.memory_space<vmem>>, vector<400x256xf32>
    %mul3A_20 = vector.broadcast %mul3A_16 : vector<1x256xf32> to vector<400x256xf32>
    %mul3A_21 = arith.mulf %get3A_19, %mul3A_20 : vector<400x256xf32>
    %get3A_22 = arith.constant 0 : index
    %get3A_23 = arith.constant 0 : index
    %get3A_24 = vector.load %arg4[%get3A_22, %get3A_23] : memref<1x256xf32, #tpu.memory_space<vmem>>, vector<1x256xf32>
    %mul3A_25 = arith.mulf %mul3A_3, %mul3A_16 : vector<1x256xf32>
    %sub3A_26 = arith.subf %get3A_24, %mul3A_25 : vector<1x256xf32>
    %add3A_27 = vector.broadcast %sub3A_26 : vector<1x256xf32> to vector<400x256xf32>
    %add3A_28 = arith.addf %mul3A_21, %add3A_27 : vector<400x256xf32>
    %max3A = arith.constant 0.000000e+00 : f32
    %max3A_29 = vector.broadcast %max3A : f32 to vector<400x256xf32>
    %max3A_30 = arith.maximumf %add3A_28, %max3A_29 : vector<400x256xf32>
    %swap3A = arith.constant 0 : index
    %swap3A_31 = arith.constant 0 : index
    %swap3A_32 = vector.load %arg8[%swap3A, %swap3A_31] : memref<400x256xf32, #tpu.memory_space<vmem>>, vector<400x256xf32>
    tpu.vector_store %arg8[%swap3A, %swap3A_31], %max3A_30 {strides = array<i32>} : memref<400x256xf32, #tpu.memory_space<vmem>>, vector<400x256xf32>,
    %get3A_33 = arith.constant 0 : index
    %get3A_34 = arith.constant 0 : index
    %get3A_35 = arith.constant 0 : index
    %get3A_36 = vector.load %arg5[%get3A_33, %get3A_34, %get3A_35] : memref<1x1x400xi32, #tpu.memory_space<vmem>>, vector<1x1x400xi32>
    %get3A_37 = vector.shape_cast %get3A_36 : vector<1x1x400xi32> to vector<1x400xi32>
    %iota3A = tpu.iota {dimensions = array<i32: 0>} : vector<64x400xi32>
    %eq3A = vector.broadcast %get3A_37 : vector<1x400xi32> to vector<64x400xi32>
    %eq3A_38 = arith.cmpi eq, %iota3A, %eq3A : vector<64x400xi32>
    %jit3A = arith.constant 1.000000e+00 : f32
    %jit3A_39 = arith.constant 0.000000e+00 : f32
    %broadcast_in_dim3A = vector.broadcast %jit3A : f32 to vector<64x400xf32>
    %broadcast_in_dim3A_40 = vector.broadcast %jit3A_39 : f32 to vector<64x400xf32>
    %select_n3A = arith.select %eq3A_38, %broadcast_in_dim3A, %broadcast_in_dim3A_40 : vector<64x400xi1>, vector<64x400xf32>
    %dot_general3A = arith.constant dense<0.000000e+00> : vector<64x256xf32>
    %dot_general3A_41 = tpu.matmul %select_n3A, %max3A_30, %dot_general3A {dimension_numbers = #tpu.dot_dimension_numbers<[1], [0], [0], [1], [0, 0, 1, 1], [], []>, transpose_lhs_hint = false} : vector<64x400xf32>, vector<400x256xf32>, vector<64x256xf32> -> vector<64x256xf32>
    %eq3A_42 = arith.constant 0 : i32
    %eq3A_43 = arith.cmpi eq, %arg0, %eq3A_42 : i32
    %convert_element_type3A = arith.extui %eq3A_43 : i1 to i32
    %cond3A = arith.constant 0 : i32
    %cond3A_44 = arith.cmpi ne, %convert_element_type3A, %cond3A : i32
    scf.if %cond3A_44 {
      %broadcast_in_dim3A_57 = arith.constant 0.000000e+00 : f32
      %broadcast_in_dim3A_58 = vector.broadcast %broadcast_in_dim3A_57 : f32 to vector<64x256xf32>
      %swap3A_59 = arith.constant 0 : index
      %swap3A_60 = arith.constant 0 : index
      %swap3A_61 = vector.load %arg10[%swap3A_59, %swap3A_60] : memref<64x256xf32, #tpu.memory_space<vmem>>, vector<64x256xf32>
      tpu.vector_store %arg10[%swap3A_59, %swap3A_60], %broadcast_in_dim3A_58 {strides = array<i32>} : memref<64x256xf32, #tpu.memory_space<vmem>>, vector<64x256xf32>,
    } else {
    }
    %get3A_45 = arith.constant 0 : index
    %get3A_46 = arith.constant 0 : index
    %get3A_47 = vector.load %arg10[%get3A_45, %get3A_46] : memref<64x256xf32, #tpu.memory_space<vmem>>, vector<64x256xf32>
    %add3A_48 = arith.addf %get3A_47, %dot_general3A_41 : vector<64x256xf32>
    %swap3A_49 = arith.constant 0 : index
    %swap3A_50 = arith.constant 0 : index
    %swap3A_51 = vector.load %arg10[%swap3A_49, %swap3A_50] : memref<64x256xf32, #tpu.memory_space<vmem>>, vector<64x256xf32>
    tpu.vector_store %arg10[%swap3A_49, %swap3A_50], %add3A_48 {strides = array<i32>} : memref<64x256xf32, #tpu.memory_space<vmem>>, vector<64x256xf32>,
    %eq3A_52 = arith.constant 24 : i32
    %eq3A_53 = arith.cmpi eq, %arg0, %eq3A_52 : i32
    %convert_element_type3A_54 = arith.extui %eq3A_53 : i1 to i32
    %cond3A_55 = arith.constant 0 : i32
    %cond3A_56 = arith.cmpi ne, %convert_element_type3A_54, %cond3A_55 : i32
    scf.if %cond3A_56 {
      %get3A_57 = arith.constant 0 : index
      %get3A_58 = arith.constant 0 : index
      %get3A_59 = vector.load %arg10[%get3A_57, %get3A_58] : memref<64x256xf32, #tpu.memory_space<vmem>>, vector<64x256xf32>
      %get3A_60 = arith.constant 0 : index
      %get3A_61 = arith.constant 0 : index
      %get3A_62 = vector.load %arg6[%get3A_60, %get3A_61] : memref<256x10xf32, #tpu.memory_space<vmem>>, vector<256x10xf32>
      %dot_general3A_63 = arith.constant dense<0.000000e+00> : vector<64x10xf32>
      %dot_general3A_64 = tpu.matmul %get3A_59, %get3A_62, %dot_general3A_63 {dimension_numbers = #tpu.dot_dimension_numbers<[1], [0], [0], [1], [0, 0, 1, 1], [], []>, transpose_lhs_hint = false} : vector<64x256xf32>, vector<256x10xf32>, vector<64x10xf32> -> vector<64x10xf32>
      %get3A_65 = arith.constant 0 : index
      %get3A_66 = arith.constant 0 : index
      %get3A_67 = vector.load %arg7[%get3A_65, %get3A_66] : memref<1x10xf32, #tpu.memory_space<vmem>>, vector<1x10xf32>
      %add3A_68 = vector.broadcast %get3A_67 : vector<1x10xf32> to vector<64x10xf32>
      %add3A_69 = arith.addf %dot_general3A_64, %add3A_68 : vector<64x10xf32>
      %swap3A_70 = arith.constant 0 : index
      %swap3A_71 = arith.constant 0 : index
      %swap3A_72 = vector.load %arg9[%swap3A_70, %swap3A_71] : memref<64x10xf32, #tpu.memory_space<vmem>>, vector<64x10xf32>
      tpu.vector_store %arg9[%swap3A_70, %swap3A_71], %add3A_69 {strides = array<i32>} : memref<64x10xf32, #tpu.memory_space<vmem>>, vector<64x10xf32>,
    } else {
    }
    return
  }
  func.func @transform_0(%arg0: i32) -> (i32, i32) {
    %c0_i32 = arith.constant 0 : i32
    %c0_i32_0 = arith.constant 0 : i32
    return %arg0, %c0_i32 : i32, i32
  }
  func.func @transform_1(%arg0: i32) -> (i32, i32) {
    %c0_i32 = arith.constant 0 : i32
    %c0_i32_0 = arith.constant 0 : i32
    %c0_i32_1 = arith.constant 0 : i32
    return %c0_i32, %c0_i32_0 : i32, i32
  }
  func.func @transform_2(%arg0: i32) -> (i32, i32) {
    %c0_i32 = arith.constant 0 : i32
    %c0_i32_0 = arith.constant 0 : i32
    %c0_i32_1 = arith.constant 0 : i32
    return %c0_i32, %c0_i32_0 : i32, i32
  }
  func.func @transform_3(%arg0: i32) -> (i32, i32) {
    %c0_i32 = arith.constant 0 : i32
    %c0_i32_0 = arith.constant 0 : i32
    %c0_i32_1 = arith.constant 0 : i32
    return %c0_i32, %c0_i32_0 : i32, i32
  }
  func.func @transform_4(%arg0: i32) -> (i32, i32, i32) {
    %c0_i32 = arith.constant 0 : i32
    %c0_i32_0 = arith.constant 0 : i32
    %c0_i32_1 = arith.constant 0 : i32
    return %arg0, %c0_i32, %c0_i32_0 : i32, i32, i32
  }
  func.func @transform_5(%arg0: i32) -> (i32, i32) {
    %c0_i32 = arith.constant 0 : i32
    %c0_i32_0 = arith.constant 0 : i32
    %c0_i32_1 = arith.constant 0 : i32
    return %c0_i32, %c0_i32_0 : i32, i32
  }
  func.func @transform_6(%arg0: i32) -> (i32, i32) {
    %c0_i32 = arith.constant 0 : i32
    %c0_i32_0 = arith.constant 0 : i32
    %c0_i32_1 = arith.constant 0 : i32
    return %c0_i32, %c0_i32_0 : i32, i32
  }
  func.func @transform_7(%arg0: i32) -> (i32, i32) {
    %c0_i32 = arith.constant 0 : i32
    %c0_i32_0 = arith.constant 0 : i32
    return %arg0, %c0_i32 : i32, i32
  }
  func.func @transform_8(%arg0: i32) -> (i32, i32) {
    %c0_i32 = arith.constant 0 : i32
    %c0_i32_0 = arith.constant 0 : i32
    %c0_i32_1 = arith.constant 0 : i32
    return %c0_i32, %c0_i32_0 : i32, i32
  }
}

</mosaic_0001>

<sc_bundles>
// kernel: kernel.12.cloned.1.call-start
scs
__scs_entry_jumppad:
0x0: {  	(pc) =	sbr.rel $0x88, $3  }
0x1: {  	(tag) =	ssettag $0x0;
	lr =	simm.s32 $0x1  }
0x2: {  	[smem:$0x3F89] =	sst lr;
	_ =	strace $0xD0000000  }
0x3: {  	_ = 	snop  }
0x4: {  	_ = 	snop  }
0x5: {  	_ = 	snop  }
0x6: {  	_ = 	snop  }
0x7: {  	_ = 	snop  }
__scs_overlays_trampoline_lowered:
0x8: {  	[smem:$0x3F98] =	sst s0  }
0x9: {  	[smem:$0x3F99] =	sst s1  }
0xa: {  	[smem:$0x3F9A] =	sst s2  }
0xb: {  	[smem:$0x3F9B] =	sst s3  }
0xc: {  	[smem:$0x3F9C] =	sst s4  }
0xd: {  	[smem:$0x3F9D] =	sst s5  }
0xe: {  	[smem:$0x3F9E] =	sst s6  }
0xf: {  	[smem:$0x3F9F] =	sst s7  }
0x10: {  	[smem:$0x3FA0] =	sst s8  }
0x11: {  	[smem:$0x3FA1] =	sst s9;
	s0 =	simm.s32 @!p0 $0x0  }
0x12: {  	s1 =	sld [smem:$0x3F87];
	s0 =	simm.s32 @p0 $0x1  }
0x13: {  	[smem:$0x3FA2] =	sst s0;
	s0 =	simm.s32 @!p1 $0x0  }
0x14: {  	s2 =	sld [smem:$0x3F86];
	s0 =	simm.s32 @p1 $0x1  }
0x15: {  	[smem:$0x3FA3] =	sst s0;
	s0 =	simm.s32 @!p2 $0x0  }
0x16: {  	s3 =	sld [smem:$0x3FDB];
	s0 =	simm.s32 @p2 $0x1  }
0x17: {  	s4 =	simm.s32 $0x1BF5;
	[smem:$0x3FA5] =	sst s0  }
0x18: {  	s0 =	sld [smem:$0x3F88];
	_ =	swait.ge [sflag:s4], $0x0  }
0x19: {  	s7 =	sld [smem:$0x3F89]  }
0x1a: {  	s8 =	sadd.s32 $0xFFFFE003, lr  }
0x1b: {  	s9 =	sadd.s32 $0xFFFFFEF7, lr;
	s5 =	simm.s32 $0xFFFFFFFF;
	p2 =	slt.u32 s8, $0xFFFFF086  }
0x1c: {  	p1 =	slt.u32 s9, $0xF7A;
	s5 =	simm.s32 @!p2 $0x0  }
0x1d: {  	s5 =	simm.s32 @p1 $0x1;
	p0 =	seq.s32 s7, s2  }
0x1e: {  	s7 =	smul.u32 @!p0 $0xF7A, s2;
	p2 =	seq.s32 @!p0 s5, $0x0  }
0x1f: {  	s9 =	smul.u32 $0xF7A, s1;
	s8 =	simm.s32 @!p0 $0x1BF5;
	p2 =	por !p2, p0  }
0x20: {  	[sflag:s8] =	ssyncset.s32 @!p0 $0xFFFFF086;
	s6 =	sadd.s32 @!p0 s3, s7;
	s7 =	simm.s32 @!p0 $0x108  }
0x21: {  	s3 =	sadd.s32 s3, s9;
	s6 =	sadd.s32 @!p0 $0x88, s6;
	s7 =	simm.s32 @p2 $0x1082  }
0x22: {  	[simem:s7], [sflag:s8] =	dma.local @!p0 [hbm:s6], $0xF7A  }
0x23: {  	s9 =	sor.u32 $0xD0000000, s2;
	s6 =	simm.s32 $0x108;
	_ =	swait.ge @!p0 [sflag:s8], $0x0  }
0x24: {  	s3 =	sadd.s32 $0x88, s3;
	s6 =	simm.s32 @!p1 $0x1082;
	[sflag:s4] =	ssyncset.s32 $0xFFFFF086  }
0x25: {  	[simem:s6], [sflag:s4] =	dma.local [hbm:s3], $0xF7A  }
0x26: {  	[smem:$0x3F89] =	sst s1;
	(tag) =	ssettag s2;
	_ =	strace s9  }
0x27: {  	s1 =	sld [smem:$0x3F99]  }
0x28: {  	s2 =	sld [smem:$0x3F9A]  }
0x29: {  	s4 =	sld [smem:$0x3F9C]  }
0x2a: {  	p0 =	seq.s32 s5, $0x0;
	s5 =	sld [smem:$0x3F9D]  }
0x2b: {  	s6 =	sld [smem:$0x3F9E]  }
0x2c: {  	s7 =	sld [smem:$0x3F9F]  }
0x2d: {  	s3 =	simm.s32 $0x108;
	s8 =	sld [smem:$0x3FA0]  }
0x2e: {  	s3 =	simm.s32 @!p0 $0x1082;
	s9 =	sld [smem:$0x3FA1]  }
0x2f: {  	lr =	sadd.s32 s0, s3;
	s0 =	sld [smem:$0x3F98]  }
0x30: {  	s3 =	sld [smem:$0x3F9B]  }
0x31: {  	[smem:$0x3FA4] =	sst s10  }
0x32: {  	s10 =	sld [smem:$0x3FA2];
	_ =	sdelay $0x3  }
0x33: {  	p0 =	seq.s32 s10, $0x1;
	s10 =	sld [smem:$0x3FA4];
	_ =	sdelay $0x3  }
0x34: {  	[smem:$0x3FA4] =	sst s10  }
0x35: {  	s10 =	sld [smem:$0x3FA3];
	_ =	sdelay $0x3  }
0x36: {  	p1 =	seq.s32 s10, $0x1;
	s10 =	sld [smem:$0x3FA4];
	_ =	sdelay $0x3  }
0x37: {  	[smem:$0x3FA4] =	sst s10  }
0x38: {  	s10 =	sld [smem:$0x3FA5]  }
0x39: {  	_ = 	snop;
	(pc) =	sbr.ind lr, $3  }
0x3a: {  	_ = 	snop  }
0x3b: {  	_ = 	snop  }
0x3c: {  	p2 =	seq.s32 s10, $0x1;
	s10 =	sld [smem:$0x3FA4]  }
0x3d: {  	_ =	shalt  }
0x3e: {  	_ =	shalt  }
0x3f: {  	_ =	shalt  }
0x40: {  	_ =	shalt  }
0x41: {  	_ =	shalt  }
0x42: {  	_ =	shalt  }
0x43: {  	_ =	shalt  }
0x44: {  	_ =	shalt  }
0x45: {  	_ =	shalt  }
0x46: {  	_ =	shalt  }
0x47: {  	_ =	shalt  }
0x48: {  	_ =	shalt  }
0x49: {  	_ =	shalt  }
0x4a: {  	_ =	shalt  }
0x4b: {  	_ =	shalt  }
0x4c: {  	_ =	shalt  }
0x4d: {  	_ =	shalt  }
0x4e: {  	_ =	shalt  }
0x4f: {  	_ =	shalt  }
0x50: {  	_ =	shalt  }
0x51: {  	_ =	shalt  }
0x52: {  	_ =	shalt  }
0x53: {  	_ =	shalt  }
0x54: {  	_ =	shalt  }
0x55: {  	_ =	shalt  }
0x56: {  	_ =	shalt  }
0x57: {  	_ =	shalt  }
0x58: {  	_ =	shalt  }
0x59: {  	_ =	shalt  }
0x5a: {  	_ =	shalt  }
0x5b: {  	_ =	shalt  }
0x5c: {  	_ =	shalt  }
0x5d: {  	_ =	shalt  }
0x5e: {  	_ =	shalt  }
0x5f: {  	_ =	shalt  }
0x60: {  	_ =	shalt  }
0x61: {  	_ =	shalt  }
0x62: {  	_ =	shalt  }
0x63: {  	_ =	shalt  }
0x64: {  	_ =	shalt  }
0x65: {  	_ =	shalt  }
0x66: {  	_ =	shalt  }
0x67: {  	_ =	shalt  }
0x68: {  	_ =	shalt  }
0x69: {  	_ =	shalt  }
0x6a: {  	_ =	shalt  }
0x6b: {  	_ =	shalt  }
0x6c: {  	_ =	shalt  }
0x6d: {  	_ =	shalt  }
0x6e: {  	_ =	shalt  }
0x6f: {  	_ =	shalt  }
0x70: {  	_ =	shalt  }
0x71: {  	_ =	shalt  }
0x72: {  	_ =	shalt  }
0x73: {  	_ =	shalt  }
0x74: {  	_ =	shalt  }
0x75: {  	_ =	shalt  }
0x76: {  	_ =	shalt  }
0x77: {  	_ =	shalt  }
0x78: {  	_ =	shalt  }
0x79: {  	_ =	shalt  }
0x7a: {  	_ =	shalt  }
0x7b: {  	_ =	shalt  }
0x7c: {  	_ =	shalt  }
0x7d: {  	_ =	shalt  }
0x7e: {  	_ =	shalt  }
0x7f: {  	_ =	shalt  }
0x80: {  	_ =	shalt  }
0x81: {  	_ =	shalt  }
0x82: {  	_ =	shalt  }
0x83: {  	_ =	shalt  }
0x84: {  	_ =	shalt  }
0x85: {  	_ =	shalt  }
0x86: {  	_ =	shalt  }
0x87: {  	_ =	shalt  }
.Lfunc_end0:
.L_simem_size_0:
called_computation.1_lowered:
.L_overlay_start_0:
0x88: {  	s2 =	sld [smem:$0x3FD9]  }
0x89: {  	s3 =	sld [smem:$0x3FFE];
	_ =	sdelay $0x1  }
0x8a: {  	s1 =	srdreg.scid  }
0x8b: {  	s0 =	sand.u32 $0x1, s1  }
0x8c: {  	s14 =	sshll.u32 s0, $0xA;
	s2 =	sadd.s32 s3, s2  }
0x8d: {  	s2 =	sadd.s32 s2, s14  }
0x8e: {  	[smem:$0x3FB0] =	sst s2  }
0x8f: {  	_ = 	snop  }
0x90: {  	s2 =	sld [smem:$0x3FD0];
	_ =	sdelay $0x2  }
0x91: {  	s15 =	simm.s32 $0xB;
	s4 =	simm.s32 $0x10  }
0x92: {  	[smem:s4], [sflag:s15] =	dma.local [hbm:s2], $0x1  }
0x93: {  	_ =	swait.eq [sflag:s15], $0x1  }
0x94: {  	[sflag:s15] =	ssyncset.done $0x0  }
0x95: {  	[sflag:s15] =	ssyncadd.s32 $0xFFFFFFFF  }
0x96: {  	s16 =	sld [smem:$0x11];
	(tm) =	ssettm $0x1  }
0x97: {  	s17 =	sld [smem:$0x3FFB];
	_ =	sdelay $0x3  }
0x98: {  	_ =	strace s17  }
0x99: {  	s3 =	sld [smem:$0x3FFC];
	_ =	sdelay $0x3  }
0x9a: {  	_ =	strace s3  }
0x9b: {  	s3 =	sld [smem:$0x3FFD];
	_ =	sdelay $0x3  }
0x9c: {  	_ =	strace s3  }
0x9d: {  	_ =	strace $0x8FFFFFFF  }
0x9e: {  	s18 =	sld [smem:$0x3FDB];
	_ =	sdelay $0x1  }
0x9f: {  	s19 =	simm.s32 $_scs_section_size  }
0xa0: {  	s5 =	simm.s32 $_size__tile_overlayer_lowered;
	s6 =	simm.s32 $_tile_overlayer_lowered  }
0xa1: {  	s22 =	simm.s32 $0x1BFF;
	s21 =	sshll.u32 s6, $0x1;
	s3 =	sadd.s32 s19, s18  }
0xa2: {  	s7 =	simm.s32 $0x0;
	s20 =	sshll.u32 s5, $0x1;
	s5 =	sadd.s32 s21, s3  }
0xa3: {  	[timem:s7], [sflag:s22] =	dma.local [hbm:s5], s20  }
0xa4: {  	_ =	swait.ge [sflag:s22], s20  }
0xa5: {  	s4 =	ssub.s32 $0x0, s20;
	[sflag:s22] =	ssyncset.done $0x0  }
0xa6: {  	[sflag:s22] =	ssyncadd.s32 s4;
	_ =	sdelay $0x1  }
0xa7: {  	s23 =	simm.s32 $0x1B8B  }
0xa8: {  	_ =	swait.ge [sflag:s23], $0x1  }
0xa9: {  	[sflag:s23] =	ssyncset.done $0x0  }
0xaa: {  	s25 =	simm.s32 $0x1B8E;
	s24 =	sld [smem:$0x3FFE];
	[sflag:s23] =	ssyncadd.s32 $0xFFFFFFFF  }
0xab: {  	s26 =	simm.s32 $execute0_lowered;
	[smem:$0x3FD2] =	sst s25  }
0xac: {  	s5 =	sshll.u32 s26, $0x1;
	_ =	strace $0x80000049;
	[dreg:$0x1] =	wrdreg $0xFFFFFFFF  }
0xad: {  	s28 =	simm.s32 $_size_execute0_lowered;
	s3 =	sadd.s32 s3, s5;
	[dreg:$0x0] =	wrdreg $0x0  }
0xae: {  	s5 =	sshll.u32 s28, $0x1;
	[dreg:$0x2] =	wrdreg s3  }
0xaf: {  	[dreg:$0x3] =	wrdreg s5  }
0xb0: {  	[dreg:$0x4] =	wrdreg $0xC0  }
0xb1: {  	_ =	task [dreg:s7], $0x5FFFF  }
0xb2: {  	[dreg:$0x1] =	wrdreg $0xFFFFFFFF  }
0xb3: {  	[dreg:$0x0] =	wrdreg $0x60  }
0xb4: {  	[dreg:$0x2] =	wrdreg s16  }
0xb5: {  	[dreg:$0x3] =	wrdreg s24  }
0xb6: {  	[dreg:$0x4] =	wrdreg $0x0  }
0xb7: {  	[dreg:$0x5] =	wrdreg $0x9  }
0xb8: {  	_ =	task.clear_ibuf [dreg:s7], $0x6FFFF;
	_ =	strace $0x90000049  }
0xb9: {  	s29 =	simm.s32 $0x9;
	_ =	strace $0x8000004B  }
0xba: {  	_ =	swait.ge [sflag:s29], $0x1  }
0xbb: {  	[sflag:s29] =	ssyncadd.s32 $0xFFFFFFFF  }
0xbc: {  	_ =	strace $0x9000004B  }
0xbd: {  	_ =	sfence  }
0xbe: {  	s30 =	sld [smem:$0x0];
	_ =	sdelay $0x2  }
0xbf: {  	s31 =	sshll.u32 s1, $0xD;
	s1 =	sshrl.u32 s1, $0x2  }
0xc0: {  	s3 =	sand.u32 $0x4000, s31;
	s1 =	sadd.s32 s1, s30  }
0xc1: {  	s0 =	sor.u32 s3, s0;
	s1 =	sshll.u32 s1, $0x11  }
0xc2: {  	s0 =	sor.u32 s1, s0  }
0xc3: {  	s0 =	sadd.s32 $0x8F2B, s0  }
0xc4: {  	[sflag:s0] =	ssyncadd.remote.s32 $0x1  }
0xc5: {  	_ =	sfence.sel $0xFFFF  }
0xc6: {  	[dreg:$0x0] =	wrdreg $0xFFFFFFFF;
	(pc) =	sbr.abs _section_cstart, $3  }
0xc7: {  	[dreg:$0x1] =	wrdreg $0xFFFFFFFF  }
0xc8: {  	_ =	task.clear_ibuf [dreg:s7], $0x2FFFF;
	_ =	strace $0x9FFFFFFF  }
0xc9: {  	(tm) =	ssettm $0x7FFFFFFF  }
tec
execute0_lowered:
.L_overlay_start_1:
0x0: {  	(tag) =	ssettag $0x1  }
0x1: {  	s1 =	rddreg [dreg:$0x0]  }
0x2: {  	s7 =	rddreg [dreg:$0x1]  }
0x3: {  	s3 =	rddreg [dreg:$0x2]  }
0x4: {  	s0 =	srdreg.scid;
	s2 =	rddreg [dreg:$0x3]  }
0x5: {  	s4 =	simm.s32 $0x0;
	s17 =	simm.s32 $0x14000;
	s18 =	simm.s32 $0x15400  }
0x6: {  	s19 =	simm.s32 $0x80;
	s20 =	simm.s32 $0x1A800;
	s21 =	simm.s32 $0x1  }
0x7: {  	s22 =	simm.s32 $0x15380;
	s23 =	simm.s32 $0x16700;
	s5 =	sand.u32 $0x1, s0  }
0x8: {  	s24 =	simm.s32 $0x16780;
	s0 =	stileid.u32;
	s6 =	smul.u32 $0x14000, s5  }
0x9: {  	[smem:$0x7FF] =	sst s4;
	s13 =	sadd.s32 $0x66C00, s7;
	s8 =	smul.u32 $0x1400, s0  }
0xa: {  	s25 =	sadd.s32 $0x12C000, s3;
	s28 =	smul.u32 $0x50000, s0;
	_ =	strace $0x8000004A  }
0xb: {  	s29 =	ssub.s32 $0x2, s5;
	s12 =	smul.u32 $0x138800, s5;
	p0 =	seq.s32 s0, $0xF  }
0xc: {  	s10 =	smul.u32 $0x14000, s0;
	s31 =	sshrl.u32 s29, $0x1;
	s25 =	sshrl.u32 @p0 s25, $0x3  }
0xd: {  	s6 =	sadd.s32 s8, s6;
	s30 =	sshrl.u32 s28, $0x2;
	s14 =	ssub.s32 s29, s31  }
0xe: {  	s15 =	sadd.s32 s10, s12;
	s16 =	sshrl.u32 s12, $0x3;
	s6 =	sshrl.u32 s6, $0x3  }
0xf: {  	s5 =	sadd.s32 s30, s3;
	s15 =	sshrl.u32 s15, $0x3;
	s14 =	smax.u32 s14, $0x1  }
0x10: {  	s11 =	sadd.s32 s6, s7;
	s6 =	sadd.s32 $0x4000, s5;
	s7 =	sadd.s32 $0x8000, s5  }
0x11: {  	s8 =	sadd.s32 $0xC000, s5;
	s9 =	sadd.s32 $0x10000, s5;
	s12 =	sadd.s32 s13, s15  }
0x12: {  	s13 =	sadd.s32 s13, s16;
	s15 =	simm.s32 $0x16800;
	s16 =	simm.s32 $0x2  }
0x13: {  	v0 =	vimm.s32 $0x0;
	s10 =	sadd.s32 $0x61C00, s11;
	s11 =	sadd.s32 $0x7200, s11;
	s13 =	sadd.s32 $0x25800, s13  }
.LBB2_1:
0x14: {  	s26 =	simm.s32 $0x0;
	s28 =	simm.s32 $0x200  }
.LBB2_2:
0x15: {  	p1 =	sne.s32 s28, $0xFE00;
	[tilespmem:s26+$0x16870] =	vst v0  }
0x16: {  	[tilespmem:s26+$0x16800] =	vst v0  }
0x17: {  	[tilespmem:s26+$0x16810] =	vst v0  }
.Ltmp0:
0x18: {  	[tilespmem:s26+$0x16820] =	vst v0;
	(pc) =	sbr.rel @p1 .LBB2_2-.Ltmp0, $4  }
0x19: {  	[tilespmem:s26+$0x16830] =	vst v0  }
0x1a: {  	[tilespmem:s26+$0x16840] =	vst v0  }
0x1b: {  	[tilespmem:s26+$0x16850] =	vst v0  }
0x1c: {  	[tilespmem:s26+$0x16860] =	vst v0;
	s26 =	sshra.s32 s28, $0x2;
	s28 =	sadd.s32 $0x200, s28  }
0x1d: {  	[tilespmem:s26+$0x16870] =	vst v0  }
0x1e: {  	[tilespmem:s26+$0x16800] =	vst v0  }
0x1f: {  	[tilespmem:s26+$0x16810] =	vst v0  }
0x20: {  	[tilespmem:s26+$0x16820] =	vst v0  }
0x21: {  	[tilespmem:s26+$0x16830] =	vst v0  }
0x22: {  	[tilespmem:s26+$0x16840] =	vst v0  }
0x23: {  	[tilespmem:s26+$0x16850] =	vst v0  }
0x24: {  	[tilespmem:s26+$0x16860] =	vst v0  }
0x25: {  	[spmem:s5] =	stream.linear.scatter [tilespmem:s15], [sflag:$0x2], $0x4000, $0x38;
	[tilespmem:$0x1E800] =	vst v63  }
0x26: {  	_ =	swait.ge [sflag:s16], $0x4000  }
0x27: {  	[sflag:s16] =	ssyncset.done $0x0  }
0x28: {  	[sflag:s16] =	ssyncadd.s32 $0xFFFFC000  }
0x29: {  	[spmem:s6] =	stream.linear.scatter [tilespmem:s15], [sflag:$0x2], $0x4000, $0x38;
	[tilespmem:$0x1E800] =	vst v63  }
0x2a: {  	_ =	swait.ge [sflag:s16], $0x4000  }
0x2b: {  	[sflag:s16] =	ssyncset.done $0x0  }
0x2c: {  	[sflag:s16] =	ssyncadd.s32 $0xFFFFC000  }
0x2d: {  	[spmem:s7] =	stream.linear.scatter [tilespmem:s15], [sflag:$0x2], $0x4000, $0x38;
	[tilespmem:$0x1E800] =	vst v63  }
0x2e: {  	_ =	swait.ge [sflag:s16], $0x4000  }
0x2f: {  	[sflag:s16] =	ssyncset.done $0x0  }
0x30: {  	[sflag:s16] =	ssyncadd.s32 $0xFFFFC000  }
0x31: {  	[spmem:s8] =	stream.linear.scatter [tilespmem:s15], [sflag:$0x2], $0x4000, $0x38;
	[tilespmem:$0x1E800] =	vst v63  }
0x32: {  	_ =	swait.ge [sflag:s16], $0x4000  }
0x33: {  	[sflag:s16] =	ssyncset.done $0x0  }
0x34: {  	[sflag:s16] =	ssyncadd.s32 $0xFFFFC000  }
0x35: {  	[spmem:s9] =	stream.linear.scatter [tilespmem:s15], [sflag:$0x2], $0x4000, $0x38;
	[tilespmem:$0x1E800] =	vst v63  }
0x36: {  	_ =	swait.ge [sflag:s16], $0x4000  }
0x37: {  	[sflag:s16] =	ssyncset.done $0x0  }
0x38: {  	[sflag:s16] =	ssyncadd.s32 $0xFFFFC000  }
0x39: {  	s30 =	simm.s32 $0x0;
	[bflag:$0x0] =	sbarrier.arrive $0xFFFF  }
0x3a: {  	[tilespmem:s17], [sflag:$0x2] =	stream.linear.gather [hbm4b:s10+s30], $0x1400, $0x38;
	[tilespmem:$0x1E800] =	vst v63  }
0x3b: {  	_ =	swait.ge [sflag:s16], $0x1400  }
0x3c: {  	[sflag:s16] =	ssyncset.done $0x0  }
0x3d: {  	[sflag:s16] =	ssyncadd.s32 $0xFFFFEC00  }
0x3e: {  	[tilespmem:s18], [sflag:$0x2] =	stream.linear.gather [hbm4b:s11+s30], $0x1400, $0x38;
	[tilespmem:$0x1E800] =	vst v63  }
0x3f: {  	_ =	swait.ge [sflag:s16], $0x1400  }
0x40: {  	[sflag:s16] =	ssyncset.done $0x0  }
0x41: {  	[sflag:s16] =	ssyncadd.s32 $0xFFFFEC00  }
0x42: {  	[tilespmem:s15], [sflag:$0x1] =	stream.indirect.gather [hbm4b:s1+s19], $0x80, s17, s19, $0xb8;
	[tilespmem:$0x1E800] =	vst v63  }
0x43: {  	s31 =	simm.s32 $0x14080  }
0x44: {  	[tilespmem:s20], [sflag:$0x1] =	stream.indirect.gather [hbm4b:s1+s19], $0x80, s31, s19, $0xb8;
	[tilespmem:$0x1E800] =	vst v63  }
0x45: {  	_ =	swait.ge [sflag:s21], $0x4000  }
0x46: {  	[sflag:s21] =	ssyncset.done $0x0  }
0x47: {  	s29 =	simm.s32 $0x15400;
	[sflag:s21] =	ssyncadd.s32 $0xFFFFC000  }
0x48: {  	[spmem:s3] =	stream.indirect.scatter.add.s32 [tilespmem:s15], [sflag:$0x2], $0x80, s29, s19, $0xb8;
	[tilespmem:$0x1E800] =	vst v63  }
0x49: {  	_ =	swait.ge [sflag:s16], $0x4000  }
0x4a: {  	[sflag:s16] =	ssyncset.done $0x0  }
0x4b: {  	s30 =	simm.s32 $0x14100;
	[sflag:s16] =	ssyncadd.s32 $0xFFFFC000  }
0x4c: {  	[tilespmem:s15], [sflag:$0x1] =	stream.indirect.gather [hbm4b:s1+s19], $0x80, s30, s19, $0xb8;
	[tilespmem:$0x1E800] =	vst v63  }
0x4d: {  	_ =	swait.ge [sflag:s21], $0x4000  }
0x4e: {  	[sflag:s21] =	ssyncset.done $0x0  }
0x4f: {  	s31 =	simm.s32 $0x15480;
	[sflag:s21] =	ssyncadd.s32 $0xFFFFC000  }
0x50: {  	[spmem:s3] =	stream.indirect.scatter.add.s32 [tilespmem:s20], [sflag:$0x2], $0x80, s31, s19, $0xb8;
	[tilespmem:$0x1E800] =	vst v63  }
0x51: {  	_ =	swait.ge [sflag:s16], $0x4000  }
0x52: {  	s28 =	simm.s32 $0x800;
	s26 =	simm.s32 $0x100;
	[sflag:s16] =	ssyncset.done $0x0  }
.LBB2_4:
0x53: {  	s29 =	sadd.s32 $0x14080, s26  }
0x54: {  	[sflag:s16] =	ssyncadd.s32 $0xFFFFC000;
	s30 =	smov.u32 s28;
	s31 =	sadd.s32 $0x400, s28  }
0x55: {  	[tilespmem:s20], [sflag:$0x1] =	stream.indirect.gather [hbm4b:s1+s19], $0x80, s29, s19, $0xb8;
	[tilespmem:$0x1E800] =	vst v63  }
0x56: {  	p1 =	sne.s32 s28, $0x4800;
	_ =	swait.ge [sflag:s21], $0x4000  }
0x57: {  	[sflag:s21] =	ssyncset.done $0x0  }
0x58: {  	s28 =	sadd.s32 $0x15400, s26;
	[sflag:s21] =	ssyncadd.s32 $0xFFFFC000  }
0x59: {  	[spmem:s3] =	stream.indirect.scatter.add.s32 [tilespmem:s15], [sflag:$0x2], $0x80, s28, s19, $0xb8;
	[tilespmem:$0x1E800] =	vst v63  }
0x5a: {  	_ =	swait.ge [sflag:s16], $0x4000  }
0x5b: {  	[sflag:s16] =	ssyncset.done $0x0  }
0x5c: {  	s28 =	sadd.s32 $0x14100, s26;
	[sflag:s16] =	ssyncadd.s32 $0xFFFFC000  }
0x5d: {  	[tilespmem:s15], [sflag:$0x1] =	stream.indirect.gather [hbm4b:s1+s19], $0x80, s28, s19, $0xb8;
	[tilespmem:$0x1E800] =	vst v63  }
0x5e: {  	_ =	swait.ge [sflag:s21], $0x4000  }
.Ltmp1:
0x5f: {  	[sflag:s21] =	ssyncset.done $0x0;
	(pc) =	sbr.rel @p1 .LBB2_4-.Ltmp1, $4  }
0x60: {  	s26 =	sadd.s32 $0x15480, s26;
	[sflag:s21] =	ssyncadd.s32 $0xFFFFC000  }
0x61: {  	[spmem:s3] =	stream.indirect.scatter.add.s32 [tilespmem:s20], [sflag:$0x2], $0x80, s26, s19, $0xb8;
	[tilespmem:$0x1E800] =	vst v63  }
0x62: {  	_ =	swait.ge [sflag:s16], $0x4000  }
0x63: {  	s28 =	smov.u32 s31;
	s26 =	sshra.s32 s30, $0x2;
	[sflag:s16] =	ssyncset.done $0x0  }
0x64: {  	s28 =	sadd.s32 $0x14080, s26;
	[sflag:s16] =	ssyncadd.s32 $0xFFFFC000  }
0x65: {  	[tilespmem:s20], [sflag:$0x1] =	stream.indirect.gather [hbm4b:s1+s19], $0x80, s28, s19, $0xb8;
	[tilespmem:$0x1E800] =	vst v63  }
0x66: {  	_ =	swait.ge [sflag:s21], $0x4000  }
0x67: {  	[sflag:s21] =	ssyncset.done $0x0  }
0x68: {  	s29 =	sadd.s32 $0x15400, s26;
	[sflag:s21] =	ssyncadd.s32 $0xFFFFC000  }
0x69: {  	[spmem:s3] =	stream.indirect.scatter.add.s32 [tilespmem:s15], [sflag:$0x2], $0x80, s29, s19, $0xb8;
	[tilespmem:$0x1E800] =	vst v63  }
0x6a: {  	_ =	swait.ge [sflag:s16], $0x4000  }
0x6b: {  	[sflag:s16] =	ssyncset.done $0x0  }
0x6c: {  	s30 =	sadd.s32 $0x14100, s26;
	[sflag:s16] =	ssyncadd.s32 $0xFFFFC000  }
0x6d: {  	[tilespmem:s15], [sflag:$0x1] =	stream.indirect.gather [hbm4b:s1+s19], $0x80, s30, s19, $0xb8;
	[tilespmem:$0x1E800] =	vst v63  }
0x6e: {  	_ =	swait.ge [sflag:s21], $0x4000  }
0x6f: {  	[sflag:s21] =	ssyncset.done $0x0  }
0x70: {  	s31 =	sadd.s32 $0x15480, s26;
	[sflag:s21] =	ssyncadd.s32 $0xFFFFC000  }
0x71: {  	[spmem:s3] =	stream.indirect.scatter.add.s32 [tilespmem:s20], [sflag:$0x2], $0x80, s31, s19, $0xb8;
	[tilespmem:$0x1E800] =	vst v63  }
0x72: {  	_ =	swait.ge [sflag:s16], $0x4000  }
0x73: {  	[sflag:s16] =	ssyncset.done $0x0  }
0x74: {  	[sflag:s16] =	ssyncadd.s32 $0xFFFFC000  }
0x75: {  	[tilespmem:s20], [sflag:$0x1] =	stream.indirect.gather [hbm4b:s1+s19], $0x80, s22, s19, $0xb8;
	[tilespmem:$0x1E800] =	vst v63  }
0x76: {  	_ =	swait.ge [sflag:s21], $0x4000  }
0x77: {  	[sflag:s21] =	ssyncset.done $0x0  }
0x78: {  	[sflag:s21] =	ssyncadd.s32 $0xFFFFC000  }
0x79: {  	[spmem:s3] =	stream.indirect.scatter.add.s32 [tilespmem:s15], [sflag:$0x2], $0x80, s23, s19, $0xb8;
	[tilespmem:$0x1E800] =	vst v63  }
0x7a: {  	_ =	swait.ge [sflag:s16], $0x4000  }
0x7b: {  	[sflag:s16] =	ssyncset.done $0x0  }
0x7c: {  	[sflag:s16] =	ssyncadd.s32 $0xFFFFC000  }
0x7d: {  	_ =	swait.ge [sflag:s21], $0x4000  }
0x7e: {  	[sflag:s21] =	ssyncset.done $0x0  }
0x7f: {  	[sflag:s21] =	ssyncadd.s32 $0xFFFFC000  }
0x80: {  	[spmem:s3] =	stream.indirect.scatter.add.s32 [tilespmem:s20], [sflag:$0x2], $0x80, s24, s19, $0xb8;
	[tilespmem:$0x1E800] =	vst v63  }
0x81: {  	_ =	swait.ge [sflag:s16], $0x4000  }
0x82: {  	[sflag:s16] =	ssyncset.done $0x0  }
0x83: {  	[sflag:s16] =	ssyncadd.s32 $0xFFFFC000  }
0x84: {  	s26 =	simm.s32 @p0 $0x1FC2;
	[bflag:$0x0] =	sbarrier.arrive $0xFFFF  }
0x85: {  	[hbm:s13], [sflag:s26] =	dma.local @p0 [spmem:s25], $0x1900  }
0x86: {  	s26 =	simm.s32 @p0 $0x2  }
0x87: {  	s4 =	sadd.s32 $0x1, s4;
	_ =	swait.ge @p0 [sflag:s26], $0x1900  }
0x88: {  	s28 =	sshll.u32 @!p0 s0, $0x6;
	p1 =	sne.s32 s4, s14;
	[sflag:s26] =	ssyncset.done @p0 $0x0  }
0x89: {  	[sflag:s26] =	ssyncadd.s32 @p0 $0xFFFFE700;
	s26 =	sor.u32 @!p0 $0x1C02, s28;
	s28 =	sshrl.u32 @!p0 s5, $0x3  }
0x8a: {  	[hbm:s12], [sflag:s26] =	dma.local @!p0 [spmem:s28], $0x2800  }
.Ltmp2:
0x8b: {  	_ = 	snop;
	(pc) =	sbr.rel @p1 .LBB2_1-.Ltmp2, $4  }
0x8c: {  	s26 =	simm.s32 @!p0 $0x2  }
0x8d: {  	_ =	swait.ge @!p0 [sflag:s26], $0x2800  }
0x8e: {  	[sflag:s26] =	ssyncset.done @!p0 $0x0  }
0x8f: {  	[sflag:s26] =	ssyncadd.s32 @!p0 $0xFFFFD800  }
0x90: {  	_ =	sfence.sel $0x180000  }
0x91: {  	[bflag:$0x0] =	sbarrier.arrive $0xFFFF  }
0x92: {  	p0 =	sne.s32 s0, $0x0;
	_ =	strace $0x9000004A  }
0x93: {  	s0 =	sadd.s32 @!p0 $0x100000, s2;
	[bflag:$0x2] =	sbarrier.arrive $0xFFFF  }
0x94: {  	[sflag:s0] =	ssyncadd.tile.s32 @!p0 $0x1;
	_ =	shalt  }
.Lfunc_end2:
_tile_overlayer_lowered:
.L_overlay_start_2:
0x95: {  	(tag) =	ssettag $0x2  }
0x96: {  	s0 =	rddreg [dreg:$0x0];
	s2 =	stileid.u32  }
0x97: {  	s1 =	rddreg [dreg:$0x1];
	p0 =	sne.s32 s2, $0x0  }
0x98: {  	s3 =	rddreg [dreg:$0x2];
	[bflag:$0x3] =	sbarrier.arrive $0xFFFF;
	s2 =	simm.s32 @!p0 $0x1C02  }
0x99: {  	[timem:s3], [sflag:s2] =	dma.local @!p0 [hbm:s0], s1  }
0x9a: {  	s0 =	simm.s32 @!p0 $0x2  }
0x9b: {  	_ =	swait.ge @!p0 [sflag:s0], s1  }
0x9c: {  	s1 =	ssub.s32 @!p0 $0x0, s1;
	[sflag:s0] =	ssyncset.done @!p0 $0x0  }
0x9d: {  	[sflag:s0] =	ssyncadd.s32 @!p0 s1  }
0x9e: {  	[bflag:$0x3] =	sbarrier.arrive $0xFFFF  }
0x9f: {  	_ =	shalt  }

// kernel: kernel.15.cloned.1.call-start
scs
__scs_entry_jumppad:
0x0: {  	(pc) =	sbr.rel $0x88, $3  }
0x1: {  	(tag) =	ssettag $0x0;
	lr =	simm.s32 $0x1  }
0x2: {  	[smem:$0x3F89] =	sst lr;
	_ =	strace $0xD0000000  }
0x3: {  	_ = 	snop  }
0x4: {  	_ = 	snop  }
0x5: {  	_ = 	snop  }
0x6: {  	_ = 	snop  }
0x7: {  	_ = 	snop  }
__scs_overlays_trampoline_lowered:
0x8: {  	[smem:$0x3F98] =	sst s0  }
0x9: {  	[smem:$0x3F99] =	sst s1  }
0xa: {  	[smem:$0x3F9A] =	sst s2  }
0xb: {  	[smem:$0x3F9B] =	sst s3  }
0xc: {  	[smem:$0x3F9C] =	sst s4  }
0xd: {  	[smem:$0x3F9D] =	sst s5  }
0xe: {  	[smem:$0x3F9E] =	sst s6  }
0xf: {  	[smem:$0x3F9F] =	sst s7  }
0x10: {  	[smem:$0x3FA0] =	sst s8  }
0x11: {  	[smem:$0x3FA1] =	sst s9;
	s0 =	simm.s32 @!p0 $0x0  }
0x12: {  	s1 =	sld [smem:$0x3F87];
	s0 =	simm.s32 @p0 $0x1  }
0x13: {  	[smem:$0x3FA2] =	sst s0;
	s0 =	simm.s32 @!p1 $0x0  }
0x14: {  	s2 =	sld [smem:$0x3F86];
	s0 =	simm.s32 @p1 $0x1  }
0x15: {  	[smem:$0x3FA3] =	sst s0;
	s0 =	simm.s32 @!p2 $0x0  }
0x16: {  	s3 =	sld [smem:$0x3FDB];
	s0 =	simm.s32 @p2 $0x1  }
0x17: {  	s4 =	simm.s32 $0x1BF5;
	[smem:$0x3FA5] =	sst s0  }
0x18: {  	s0 =	sld [smem:$0x3F88];
	_ =	swait.ge [sflag:s4], $0x0  }
0x19: {  	s7 =	sld [smem:$0x3F89]  }
0x1a: {  	s8 =	sadd.s32 $0xFFFFE003, lr  }
0x1b: {  	s9 =	sadd.s32 $0xFFFFFEF7, lr;
	s5 =	simm.s32 $0xFFFFFFFF;
	p2 =	slt.u32 s8, $0xFFFFF086  }
0x1c: {  	p1 =	slt.u32 s9, $0xF7A;
	s5 =	simm.s32 @!p2 $0x0  }
0x1d: {  	s5 =	simm.s32 @p1 $0x1;
	p0 =	seq.s32 s7, s2  }
0x1e: {  	s7 =	smul.u32 @!p0 $0xF7A, s2;
	p2 =	seq.s32 @!p0 s5, $0x0  }
0x1f: {  	s9 =	smul.u32 $0xF7A, s1;
	s8 =	simm.s32 @!p0 $0x1BF5;
	p2 =	por !p2, p0  }
0x20: {  	[sflag:s8] =	ssyncset.s32 @!p0 $0xFFFFF086;
	s6 =	sadd.s32 @!p0 s3, s7;
	s7 =	simm.s32 @!p0 $0x108  }
0x21: {  	s3 =	sadd.s32 s3, s9;
	s6 =	sadd.s32 @!p0 $0x88, s6;
	s7 =	simm.s32 @p2 $0x1082  }
0x22: {  	[simem:s7], [sflag:s8] =	dma.local @!p0 [hbm:s6], $0xF7A  }
0x23: {  	s9 =	sor.u32 $0xD0000000, s2;
	s6 =	simm.s32 $0x108;
	_ =	swait.ge @!p0 [sflag:s8], $0x0  }
0x24: {  	s3 =	sadd.s32 $0x88, s3;
	s6 =	simm.s32 @!p1 $0x1082;
	[sflag:s4] =	ssyncset.s32 $0xFFFFF086  }
0x25: {  	[simem:s6], [sflag:s4] =	dma.local [hbm:s3], $0xF7A  }
0x26: {  	[smem:$0x3F89] =	sst s1;
	(tag) =	ssettag s2;
	_ =	strace s9  }
0x27: {  	s1 =	sld [smem:$0x3F99]  }
0x28: {  	s2 =	sld [smem:$0x3F9A]  }
0x29: {  	s4 =	sld [smem:$0x3F9C]  }
0x2a: {  	p0 =	seq.s32 s5, $0x0;
	s5 =	sld [smem:$0x3F9D]  }
0x2b: {  	s6 =	sld [smem:$0x3F9E]  }
0x2c: {  	s7 =	sld [smem:$0x3F9F]  }
0x2d: {  	s3 =	simm.s32 $0x108;
	s8 =	sld [smem:$0x3FA0]  }
0x2e: {  	s3 =	simm.s32 @!p0 $0x1082;
	s9 =	sld [smem:$0x3FA1]  }
0x2f: {  	lr =	sadd.s32 s0, s3;
	s0 =	sld [smem:$0x3F98]  }
0x30: {  	s3 =	sld [smem:$0x3F9B]  }
0x31: {  	[smem:$0x3FA4] =	sst s10  }
0x32: {  	s10 =	sld [smem:$0x3FA2];
	_ =	sdelay $0x3  }
0x33: {  	p0 =	seq.s32 s10, $0x1;
	s10 =	sld [smem:$0x3FA4];
	_ =	sdelay $0x3  }
0x34: {  	[smem:$0x3FA4] =	sst s10  }
0x35: {  	s10 =	sld [smem:$0x3FA3];
	_ =	sdelay $0x3  }
0x36: {  	p1 =	seq.s32 s10, $0x1;
	s10 =	sld [smem:$0x3FA4];
	_ =	sdelay $0x3  }
0x37: {  	[smem:$0x3FA4] =	sst s10  }
0x38: {  	s10 =	sld [smem:$0x3FA5]  }
0x39: {  	_ = 	snop;
	(pc) =	sbr.ind lr, $3  }
0x3a: {  	_ = 	snop  }
0x3b: {  	_ = 	snop  }
0x3c: {  	p2 =	seq.s32 s10, $0x1;
	s10 =	sld [smem:$0x3FA4]  }
0x3d: {  	_ =	shalt  }
0x3e: {  	_ =	shalt  }
0x3f: {  	_ =	shalt  }
0x40: {  	_ =	shalt  }
0x41: {  	_ =	shalt  }
0x42: {  	_ =	shalt  }
0x43: {  	_ =	shalt  }
0x44: {  	_ =	shalt  }
0x45: {  	_ =	shalt  }
0x46: {  	_ =	shalt  }
0x47: {  	_ =	shalt  }
0x48: {  	_ =	shalt  }
0x49: {  	_ =	shalt  }
0x4a: {  	_ =	shalt  }
0x4b: {  	_ =	shalt  }
0x4c: {  	_ =	shalt  }
0x4d: {  	_ =	shalt  }
0x4e: {  	_ =	shalt  }
0x4f: {  	_ =	shalt  }
0x50: {  	_ =	shalt  }
0x51: {  	_ =	shalt  }
0x52: {  	_ =	shalt  }
0x53: {  	_ =	shalt  }
0x54: {  	_ =	shalt  }
0x55: {  	_ =	shalt  }
0x56: {  	_ =	shalt  }
0x57: {  	_ =	shalt  }
0x58: {  	_ =	shalt  }
0x59: {  	_ =	shalt  }
0x5a: {  	_ =	shalt  }
0x5b: {  	_ =	shalt  }
0x5c: {  	_ =	shalt  }
0x5d: {  	_ =	shalt  }
0x5e: {  	_ =	shalt  }
0x5f: {  	_ =	shalt  }
0x60: {  	_ =	shalt  }
0x61: {  	_ =	shalt  }
0x62: {  	_ =	shalt  }
0x63: {  	_ =	shalt  }
0x64: {  	_ =	shalt  }
0x65: {  	_ =	shalt  }
0x66: {  	_ =	shalt  }
0x67: {  	_ =	shalt  }
0x68: {  	_ =	shalt  }
0x69: {  	_ =	shalt  }
0x6a: {  	_ =	shalt  }
0x6b: {  	_ =	shalt  }
0x6c: {  	_ =	shalt  }
0x6d: {  	_ =	shalt  }
0x6e: {  	_ =	shalt  }
0x6f: {  	_ =	shalt  }
0x70: {  	_ =	shalt  }
0x71: {  	_ =	shalt  }
0x72: {  	_ =	shalt  }
0x73: {  	_ =	shalt  }
0x74: {  	_ =	shalt  }
0x75: {  	_ =	shalt  }
0x76: {  	_ =	shalt  }
0x77: {  	_ =	shalt  }
0x78: {  	_ =	shalt  }
0x79: {  	_ =	shalt  }
0x7a: {  	_ =	shalt  }
0x7b: {  	_ =	shalt  }
0x7c: {  	_ =	shalt  }
0x7d: {  	_ =	shalt  }
0x7e: {  	_ =	shalt  }
0x7f: {  	_ =	shalt  }
0x80: {  	_ =	shalt  }
0x81: {  	_ =	shalt  }
0x82: {  	_ =	shalt  }
0x83: {  	_ =	shalt  }
0x84: {  	_ =	shalt  }
0x85: {  	_ =	shalt  }
0x86: {  	_ =	shalt  }
0x87: {  	_ =	shalt  }
.Lfunc_end0:
.L_simem_size_0:
called_computation.2_lowered:
.L_overlay_start_0:
0x88: {  	s2 =	sld [smem:$0x3FD9]  }
0x89: {  	s3 =	sld [smem:$0x3FFE];
	_ =	sdelay $0x1  }
0x8a: {  	s1 =	srdreg.scid  }
0x8b: {  	s0 =	sand.u32 $0x1, s1  }
0x8c: {  	s15 =	sshll.u32 s0, $0xA;
	s2 =	sadd.s32 s3, s2  }
0x8d: {  	s2 =	sadd.s32 s2, s15  }
0x8e: {  	[smem:$0x3FB0] =	sst s2  }
0x8f: {  	_ = 	snop  }
0x90: {  	s2 =	sld [smem:$0x3FD0];
	_ =	sdelay $0x2  }
0x91: {  	s16 =	simm.s32 $0xB;
	s4 =	simm.s32 $0x10  }
0x92: {  	[smem:s4], [sflag:s16] =	dma.local [hbm:s2], $0x1  }
0x93: {  	_ =	swait.eq [sflag:s16], $0x1  }
0x94: {  	[sflag:s16] =	ssyncset.done $0x0  }
0x95: {  	[sflag:s16] =	ssyncadd.s32 $0xFFFFFFFF  }
0x96: {  	s17 =	sld [smem:$0x11];
	(tm) =	ssettm $0x1  }
0x97: {  	s18 =	sld [smem:$0x3FFB];
	_ =	sdelay $0x3  }
0x98: {  	_ =	strace s18  }
0x99: {  	s2 =	sld [smem:$0x3FFC];
	_ =	sdelay $0x3  }
0x9a: {  	_ =	strace s2  }
0x9b: {  	s2 =	sld [smem:$0x3FFD];
	_ =	sdelay $0x3  }
0x9c: {  	_ =	strace s2  }
0x9d: {  	_ =	strace $0x8FFFFFFF  }
0x9e: {  	s19 =	sld [smem:$0x3FDB];
	_ =	sdelay $0x1  }
0x9f: {  	s20 =	simm.s32 $_scs_section_size  }
0xa0: {  	s5 =	simm.s32 $_size__tile_overlayer_lowered;
	s6 =	simm.s32 $_tile_overlayer_lowered  }
0xa1: {  	s7 =	simm.s32 $0x1BFF;
	s21 =	sshll.u32 s6, $0x1;
	s4 =	sadd.s32 s20, s19  }
0xa2: {  	s22 =	simm.s32 $0x0;
	s5 =	sshll.u32 s5, $0x1;
	s6 =	sadd.s32 s21, s4  }
0xa3: {  	[timem:s22], [sflag:s7] =	dma.local [hbm:s6], s5  }
0xa4: {  	_ =	swait.ge [sflag:s7], s5  }
0xa5: {  	s5 =	ssub.s32 $0x0, s5;
	[sflag:s7] =	ssyncset.done $0x0  }
0xa6: {  	[sflag:s7] =	ssyncadd.s32 s5;
	_ =	sdelay $0x1  }
0xa7: {  	s23 =	simm.s32 $0x1B8B  }
0xa8: {  	_ =	swait.ge [sflag:s23], $0x1  }
0xa9: {  	[sflag:s23] =	ssyncset.done $0x0  }
0xaa: {  	[sflag:s23] =	ssyncadd.s32 $0xFFFFFFFF  }
0xab: {  	s5 =	sld [smem:$0x0]  }
0xac: {  	s6 =	sand.u32 $0xFFFFFFFE, s1  }
0xad: {  	p0 =	sne.s32 s1, s6  }
0xae: {  	s6 =	sshll.u32 @p0 s6, $0xE  }
0xaf: {  	s6 =	sadd.s32 @p0 $0x11B8D, s6;
	s7 =	sshll.u32 @p0 s5, $0x11  }
0xb0: {  	s6 =	sor.u32 @p0 s7, s6  }
0xb1: {  	[sflag:s6] =	ssyncadd.remote.s32 @p0 $0x1;
	_ =	sdelay $0x1  }
0xb2: {  	s6 =	simm.s32 @p0 $0x1B8D  }
0xb3: {  	_ =	swait.eq @p0 [sflag:s6], $0x1  }
0xb4: {  	[sflag:s6] =	ssyncadd.s32 @p0 $0xFFFFFFFF  }
0xb5: {  	s7 =	sshll.u32 @!p0 s1, $0xE  }
0xb6: {  	s7 =	sor.u32 @!p0 $0x4000, s7;
	s6 =	simm.s32 @!p0 $0x1B8D  }
0xb7: {  	s5 =	sshll.u32 @!p0 s5, $0x11;
	s7 =	sadd.s32 @!p0 $0x11B8D, s7;
	_ =	swait.eq @!p0 [sflag:s6], $0x1  }
0xb8: {  	s5 =	sor.u32 @!p0 s5, s7;
	[sflag:s6] =	ssyncadd.s32 @!p0 $0xFFFFFFFF  }
0xb9: {  	s25 =	simm.s32 $0x1B8E;
	s24 =	sld [smem:$0x3FFE];
	[sflag:s5] =	ssyncadd.remote.s32 @!p0 $0x1  }
0xba: {  	s26 =	simm.s32 $execute0_lowered;
	[smem:$0x3FD2] =	sst s25  }
0xbb: {  	s6 =	sshll.u32 s26, $0x1;
	_ =	strace $0x8000004C;
	[dreg:$0x1] =	wrdreg $0xFFFFFFFF  }
0xbc: {  	s28 =	simm.s32 $_size_execute0_lowered;
	s4 =	sadd.s32 s4, s6;
	[dreg:$0x0] =	wrdreg $0x0  }
0xbd: {  	s6 =	sshll.u32 s28, $0x1;
	[dreg:$0x2] =	wrdreg s4  }
0xbe: {  	[dreg:$0x3] =	wrdreg s6  }
0xbf: {  	[dreg:$0x4] =	wrdreg $0xC0  }
0xc0: {  	_ =	task [dreg:s22], $0x5FFFF  }
0xc1: {  	[dreg:$0x1] =	wrdreg $0xFFFFFFFF  }
0xc2: {  	[dreg:$0x0] =	wrdreg $0x60  }
0xc3: {  	[dreg:$0x2] =	wrdreg s17  }
0xc4: {  	[dreg:$0x3] =	wrdreg s24  }
0xc5: {  	[dreg:$0x4] =	wrdreg $0x0  }
0xc6: {  	[dreg:$0x5] =	wrdreg $0xA  }
0xc7: {  	_ =	task.clear_ibuf [dreg:s22], $0x6FFFF;
	_ =	strace $0x9000004C  }
0xc8: {  	s29 =	simm.s32 $0xA;
	_ =	strace $0x8000004E  }
0xc9: {  	_ =	swait.ge [sflag:s29], $0x1  }
0xca: {  	[sflag:s29] =	ssyncadd.s32 $0xFFFFFFFF  }
0xcb: {  	_ =	strace $0x9000004E  }
0xcc: {  	_ =	sfence  }
0xcd: {  	s30 =	sld [smem:$0x0];
	_ =	sdelay $0x2  }
0xce: {  	s31 =	sshll.u32 s1, $0xD;
	s1 =	sshrl.u32 s1, $0x2  }
0xcf: {  	s4 =	sand.u32 $0x4000, s31;
	s1 =	sadd.s32 s1, s30  }
0xd0: {  	s0 =	sor.u32 s4, s0;
	s1 =	sshll.u32 s1, $0x11  }
0xd1: {  	s0 =	sor.u32 s1, s0  }
0xd2: {  	s0 =	sadd.s32 $0x8F2B, s0  }
0xd3: {  	[sflag:s0] =	ssyncadd.remote.s32 $0x1  }
0xd4: {  	_ =	sfence.sel $0xFFFF  }
0xd5: {  	[dreg:$0x0] =	wrdreg $0xFFFFFFFF;
	(pc) =	sbr.abs _section_cstart, $3  }
0xd6: {  	[dreg:$0x1] =	wrdreg $0xFFFFFFFF  }
0xd7: {  	_ =	task.clear_ibuf [dreg:s22], $0x2FFFF;
	_ =	strace $0x9FFFFFFF  }
0xd8: {  	(tm) =	ssettm $0x7FFFFFFF  }
0xd9: {  	_ =	shalt  }
tec
execute0_lowered:
.L_overlay_start_1:
0x0: {  	(tag) =	ssettag $0x1  }
0x1: {  	s1 =	rddreg [dreg:$0x0]  }
0x2: {  	s0 =	srdreg.scid;
	s5 =	rddreg [dreg:$0x1]  }
0x3: {  	s15 =	stileid.u32;
	s3 =	rddreg [dreg:$0x2];
	s4 =	simm.s32 $0x0  }
0x4: {  	s16 =	simm.s32 $0x2;
	s17 =	simm.s32 $0x14000;
	s18 =	simm.s32 $0x14C00  }
0x5: {  	s19 =	simm.s32 $0x80;
	s21 =	simm.s32 $0x19800;
	s22 =	simm.s32 $0x1  }
0x6: {  	s23 =	simm.s32 $0x14880;
	s28 =	simm.s32 $0x15480;
	s29 =	simm.s32 $0x14980  }
0x7: {  	s30 =	simm.s32 $0x15500;
	s31 =	simm.s32 $0x15580;
	s6 =	smul.u32 $0xC00, s15  }
0x8: {  	s0 =	sand.u32 $0x1, s0;
	[smem:$0x7FF] =	sst s4;
	s24 =	smul.u32 $0x50000, s15  }
0x9: {  	s13 =	sadd.s32 $0xB7E00, s5;
	s10 =	smul.u32 $0x14000, s15;
	p0 =	seq.s32 s15, $0xF  }
0xa: {  	s15 =	simm.s32 $0x15800;
	s2 =	smul.u32 $0xC000, s0;
	_ =	strace $0x8000004D  }
0xb: {  	s7 =	ssub.s32 $0x2, s0;
	s0 =	smul.u32 $0x138800, s0;
	s25 =	sshrl.u32 s24, $0x2  }
0xc: {  	s26 =	sshrl.u32 s7, $0x1;
	s24 =	simm.s32 $0x15400;
	s2 =	sadd.s32 s6, s2  }
0xd: {  	s14 =	ssub.s32 s7, s26;
	s11 =	sadd.s32 s10, s0;
	s0 =	sshrl.u32 s0, $0x3  }
0xe: {  	s26 =	simm.s32 $0x14900;
	s2 =	sshrl.u32 s2, $0x3;
	s12 =	sshrl.u32 s11, $0x3  }
0xf: {  	s0 =	sadd.s32 s13, s0;
	s14 =	smax.u32 s14, $0x1;
	s2 =	sadd.s32 s2, s5  }
0x10: {  	s5 =	sadd.s32 s25, s3;
	s12 =	sadd.s32 s13, s12;
	s13 =	sadd.s32 $0x25800, s0  }
0x11: {  	s0 =	sadd.s32 $0x12C000, s3;
	s6 =	sadd.s32 $0x4000, s5;
	s7 =	sadd.s32 $0x8000, s5  }
0x12: {  	s8 =	sadd.s32 $0xC000, s5;
	s9 =	sadd.s32 $0x10000, s5;
	s10 =	sadd.s32 $0xB4E00, s2  }
0x13: {  	v0 =	vimm.s32 $0x0;
	s11 =	sadd.s32 $0x5CC00, s2;
	s25 =	sshrl.u32 @p0 s0, $0x3;
	s2 =	simm.s32 $0x0  }
.LBB2_1:
0x14: {  	s20 =	simm.s32 $0x0;
	s0 =	simm.s32 $0x200  }
.LBB2_2:
0x15: {  	p1 =	sne.s32 s0, $0xFE00;
	[tilespmem:s20+$0x15870] =	vst v0  }
0x16: {  	[tilespmem:s20+$0x15800] =	vst v0  }
0x17: {  	[tilespmem:s20+$0x15810] =	vst v0  }
.Ltmp0:
0x18: {  	[tilespmem:s20+$0x15820] =	vst v0;
	(pc) =	sbr.rel @p1 .LBB2_2-.Ltmp0, $4  }
0x19: {  	[tilespmem:s20+$0x15830] =	vst v0  }
0x1a: {  	[tilespmem:s20+$0x15840] =	vst v0  }
0x1b: {  	[tilespmem:s20+$0x15850] =	vst v0  }
0x1c: {  	[tilespmem:s20+$0x15860] =	vst v0;
	s20 =	sshra.s32 s0, $0x2;
	s0 =	sadd.s32 $0x200, s0  }
0x1d: {  	[tilespmem:s20+$0x15870] =	vst v0  }
0x1e: {  	[tilespmem:s20+$0x15800] =	vst v0  }
0x1f: {  	[tilespmem:s20+$0x15810] =	vst v0  }
0x20: {  	[tilespmem:s20+$0x15820] =	vst v0  }
0x21: {  	[tilespmem:s20+$0x15830] =	vst v0  }
0x22: {  	[tilespmem:s20+$0x15840] =	vst v0  }
0x23: {  	[tilespmem:s20+$0x15850] =	vst v0  }
0x24: {  	[tilespmem:s20+$0x15860] =	vst v0  }
0x25: {  	[spmem:s5] =	stream.linear.scatter [tilespmem:s15], [sflag:$0x2], $0x4000, $0x38;
	[tilespmem:$0x1D800] =	vst v63  }
0x26: {  	_ =	swait.ge [sflag:s16], $0x4000  }
0x27: {  	[sflag:s16] =	ssyncset.done $0x0  }
0x28: {  	[sflag:s16] =	ssyncadd.s32 $0xFFFFC000  }
0x29: {  	[spmem:s6] =	stream.linear.scatter [tilespmem:s15], [sflag:$0x2], $0x4000, $0x38;
	[tilespmem:$0x1D800] =	vst v63  }
0x2a: {  	_ =	swait.ge [sflag:s16], $0x4000  }
0x2b: {  	[sflag:s16] =	ssyncset.done $0x0  }
0x2c: {  	[sflag:s16] =	ssyncadd.s32 $0xFFFFC000  }
0x2d: {  	[spmem:s7] =	stream.linear.scatter [tilespmem:s15], [sflag:$0x2], $0x4000, $0x38;
	[tilespmem:$0x1D800] =	vst v63  }
0x2e: {  	_ =	swait.ge [sflag:s16], $0x4000  }
0x2f: {  	[sflag:s16] =	ssyncset.done $0x0  }
0x30: {  	[sflag:s16] =	ssyncadd.s32 $0xFFFFC000  }
0x31: {  	[spmem:s8] =	stream.linear.scatter [tilespmem:s15], [sflag:$0x2], $0x4000, $0x38;
	[tilespmem:$0x1D800] =	vst v63  }
0x32: {  	_ =	swait.ge [sflag:s16], $0x4000  }
0x33: {  	[sflag:s16] =	ssyncset.done $0x0  }
0x34: {  	[sflag:s16] =	ssyncadd.s32 $0xFFFFC000  }
0x35: {  	[spmem:s9] =	stream.linear.scatter [tilespmem:s15], [sflag:$0x2], $0x4000, $0x38;
	[tilespmem:$0x1D800] =	vst v63  }
0x36: {  	_ =	swait.ge [sflag:s16], $0x4000  }
0x37: {  	[sflag:s16] =	ssyncset.done $0x0  }
0x38: {  	[sflag:s16] =	ssyncadd.s32 $0xFFFFC000  }
0x39: {  	[bflag:$0x0] =	sbarrier.arrive $0xFFFF  }
0x3a: {  	[tilespmem:s17], [sflag:$0x2] =	stream.linear.gather [hbm4b:s10+s4], $0xA00, $0x38;
	[tilespmem:$0x1D800] =	vst v63  }
0x3b: {  	_ =	swait.ge [sflag:s16], $0xA00  }
0x3c: {  	[sflag:s16] =	ssyncset.done $0x0  }
0x3d: {  	[sflag:s16] =	ssyncadd.s32 $0xFFFFF600  }
0x3e: {  	[tilespmem:s18], [sflag:$0x2] =	stream.linear.gather [hbm4b:s11+s4], $0xA00, $0x38;
	[tilespmem:$0x1D800] =	vst v63  }
0x3f: {  	_ =	swait.ge [sflag:s16], $0xA00  }
0x40: {  	[sflag:s16] =	ssyncset.done $0x0  }
0x41: {  	[sflag:s16] =	ssyncadd.s32 $0xFFFFF600  }
0x42: {  	[tilespmem:s15], [sflag:$0x1] =	stream.indirect.gather [hbm4b:s1+s19], $0x80, s17, s19, $0xb8;
	[tilespmem:$0x1D800] =	vst v63  }
0x43: {  	s0 =	simm.s32 $0x14080  }
0x44: {  	[tilespmem:s21], [sflag:$0x1] =	stream.indirect.gather [hbm4b:s1+s19], $0x80, s0, s19, $0xb8;
	[tilespmem:$0x1D800] =	vst v63  }
0x45: {  	_ =	swait.ge [sflag:s22], $0x4000  }
0x46: {  	[sflag:s22] =	ssyncset.done $0x0  }
0x47: {  	[sflag:s22] =	ssyncadd.s32 $0xFFFFC000  }
0x48: {  	[spmem:s3] =	stream.indirect.scatter.add.s32 [tilespmem:s15], [sflag:$0x2], $0x80, s18, s19, $0xb8;
	[tilespmem:$0x1D800] =	vst v63  }
0x49: {  	_ =	swait.ge [sflag:s16], $0x4000  }
0x4a: {  	[sflag:s16] =	ssyncset.done $0x0  }
0x4b: {  	s20 =	simm.s32 $0x14100;
	[sflag:s16] =	ssyncadd.s32 $0xFFFFC000  }
0x4c: {  	[tilespmem:s15], [sflag:$0x1] =	stream.indirect.gather [hbm4b:s1+s19], $0x80, s20, s19, $0xb8;
	[tilespmem:$0x1D800] =	vst v63  }
0x4d: {  	_ =	swait.ge [sflag:s22], $0x4000  }
0x4e: {  	[sflag:s22] =	ssyncset.done $0x0  }
0x4f: {  	s20 =	simm.s32 $0x14C80;
	[sflag:s22] =	ssyncadd.s32 $0xFFFFC000  }
0x50: {  	[spmem:s3] =	stream.indirect.scatter.add.s32 [tilespmem:s21], [sflag:$0x2], $0x80, s20, s19, $0xb8;
	[tilespmem:$0x1D800] =	vst v63  }
0x51: {  	_ =	swait.ge [sflag:s16], $0x4000  }
0x52: {  	[sflag:s16] =	ssyncset.done $0x0  }
0x53: {  	s20 =	simm.s32 $0x14180;
	[sflag:s16] =	ssyncadd.s32 $0xFFFFC000  }
0x54: {  	[tilespmem:s21], [sflag:$0x1] =	stream.indirect.gather [hbm4b:s1+s19], $0x80, s20, s19, $0xb8;
	[tilespmem:$0x1D800] =	vst v63  }
0x55: {  	_ =	swait.ge [sflag:s22], $0x4000  }
0x56: {  	[sflag:s22] =	ssyncset.done $0x0  }
0x57: {  	s20 =	simm.s32 $0x14D00;
	[sflag:s22] =	ssyncadd.s32 $0xFFFFC000  }
0x58: {  	[spmem:s3] =	stream.indirect.scatter.add.s32 [tilespmem:s15], [sflag:$0x2], $0x80, s20, s19, $0xb8;
	[tilespmem:$0x1D800] =	vst v63  }
0x59: {  	_ =	swait.ge [sflag:s16], $0x4000  }
0x5a: {  	[sflag:s16] =	ssyncset.done $0x0  }
0x5b: {  	s20 =	simm.s32 $0x14200;
	[sflag:s16] =	ssyncadd.s32 $0xFFFFC000  }
0x5c: {  	[tilespmem:s15], [sflag:$0x1] =	stream.indirect.gather [hbm4b:s1+s19], $0x80, s20, s19, $0xb8;
	[tilespmem:$0x1D800] =	vst v63  }
0x5d: {  	_ =	swait.ge [sflag:s22], $0x4000  }
0x5e: {  	[sflag:s22] =	ssyncset.done $0x0  }
0x5f: {  	s20 =	simm.s32 $0x14D80;
	[sflag:s22] =	ssyncadd.s32 $0xFFFFC000  }
0x60: {  	[spmem:s3] =	stream.indirect.scatter.add.s32 [tilespmem:s21], [sflag:$0x2], $0x80, s20, s19, $0xb8;
	[tilespmem:$0x1D800] =	vst v63  }
0x61: {  	_ =	swait.ge [sflag:s16], $0x4000  }
0x62: {  	[sflag:s16] =	ssyncset.done $0x0  }
0x63: {  	s20 =	simm.s32 $0x14280;
	[sflag:s16] =	ssyncadd.s32 $0xFFFFC000  }
0x64: {  	[tilespmem:s21], [sflag:$0x1] =	stream.indirect.gather [hbm4b:s1+s19], $0x80, s20, s19, $0xb8;
	[tilespmem:$0x1D800] =	vst v63  }
0x65: {  	_ =	swait.ge [sflag:s22], $0x4000  }
0x66: {  	[sflag:s22] =	ssyncset.done $0x0  }
0x67: {  	s20 =	simm.s32 $0x14E00;
	[sflag:s22] =	ssyncadd.s32 $0xFFFFC000  }
0x68: {  	[spmem:s3] =	stream.indirect.scatter.add.s32 [tilespmem:s15], [sflag:$0x2], $0x80, s20, s19, $0xb8;
	[tilespmem:$0x1D800] =	vst v63  }
0x69: {  	_ =	swait.ge [sflag:s16], $0x4000  }
0x6a: {  	[sflag:s16] =	ssyncset.done $0x0  }
0x6b: {  	s20 =	simm.s32 $0x14300;
	[sflag:s16] =	ssyncadd.s32 $0xFFFFC000  }
0x6c: {  	[tilespmem:s15], [sflag:$0x1] =	stream.indirect.gather [hbm4b:s1+s19], $0x80, s20, s19, $0xb8;
	[tilespmem:$0x1D800] =	vst v63  }
0x6d: {  	_ =	swait.ge [sflag:s22], $0x4000  }
0x6e: {  	[sflag:s22] =	ssyncset.done $0x0  }
0x6f: {  	s20 =	simm.s32 $0x14E80;
	[sflag:s22] =	ssyncadd.s32 $0xFFFFC000  }
0x70: {  	[spmem:s3] =	stream.indirect.scatter.add.s32 [tilespmem:s21], [sflag:$0x2], $0x80, s20, s19, $0xb8;
	[tilespmem:$0x1D800] =	vst v63  }
0x71: {  	_ =	swait.ge [sflag:s16], $0x4000  }
0x72: {  	[sflag:s16] =	ssyncset.done $0x0  }
0x73: {  	s20 =	simm.s32 $0x14380;
	[sflag:s16] =	ssyncadd.s32 $0xFFFFC000  }
0x74: {  	[tilespmem:s21], [sflag:$0x1] =	stream.indirect.gather [hbm4b:s1+s19], $0x80, s20, s19, $0xb8;
	[tilespmem:$0x1D800] =	vst v63  }
0x75: {  	_ =	swait.ge [sflag:s22], $0x4000  }
0x76: {  	[sflag:s22] =	ssyncset.done $0x0  }
0x77: {  	s20 =	simm.s32 $0x14F00;
	[sflag:s22] =	ssyncadd.s32 $0xFFFFC000  }
0x78: {  	[spmem:s3] =	stream.indirect.scatter.add.s32 [tilespmem:s15], [sflag:$0x2], $0x80, s20, s19, $0xb8;
	[tilespmem:$0x1D800] =	vst v63  }
0x79: {  	_ =	swait.ge [sflag:s16], $0x4000  }
0x7a: {  	[sflag:s16] =	ssyncset.done $0x0  }
0x7b: {  	s20 =	simm.s32 $0x14400;
	[sflag:s16] =	ssyncadd.s32 $0xFFFFC000  }
0x7c: {  	[tilespmem:s15], [sflag:$0x1] =	stream.indirect.gather [hbm4b:s1+s19], $0x80, s20, s19, $0xb8;
	[tilespmem:$0x1D800] =	vst v63  }
0x7d: {  	_ =	swait.ge [sflag:s22], $0x4000  }
0x7e: {  	[sflag:s22] =	ssyncset.done $0x0  }
0x7f: {  	s20 =	simm.s32 $0x14F80;
	[sflag:s22] =	ssyncadd.s32 $0xFFFFC000  }
0x80: {  	[spmem:s3] =	stream.indirect.scatter.add.s32 [tilespmem:s21], [sflag:$0x2], $0x80, s20, s19, $0xb8;
	[tilespmem:$0x1D800] =	vst v63  }
0x81: {  	_ =	swait.ge [sflag:s16], $0x4000  }
0x82: {  	[sflag:s16] =	ssyncset.done $0x0  }
0x83: {  	s20 =	simm.s32 $0x14480;
	[sflag:s16] =	ssyncadd.s32 $0xFFFFC000  }
0x84: {  	[tilespmem:s21], [sflag:$0x1] =	stream.indirect.gather [hbm4b:s1+s19], $0x80, s20, s19, $0xb8;
	[tilespmem:$0x1D800] =	vst v63  }
0x85: {  	_ =	swait.ge [sflag:s22], $0x4000  }
0x86: {  	[sflag:s22] =	ssyncset.done $0x0  }
0x87: {  	s20 =	simm.s32 $0x15000;
	[sflag:s22] =	ssyncadd.s32 $0xFFFFC000  }
0x88: {  	[spmem:s3] =	stream.indirect.scatter.add.s32 [tilespmem:s15], [sflag:$0x2], $0x80, s20, s19, $0xb8;
	[tilespmem:$0x1D800] =	vst v63  }
0x89: {  	_ =	swait.ge [sflag:s16], $0x4000  }
0x8a: {  	[sflag:s16] =	ssyncset.done $0x0  }
0x8b: {  	s20 =	simm.s32 $0x14500;
	[sflag:s16] =	ssyncadd.s32 $0xFFFFC000  }
0x8c: {  	[tilespmem:s15], [sflag:$0x1] =	stream.indirect.gather [hbm4b:s1+s19], $0x80, s20, s19, $0xb8;
	[tilespmem:$0x1D800] =	vst v63  }
0x8d: {  	_ =	swait.ge [sflag:s22], $0x4000  }
0x8e: {  	[sflag:s22] =	ssyncset.done $0x0  }
0x8f: {  	s20 =	simm.s32 $0x15080;
	[sflag:s22] =	ssyncadd.s32 $0xFFFFC000  }
0x90: {  	[spmem:s3] =	stream.indirect.scatter.add.s32 [tilespmem:s21], [sflag:$0x2], $0x80, s20, s19, $0xb8;
	[tilespmem:$0x1D800] =	vst v63  }
0x91: {  	_ =	swait.ge [sflag:s16], $0x4000  }
0x92: {  	[sflag:s16] =	ssyncset.done $0x0  }
0x93: {  	s20 =	simm.s32 $0x14580;
	[sflag:s16] =	ssyncadd.s32 $0xFFFFC000  }
0x94: {  	[tilespmem:s21], [sflag:$0x1] =	stream.indirect.gather [hbm4b:s1+s19], $0x80, s20, s19, $0xb8;
	[tilespmem:$0x1D800] =	vst v63  }
0x95: {  	_ =	swait.ge [sflag:s22], $0x4000  }
0x96: {  	[sflag:s22] =	ssyncset.done $0x0  }
0x97: {  	s20 =	simm.s32 $0x15100;
	[sflag:s22] =	ssyncadd.s32 $0xFFFFC000  }
0x98: {  	[spmem:s3] =	stream.indirect.scatter.add.s32 [tilespmem:s15], [sflag:$0x2], $0x80, s20, s19, $0xb8;
	[tilespmem:$0x1D800] =	vst v63  }
0x99: {  	_ =	swait.ge [sflag:s16], $0x4000  }
0x9a: {  	[sflag:s16] =	ssyncset.done $0x0  }
0x9b: {  	s20 =	simm.s32 $0x14600;
	[sflag:s16] =	ssyncadd.s32 $0xFFFFC000  }
0x9c: {  	[tilespmem:s15], [sflag:$0x1] =	stream.indirect.gather [hbm4b:s1+s19], $0x80, s20, s19, $0xb8;
	[tilespmem:$0x1D800] =	vst v63  }
0x9d: {  	_ =	swait.ge [sflag:s22], $0x4000  }
0x9e: {  	[sflag:s22] =	ssyncset.done $0x0  }
0x9f: {  	s20 =	simm.s32 $0x15180;
	[sflag:s22] =	ssyncadd.s32 $0xFFFFC000  }
0xa0: {  	[spmem:s3] =	stream.indirect.scatter.add.s32 [tilespmem:s21], [sflag:$0x2], $0x80, s20, s19, $0xb8;
	[tilespmem:$0x1D800] =	vst v63  }
0xa1: {  	_ =	swait.ge [sflag:s16], $0x4000  }
0xa2: {  	[sflag:s16] =	ssyncset.done $0x0  }
0xa3: {  	s20 =	simm.s32 $0x14680;
	[sflag:s16] =	ssyncadd.s32 $0xFFFFC000  }
0xa4: {  	[tilespmem:s21], [sflag:$0x1] =	stream.indirect.gather [hbm4b:s1+s19], $0x80, s20, s19, $0xb8;
	[tilespmem:$0x1D800] =	vst v63  }
0xa5: {  	_ =	swait.ge [sflag:s22], $0x4000  }
0xa6: {  	[sflag:s22] =	ssyncset.done $0x0  }
0xa7: {  	s20 =	simm.s32 $0x15200;
	[sflag:s22] =	ssyncadd.s32 $0xFFFFC000  }
0xa8: {  	[spmem:s3] =	stream.indirect.scatter.add.s32 [tilespmem:s15], [sflag:$0x2], $0x80, s20, s19, $0xb8;
	[tilespmem:$0x1D800] =	vst v63  }
0xa9: {  	_ =	swait.ge [sflag:s16], $0x4000  }
0xaa: {  	[sflag:s16] =	ssyncset.done $0x0  }
0xab: {  	s20 =	simm.s32 $0x14700;
	[sflag:s16] =	ssyncadd.s32 $0xFFFFC000  }
0xac: {  	[tilespmem:s15], [sflag:$0x1] =	stream.indirect.gather [hbm4b:s1+s19], $0x80, s20, s19, $0xb8;
	[tilespmem:$0x1D800] =	vst v63  }
0xad: {  	_ =	swait.ge [sflag:s22], $0x4000  }
0xae: {  	[sflag:s22] =	ssyncset.done $0x0  }
0xaf: {  	s20 =	simm.s32 $0x15280;
	[sflag:s22] =	ssyncadd.s32 $0xFFFFC000  }
0xb0: {  	[spmem:s3] =	stream.indirect.scatter.add.s32 [tilespmem:s21], [sflag:$0x2], $0x80, s20, s19, $0xb8;
	[tilespmem:$0x1D800] =	vst v63  }
0xb1: {  	_ =	swait.ge [sflag:s16], $0x4000  }
0xb2: {  	[sflag:s16] =	ssyncset.done $0x0  }
0xb3: {  	s20 =	simm.s32 $0x14780;
	[sflag:s16] =	ssyncadd.s32 $0xFFFFC000  }
0xb4: {  	[tilespmem:s21], [sflag:$0x1] =	stream.indirect.gather [hbm4b:s1+s19], $0x80, s20, s19, $0xb8;
	[tilespmem:$0x1D800] =	vst v63  }
0xb5: {  	_ =	swait.ge [sflag:s22], $0x4000  }
0xb6: {  	[sflag:s22] =	ssyncset.done $0x0  }
0xb7: {  	s20 =	simm.s32 $0x15300;
	[sflag:s22] =	ssyncadd.s32 $0xFFFFC000  }
0xb8: {  	[spmem:s3] =	stream.indirect.scatter.add.s32 [tilespmem:s15], [sflag:$0x2], $0x80, s20, s19, $0xb8;
	[tilespmem:$0x1D800] =	vst v63  }
0xb9: {  	_ =	swait.ge [sflag:s16], $0x4000  }
0xba: {  	[sflag:s16] =	ssyncset.done $0x0  }
0xbb: {  	s20 =	simm.s32 $0x14800;
	[sflag:s16] =	ssyncadd.s32 $0xFFFFC000  }
0xbc: {  	[tilespmem:s15], [sflag:$0x1] =	stream.indirect.gather [hbm4b:s1+s19], $0x80, s20, s19, $0xb8;
	[tilespmem:$0x1D800] =	vst v63  }
0xbd: {  	_ =	swait.ge [sflag:s22], $0x4000  }
0xbe: {  	[sflag:s22] =	ssyncset.done $0x0  }
0xbf: {  	s20 =	simm.s32 $0x15380;
	[sflag:s22] =	ssyncadd.s32 $0xFFFFC000  }
0xc0: {  	[spmem:s3] =	stream.indirect.scatter.add.s32 [tilespmem:s21], [sflag:$0x2], $0x80, s20, s19, $0xb8;
	[tilespmem:$0x1D800] =	vst v63  }
0xc1: {  	_ =	swait.ge [sflag:s16], $0x4000  }
0xc2: {  	[sflag:s16] =	ssyncset.done $0x0  }
0xc3: {  	[sflag:s16] =	ssyncadd.s32 $0xFFFFC000  }
0xc4: {  	[tilespmem:s21], [sflag:$0x1] =	stream.indirect.gather [hbm4b:s1+s19], $0x80, s23, s19, $0xb8;
	[tilespmem:$0x1D800] =	vst v63  }
0xc5: {  	_ =	swait.ge [sflag:s22], $0x4000  }
0xc6: {  	[sflag:s22] =	ssyncset.done $0x0  }
0xc7: {  	[sflag:s22] =	ssyncadd.s32 $0xFFFFC000  }
0xc8: {  	[spmem:s3] =	stream.indirect.scatter.add.s32 [tilespmem:s15], [sflag:$0x2], $0x80, s24, s19, $0xb8;
	[tilespmem:$0x1D800] =	vst v63  }
0xc9: {  	_ =	swait.ge [sflag:s16], $0x4000  }
0xca: {  	[sflag:s16] =	ssyncset.done $0x0  }
0xcb: {  	[sflag:s16] =	ssyncadd.s32 $0xFFFFC000  }
0xcc: {  	[tilespmem:s15], [sflag:$0x1] =	stream.indirect.gather [hbm4b:s1+s19], $0x80, s26, s19, $0xb8;
	[tilespmem:$0x1D800] =	vst v63  }
0xcd: {  	_ =	swait.ge [sflag:s22], $0x4000  }
0xce: {  	[sflag:s22] =	ssyncset.done $0x0  }
0xcf: {  	[sflag:s22] =	ssyncadd.s32 $0xFFFFC000  }
0xd0: {  	[spmem:s3] =	stream.indirect.scatter.add.s32 [tilespmem:s21], [sflag:$0x2], $0x80, s28, s19, $0xb8;
	[tilespmem:$0x1D800] =	vst v63  }
0xd1: {  	_ =	swait.ge [sflag:s16], $0x4000  }
0xd2: {  	[sflag:s16] =	ssyncset.done $0x0  }
0xd3: {  	[sflag:s16] =	ssyncadd.s32 $0xFFFFC000  }
0xd4: {  	[tilespmem:s21], [sflag:$0x1] =	stream.indirect.gather [hbm4b:s1+s19], $0x80, s29, s19, $0xb8;
	[tilespmem:$0x1D800] =	vst v63  }
0xd5: {  	_ =	swait.ge [sflag:s22], $0x4000  }
0xd6: {  	[sflag:s22] =	ssyncset.done $0x0  }
0xd7: {  	[sflag:s22] =	ssyncadd.s32 $0xFFFFC000  }
0xd8: {  	[spmem:s3] =	stream.indirect.scatter.add.s32 [tilespmem:s15], [sflag:$0x2], $0x80, s30, s19, $0xb8;
	[tilespmem:$0x1D800] =	vst v63  }
0xd9: {  	_ =	swait.ge [sflag:s16], $0x4000  }
0xda: {  	[sflag:s16] =	ssyncset.done $0x0  }
0xdb: {  	[sflag:s16] =	ssyncadd.s32 $0xFFFFC000  }
0xdc: {  	_ =	swait.ge [sflag:s22], $0x4000  }
0xdd: {  	[sflag:s22] =	ssyncset.done $0x0  }
0xde: {  	[sflag:s22] =	ssyncadd.s32 $0xFFFFC000  }
0xdf: {  	[spmem:s3] =	stream.indirect.scatter.add.s32 [tilespmem:s21], [sflag:$0x2], $0x80, s31, s19, $0xb8;
	[tilespmem:$0x1D800] =	vst v63  }
0xe0: {  	_ =	swait.ge [sflag:s16], $0x4000  }
0xe1: {  	[sflag:s16] =	ssyncset.done $0x0  }
0xe2: {  	[sflag:s16] =	ssyncadd.s32 $0xFFFFC000  }
0xe3: {  	s0 =	simm.s32 @p0 $0x1FC2;
	[bflag:$0x0] =	sbarrier.arrive $0xFFFF  }
0xe4: {  	[hbm:s13], [sflag:s0] =	dma.local @p0 [spmem:s25], $0x1900  }
0xe5: {  	s0 =	simm.s32 @p0 $0x2  }
0xe6: {  	s2 =	sadd.s32 $0x1, s2;
	s20 =	stileid.u32;
	_ =	swait.ge @p0 [sflag:s0], $0x1900  }
0xe7: {  	p1 =	sne.s32 s2, s14;
	s20 =	sshll.u32 @!p0 s20, $0x6;
	[sflag:s0] =	ssyncset.done @p0 $0x0  }
0xe8: {  	[sflag:s0] =	ssyncadd.s32 @p0 $0xFFFFE700;
	s0 =	sor.u32 @!p0 $0x1C02, s20;
	s20 =	sshrl.u32 @!p0 s5, $0x3  }
0xe9: {  	[hbm:s12], [sflag:s0] =	dma.local @!p0 [spmem:s20], $0x2800  }
.Ltmp1:
0xea: {  	_ = 	snop;
	(pc) =	sbr.rel @p1 .LBB2_1-.Ltmp1, $4  }
0xeb: {  	s0 =	simm.s32 @!p0 $0x2  }
0xec: {  	_ =	swait.ge @!p0 [sflag:s0], $0x2800  }
0xed: {  	[sflag:s0] =	ssyncset.done @!p0 $0x0  }
0xee: {  	[sflag:s0] =	ssyncadd.s32 @!p0 $0xFFFFD800  }
0xef: {  	_ =	sfence.sel $0x180000  }
0xf0: {  	[bflag:$0x0] =	sbarrier.arrive $0xFFFF  }
0xf1: {  	_ =	strace $0x9000004D  }
0xf2: {  	s0 =	stileid.u32;
	[bflag:$0x2] =	sbarrier.arrive $0xFFFF  }
0xf3: {  	p0 =	sne.s32 s0, $0x0;
	s0 =	rddreg [dreg:$0x3]  }
0xf4: {  	s0 =	sadd.s32 @!p0 $0x100000, s0  }
0xf5: {  	[sflag:s0] =	ssyncadd.tile.s32 @!p0 $0x1;
	_ =	shalt  }
.Lfunc_end2:
_tile_overlayer_lowered:
.L_overlay_start_2:
0xf6: {  	(tag) =	ssettag $0x2  }
0xf7: {  	s0 =	rddreg [dreg:$0x0];
	s2 =	stileid.u32  }
0xf8: {  	s1 =	rddreg [dreg:$0x1];
	p0 =	sne.s32 s2, $0x0  }
0xf9: {  	s3 =	rddreg [dreg:$0x2];
	[bflag:$0x3] =	sbarrier.arrive $0xFFFF;
	s2 =	simm.s32 @!p0 $0x1C02  }
0xfa: {  	[timem:s3], [sflag:s2] =	dma.local @!p0 [hbm:s0], s1  }
0xfb: {  	s0 =	simm.s32 @!p0 $0x2  }
0xfc: {  	_ =	swait.ge @!p0 [sflag:s0], s1  }
0xfd: {  	s1 =	ssub.s32 @!p0 $0x0, s1;
	[sflag:s0] =	ssyncset.done @!p0 $0x0  }
0xfe: {  	[sflag:s0] =	ssyncadd.s32 @!p0 s1  }
0xff: {  	[bflag:$0x3] =	sbarrier.arrive $0xFFFF  }
0x100: {  	_ =	shalt  }

// kernel: kernel.9.cloned.1.call-start
scs
__scs_entry_jumppad:
0x0: {  	(pc) =	sbr.rel $0x88, $3  }
0x1: {  	(tag) =	ssettag $0x0;
	lr =	simm.s32 $0x1  }
0x2: {  	[smem:$0x3F89] =	sst lr;
	_ =	strace $0xD0000000  }
0x3: {  	_ = 	snop  }
0x4: {  	_ = 	snop  }
0x5: {  	_ = 	snop  }
0x6: {  	_ = 	snop  }
0x7: {  	_ = 	snop  }
__scs_overlays_trampoline_lowered:
0x8: {  	[smem:$0x3F98] =	sst s0  }
0x9: {  	[smem:$0x3F99] =	sst s1  }
0xa: {  	[smem:$0x3F9A] =	sst s2  }
0xb: {  	[smem:$0x3F9B] =	sst s3  }
0xc: {  	[smem:$0x3F9C] =	sst s4  }
0xd: {  	[smem:$0x3F9D] =	sst s5  }
0xe: {  	[smem:$0x3F9E] =	sst s6  }
0xf: {  	[smem:$0x3F9F] =	sst s7  }
0x10: {  	[smem:$0x3FA0] =	sst s8  }
0x11: {  	[smem:$0x3FA1] =	sst s9;
	s0 =	simm.s32 @!p0 $0x0  }
0x12: {  	s1 =	sld [smem:$0x3F87];
	s0 =	simm.s32 @p0 $0x1  }
0x13: {  	[smem:$0x3FA2] =	sst s0;
	s0 =	simm.s32 @!p1 $0x0  }
0x14: {  	s2 =	sld [smem:$0x3F86];
	s0 =	simm.s32 @p1 $0x1  }
0x15: {  	[smem:$0x3FA3] =	sst s0;
	s0 =	simm.s32 @!p2 $0x0  }
0x16: {  	s3 =	sld [smem:$0x3FDB];
	s0 =	simm.s32 @p2 $0x1  }
0x17: {  	s4 =	simm.s32 $0x1BF5;
	[smem:$0x3FA5] =	sst s0  }
0x18: {  	s0 =	sld [smem:$0x3F88];
	_ =	swait.ge [sflag:s4], $0x0  }
0x19: {  	s7 =	sld [smem:$0x3F89]  }
0x1a: {  	s8 =	sadd.s32 $0xFFFFE003, lr  }
0x1b: {  	s9 =	sadd.s32 $0xFFFFFEF7, lr;
	s5 =	simm.s32 $0xFFFFFFFF;
	p2 =	slt.u32 s8, $0xFFFFF086  }
0x1c: {  	p1 =	slt.u32 s9, $0xF7A;
	s5 =	simm.s32 @!p2 $0x0  }
0x1d: {  	s5 =	simm.s32 @p1 $0x1;
	p0 =	seq.s32 s7, s2  }
0x1e: {  	s7 =	smul.u32 @!p0 $0xF7A, s2;
	p2 =	seq.s32 @!p0 s5, $0x0  }
0x1f: {  	s9 =	smul.u32 $0xF7A, s1;
	s8 =	simm.s32 @!p0 $0x1BF5;
	p2 =	por !p2, p0  }
0x20: {  	[sflag:s8] =	ssyncset.s32 @!p0 $0xFFFFF086;
	s6 =	sadd.s32 @!p0 s3, s7;
	s7 =	simm.s32 @!p0 $0x108  }
0x21: {  	s3 =	sadd.s32 s3, s9;
	s6 =	sadd.s32 @!p0 $0x88, s6;
	s7 =	simm.s32 @p2 $0x1082  }
0x22: {  	[simem:s7], [sflag:s8] =	dma.local @!p0 [hbm:s6], $0xF7A  }
0x23: {  	s9 =	sor.u32 $0xD0000000, s2;
	s6 =	simm.s32 $0x108;
	_ =	swait.ge @!p0 [sflag:s8], $0x0  }
0x24: {  	s3 =	sadd.s32 $0x88, s3;
	s6 =	simm.s32 @!p1 $0x1082;
	[sflag:s4] =	ssyncset.s32 $0xFFFFF086  }
0x25: {  	[simem:s6], [sflag:s4] =	dma.local [hbm:s3], $0xF7A  }
0x26: {  	[smem:$0x3F89] =	sst s1;
	(tag) =	ssettag s2;
	_ =	strace s9  }
0x27: {  	s1 =	sld [smem:$0x3F99]  }
0x28: {  	s2 =	sld [smem:$0x3F9A]  }
0x29: {  	s4 =	sld [smem:$0x3F9C]  }
0x2a: {  	p0 =	seq.s32 s5, $0x0;
	s5 =	sld [smem:$0x3F9D]  }
0x2b: {  	s6 =	sld [smem:$0x3F9E]  }
0x2c: {  	s7 =	sld [smem:$0x3F9F]  }
0x2d: {  	s3 =	simm.s32 $0x108;
	s8 =	sld [smem:$0x3FA0]  }
0x2e: {  	s3 =	simm.s32 @!p0 $0x1082;
	s9 =	sld [smem:$0x3FA1]  }
0x2f: {  	lr =	sadd.s32 s0, s3;
	s0 =	sld [smem:$0x3F98]  }
0x30: {  	s3 =	sld [smem:$0x3F9B]  }
0x31: {  	[smem:$0x3FA4] =	sst s10  }
0x32: {  	s10 =	sld [smem:$0x3FA2];
	_ =	sdelay $0x3  }
0x33: {  	p0 =	seq.s32 s10, $0x1;
	s10 =	sld [smem:$0x3FA4];
	_ =	sdelay $0x3  }
0x34: {  	[smem:$0x3FA4] =	sst s10  }
0x35: {  	s10 =	sld [smem:$0x3FA3];
	_ =	sdelay $0x3  }
0x36: {  	p1 =	seq.s32 s10, $0x1;
	s10 =	sld [smem:$0x3FA4];
	_ =	sdelay $0x3  }
0x37: {  	[smem:$0x3FA4] =	sst s10  }
0x38: {  	s10 =	sld [smem:$0x3FA5]  }
0x39: {  	_ = 	snop;
	(pc) =	sbr.ind lr, $3  }
0x3a: {  	_ = 	snop  }
0x3b: {  	_ = 	snop  }
0x3c: {  	p2 =	seq.s32 s10, $0x1;
	s10 =	sld [smem:$0x3FA4]  }
0x3d: {  	_ =	shalt  }
0x3e: {  	_ =	shalt  }
0x3f: {  	_ =	shalt  }
0x40: {  	_ =	shalt  }
0x41: {  	_ =	shalt  }
0x42: {  	_ =	shalt  }
0x43: {  	_ =	shalt  }
0x44: {  	_ =	shalt  }
0x45: {  	_ =	shalt  }
0x46: {  	_ =	shalt  }
0x47: {  	_ =	shalt  }
0x48: {  	_ =	shalt  }
0x49: {  	_ =	shalt  }
0x4a: {  	_ =	shalt  }
0x4b: {  	_ =	shalt  }
0x4c: {  	_ =	shalt  }
0x4d: {  	_ =	shalt  }
0x4e: {  	_ =	shalt  }
0x4f: {  	_ =	shalt  }
0x50: {  	_ =	shalt  }
0x51: {  	_ =	shalt  }
0x52: {  	_ =	shalt  }
0x53: {  	_ =	shalt  }
0x54: {  	_ =	shalt  }
0x55: {  	_ =	shalt  }
0x56: {  	_ =	shalt  }
0x57: {  	_ =	shalt  }
0x58: {  	_ =	shalt  }
0x59: {  	_ =	shalt  }
0x5a: {  	_ =	shalt  }
0x5b: {  	_ =	shalt  }
0x5c: {  	_ =	shalt  }
0x5d: {  	_ =	shalt  }
0x5e: {  	_ =	shalt  }
0x5f: {  	_ =	shalt  }
0x60: {  	_ =	shalt  }
0x61: {  	_ =	shalt  }
0x62: {  	_ =	shalt  }
0x63: {  	_ =	shalt  }
0x64: {  	_ =	shalt  }
0x65: {  	_ =	shalt  }
0x66: {  	_ =	shalt  }
0x67: {  	_ =	shalt  }
0x68: {  	_ =	shalt  }
0x69: {  	_ =	shalt  }
0x6a: {  	_ =	shalt  }
0x6b: {  	_ =	shalt  }
0x6c: {  	_ =	shalt  }
0x6d: {  	_ =	shalt  }
0x6e: {  	_ =	shalt  }
0x6f: {  	_ =	shalt  }
0x70: {  	_ =	shalt  }
0x71: {  	_ =	shalt  }
0x72: {  	_ =	shalt  }
0x73: {  	_ =	shalt  }
0x74: {  	_ =	shalt  }
0x75: {  	_ =	shalt  }
0x76: {  	_ =	shalt  }
0x77: {  	_ =	shalt  }
0x78: {  	_ =	shalt  }
0x79: {  	_ =	shalt  }
0x7a: {  	_ =	shalt  }
0x7b: {  	_ =	shalt  }
0x7c: {  	_ =	shalt  }
0x7d: {  	_ =	shalt  }
0x7e: {  	_ =	shalt  }
0x7f: {  	_ =	shalt  }
0x80: {  	_ =	shalt  }
0x81: {  	_ =	shalt  }
0x82: {  	_ =	shalt  }
0x83: {  	_ =	shalt  }
0x84: {  	_ =	shalt  }
0x85: {  	_ =	shalt  }
0x86: {  	_ =	shalt  }
0x87: {  	_ =	shalt  }
.Lfunc_end0:
.L_simem_size_0:
called_computation_lowered:
.L_overlay_start_0:
0x88: {  	s2 =	sld [smem:$0x3FD9]  }
0x89: {  	s3 =	sld [smem:$0x3FFE];
	_ =	sdelay $0x1  }
0x8a: {  	s1 =	srdreg.scid  }
0x8b: {  	s0 =	sand.u32 $0x1, s1  }
0x8c: {  	s14 =	sshll.u32 s0, $0xA;
	s2 =	sadd.s32 s3, s2  }
0x8d: {  	s2 =	sadd.s32 s2, s14  }
0x8e: {  	[smem:$0x3FB0] =	sst s2  }
0x8f: {  	_ = 	snop  }
0x90: {  	s2 =	sld [smem:$0x3FD0];
	_ =	sdelay $0x2  }
0x91: {  	s15 =	simm.s32 $0xB;
	s4 =	simm.s32 $0x10  }
0x92: {  	[smem:s4], [sflag:s15] =	dma.local [hbm:s2], $0x1  }
0x93: {  	_ =	swait.eq [sflag:s15], $0x1  }
0x94: {  	[sflag:s15] =	ssyncset.done $0x0  }
0x95: {  	[sflag:s15] =	ssyncadd.s32 $0xFFFFFFFF  }
0x96: {  	s16 =	sld [smem:$0x11];
	(tm) =	ssettm $0x1  }
0x97: {  	s17 =	sld [smem:$0x3FFB];
	_ =	sdelay $0x3  }
0x98: {  	_ =	strace s17  }
0x99: {  	s3 =	sld [smem:$0x3FFC];
	_ =	sdelay $0x3  }
0x9a: {  	_ =	strace s3  }
0x9b: {  	s3 =	sld [smem:$0x3FFD];
	_ =	sdelay $0x3  }
0x9c: {  	_ =	strace s3  }
0x9d: {  	_ =	strace $0x8FFFFFFF  }
0x9e: {  	s18 =	sld [smem:$0x3FDB];
	_ =	sdelay $0x1  }
0x9f: {  	s19 =	simm.s32 $_scs_section_size  }
0xa0: {  	s5 =	simm.s32 $_size__tile_overlayer_lowered;
	s6 =	simm.s32 $_tile_overlayer_lowered  }
0xa1: {  	s22 =	simm.s32 $0x1BFF;
	s21 =	sshll.u32 s6, $0x1;
	s3 =	sadd.s32 s19, s18  }
0xa2: {  	s7 =	simm.s32 $0x0;
	s20 =	sshll.u32 s5, $0x1;
	s5 =	sadd.s32 s21, s3  }
0xa3: {  	[timem:s7], [sflag:s22] =	dma.local [hbm:s5], s20  }
0xa4: {  	_ =	swait.ge [sflag:s22], s20  }
0xa5: {  	s4 =	ssub.s32 $0x0, s20;
	[sflag:s22] =	ssyncset.done $0x0  }
0xa6: {  	[sflag:s22] =	ssyncadd.s32 s4;
	_ =	sdelay $0x1  }
0xa7: {  	s23 =	simm.s32 $0x1B8B  }
0xa8: {  	_ =	swait.ge [sflag:s23], $0x1  }
0xa9: {  	[sflag:s23] =	ssyncset.done $0x0  }
0xaa: {  	s25 =	simm.s32 $0x1B8E;
	s24 =	sld [smem:$0x3FFE];
	[sflag:s23] =	ssyncadd.s32 $0xFFFFFFFF  }
0xab: {  	s26 =	simm.s32 $execute0_lowered;
	[smem:$0x3FD2] =	sst s25  }
0xac: {  	s5 =	sshll.u32 s26, $0x1;
	_ =	strace $0x80000046;
	[dreg:$0x1] =	wrdreg $0xFFFFFFFF  }
0xad: {  	s28 =	simm.s32 $_size_execute0_lowered;
	s3 =	sadd.s32 s3, s5;
	[dreg:$0x0] =	wrdreg $0x0  }
0xae: {  	s5 =	sshll.u32 s28, $0x1;
	[dreg:$0x2] =	wrdreg s3  }
0xaf: {  	[dreg:$0x3] =	wrdreg s5  }
0xb0: {  	[dreg:$0x4] =	wrdreg $0xC0  }
0xb1: {  	_ =	task [dreg:s7], $0x5FFFF  }
0xb2: {  	[dreg:$0x1] =	wrdreg $0xFFFFFFFF  }
0xb3: {  	[dreg:$0x0] =	wrdreg $0x60  }
0xb4: {  	[dreg:$0x2] =	wrdreg s16  }
0xb5: {  	[dreg:$0x3] =	wrdreg s24  }
0xb6: {  	[dreg:$0x4] =	wrdreg $0x0  }
0xb7: {  	[dreg:$0x5] =	wrdreg $0x9  }
0xb8: {  	_ =	task.clear_ibuf [dreg:s7], $0x6FFFF;
	_ =	strace $0x90000046  }
0xb9: {  	s29 =	simm.s32 $0x9;
	_ =	strace $0x80000048  }
0xba: {  	_ =	swait.ge [sflag:s29], $0x1  }
0xbb: {  	[sflag:s29] =	ssyncadd.s32 $0xFFFFFFFF  }
0xbc: {  	_ =	strace $0x90000048  }
0xbd: {  	_ =	sfence  }
0xbe: {  	s30 =	sld [smem:$0x0];
	_ =	sdelay $0x2  }
0xbf: {  	s31 =	sshll.u32 s1, $0xD;
	s1 =	sshrl.u32 s1, $0x2  }
0xc0: {  	s3 =	sand.u32 $0x4000, s31;
	s1 =	sadd.s32 s1, s30  }
0xc1: {  	s0 =	sor.u32 s3, s0;
	s1 =	sshll.u32 s1, $0x11  }
0xc2: {  	s0 =	sor.u32 s1, s0  }
0xc3: {  	s0 =	sadd.s32 $0x8F2B, s0  }
0xc4: {  	[sflag:s0] =	ssyncadd.remote.s32 $0x1  }
0xc5: {  	_ =	sfence.sel $0xFFFF  }
0xc6: {  	[dreg:$0x0] =	wrdreg $0xFFFFFFFF;
	(pc) =	sbr.abs _section_cstart, $3  }
0xc7: {  	[dreg:$0x1] =	wrdreg $0xFFFFFFFF  }
0xc8: {  	_ =	task.clear_ibuf [dreg:s7], $0x2FFFF;
	_ =	strace $0x9FFFFFFF  }
0xc9: {  	(tm) =	ssettm $0x7FFFFFFF  }
tec
execute0_lowered:
.L_overlay_start_1:
0x0: {  	(tag) =	ssettag $0x1  }
0x1: {  	s1 =	rddreg [dreg:$0x0]  }
0x2: {  	s0 =	rddreg [dreg:$0x1]  }
0x3: {  	s3 =	rddreg [dreg:$0x2]  }
0x4: {  	s4 =	simm.s32 $0x0;
	s2 =	stileid.u32;
	s6 =	srdreg.scid  }
0x5: {  	s20 =	simm.s32 $0x2;
	s21 =	simm.s32 $0x14000;
	s22 =	simm.s32 $0x15400  }
0x6: {  	s28 =	simm.s32 $0x15380;
	s29 =	simm.s32 $0x16700;
	s5 =	smul.u32 $0x280, s2  }
0x7: {  	s30 =	simm.s32 $0x16780;
	[smem:$0x7FF] =	sst s4;
	s23 =	smul.u32 $0x50000, s2  }
0x8: {  	s10 =	sand.u32 $0x1, s6;
	s12 =	sadd.s32 $0xEA00, s0;
	s11 =	smul.u32 $0x2800, s2  }
0x9: {  	s13 =	sadd.s32 $0x7200, s0;
	s17 =	smul.u32 $0x14000, s2;
	p1 =	seq.s32 s2, $0xF  }
0xa: {  	_ =	strace $0x80000047;
	s7 =	ssub.s32 $0x2, s10;
	s16 =	smul.u32 $0x138800, s10  }
0xb: {  	p0 =	seq.s32 s10, $0x1;
	s15 =	sadd.s32 s5, s0;
	s24 =	sshrl.u32 s7, $0x1  }
0xc: {  	s6 =	sshrl.u32 s23, $0x2;
	s0 =	sadd.s32 $0x13A00, s0;
	s14 =	sshrl.u32 s11, $0x3  }
0xd: {  	s23 =	simm.s32 $0x80;
	s18 =	ssub.s32 s7, s24;
	s5 =	sadd.s32 s6, s3  }
0xe: {  	s25 =	sadd.s32 s12, s14;
	s26 =	sadd.s32 s13, s14;
	s14 =	sadd.s32 $0x280, s14  }
0xf: {  	s17 =	sadd.s32 s17, s16;
	s19 =	sshrl.u32 s16, $0x3;
	s24 =	simm.s32 $0x1A800  }
0x10: {  	s6 =	sadd.s32 $0x4000, s5;
	s7 =	sadd.s32 $0x8000, s5;
	[dreg:$0x4] =	wrdreg s25  }
0x11: {  	s8 =	sadd.s32 $0xC000, s5;
	s9 =	sadd.s32 $0x10000, s5;
	[dreg:$0x5] =	wrdreg s26  }
.Ltmp0:
0x12: {  	s31 =	sadd.s32 s12, s14;
	s13 =	sadd.s32 s13, s14;
	(pc) =	sbr.rel .LBB2_1-.Ltmp0, $4  }
0x13: {  	s14 =	sadd.s32 $0x4A00, s15;
	s17 =	sshrl.u32 s17, $0x3;
	s15 =	sadd.s32 $0xC200, s15  }
0x14: {  	s18 =	smax.u32 s18, $0x1;
	s16 =	sadd.s32 s0, s17;
	s0 =	sadd.s32 s0, s19  }
0x15: {  	s26 =	simm.s32 $0x1;
	s17 =	sadd.s32 $0x25800, s0;
	s0 =	sadd.s32 $0x12C000, s3  }
0x16: {  	v0 =	vimm.f32 $0.0e+00;
	[dreg:$0x6] =	wrdreg s31;
	s19 =	simm.s32 $0x16800;
	s25 =	sshrl.u32 @p1 s0, $0x3  }
.LBB2_8:
0x17: {  	s0 =	sadd.s32 $0x14080, s31;
	[sflag:s20] =	ssyncadd.s32 $0xFFFFC000  }
0x18: {  	[tilespmem:s24], [sflag:$0x1] =	stream.indirect.gather [hbm4b:s1+s23], $0x80, s0, s23, $0xb8;
	[tilespmem:$0x1E800] =	vst v63  }
0x19: {  	_ =	swait.ge [sflag:s26], $0x4000  }
0x1a: {  	[sflag:s26] =	ssyncset.done $0x0  }
0x1b: {  	s11 =	sadd.s32 $0x15400, s31;
	[sflag:s26] =	ssyncadd.s32 $0xFFFFC000  }
0x1c: {  	[spmem:s3] =	stream.indirect.scatter.add.f32 [tilespmem:s19], [sflag:$0x2], $0x80, s11, s23, $0xb8;
	[tilespmem:$0x1E800] =	vst v63  }
0x1d: {  	_ =	swait.ge [sflag:s20], $0x4000  }
0x1e: {  	[sflag:s20] =	ssyncset.done $0x0  }
0x1f: {  	s12 =	sadd.s32 $0x14100, s31;
	[sflag:s20] =	ssyncadd.s32 $0xFFFFC000  }
0x20: {  	[tilespmem:s19], [sflag:$0x1] =	stream.indirect.gather [hbm4b:s1+s23], $0x80, s12, s23, $0xb8;
	[tilespmem:$0x1E800] =	vst v63  }
0x21: {  	_ =	swait.ge [sflag:s26], $0x4000  }
0x22: {  	[sflag:s26] =	ssyncset.done $0x0  }
0x23: {  	s31 =	sadd.s32 $0x15480, s31;
	[sflag:s26] =	ssyncadd.s32 $0xFFFFC000  }
0x24: {  	[spmem:s3] =	stream.indirect.scatter.add.f32 [tilespmem:s24], [sflag:$0x2], $0x80, s31, s23, $0xb8;
	[tilespmem:$0x1E800] =	vst v63  }
0x25: {  	_ =	swait.ge [sflag:s20], $0x4000  }
0x26: {  	[sflag:s20] =	ssyncset.done $0x0  }
0x27: {  	[sflag:s20] =	ssyncadd.s32 $0xFFFFC000  }
.LBB2_12:
0x28: {  	[tilespmem:s24], [sflag:$0x1] =	stream.indirect.gather [hbm4b:s1+s23], $0x80, s28, s23, $0xb8;
	[tilespmem:$0x1E800] =	vst v63  }
0x29: {  	_ =	swait.ge [sflag:s26], $0x4000  }
0x2a: {  	[sflag:s26] =	ssyncset.done $0x0  }
0x2b: {  	[sflag:s26] =	ssyncadd.s32 $0xFFFFC000  }
0x2c: {  	[spmem:s3] =	stream.indirect.scatter.add.f32 [tilespmem:s19], [sflag:$0x2], $0x80, s29, s23, $0xb8;
	[tilespmem:$0x1E800] =	vst v63  }
0x2d: {  	_ =	swait.ge [sflag:s20], $0x4000  }
0x2e: {  	[sflag:s20] =	ssyncset.done $0x0  }
0x2f: {  	[sflag:s20] =	ssyncadd.s32 $0xFFFFC000  }
0x30: {  	_ =	swait.ge [sflag:s26], $0x4000  }
0x31: {  	[sflag:s26] =	ssyncset.done $0x0  }
0x32: {  	[sflag:s26] =	ssyncadd.s32 $0xFFFFC000  }
0x33: {  	[spmem:s3] =	stream.indirect.scatter.add.f32 [tilespmem:s24], [sflag:$0x2], $0x80, s30, s23, $0xb8;
	[tilespmem:$0x1E800] =	vst v63  }
0x34: {  	_ =	swait.ge [sflag:s20], $0x4000  }
0x35: {  	[sflag:s20] =	ssyncset.done $0x0  }
0x36: {  	[sflag:s20] =	ssyncadd.s32 $0xFFFFC000  }
0x37: {  	s0 =	simm.s32 @p1 $0x1FC2;
	[bflag:$0x0] =	sbarrier.arrive $0xFFFF  }
0x38: {  	[hbm:s17], [sflag:s0] =	dma.local @p1 [spmem:s25], $0x1900  }
0x39: {  	s0 =	simm.s32 @p1 $0x2  }
0x3a: {  	s4 =	sadd.s32 $0x1, s4;
	_ =	swait.ge @p1 [sflag:s0], $0x1900  }
0x3b: {  	s10 =	sshll.u32 @!p1 s2, $0x6;
	p2 =	sne.s32 s4, s18;
	[sflag:s0] =	ssyncset.done @p1 $0x0  }
0x3c: {  	[sflag:s0] =	ssyncadd.s32 @p1 $0xFFFFE700;
	s0 =	sor.u32 @!p1 $0x1C02, s10;
	s10 =	sshrl.u32 @!p1 s5, $0x3  }
0x3d: {  	[hbm:s16], [sflag:s0] =	dma.local @!p1 [spmem:s10], $0x2800  }
.Ltmp1:
0x3e: {  	_ = 	snop;
	(pc) =	sbr.rel @!p2 .LBB2_13-.Ltmp1, $4  }
0x3f: {  	s0 =	simm.s32 @!p1 $0x2  }
0x40: {  	_ =	swait.ge @!p1 [sflag:s0], $0x2800  }
0x41: {  	[sflag:s0] =	ssyncset.done @!p1 $0x0  }
0x42: {  	[sflag:s0] =	ssyncadd.s32 @!p1 $0xFFFFD800  }
.LBB2_1:
0x43: {  	s31 =	simm.s32 $0x0;
	s0 =	simm.s32 $0x200  }
.LBB2_2:
0x44: {  	p2 =	sne.s32 s0, $0xFE00;
	[tilespmem:s31+$0x16870] =	vst v0  }
0x45: {  	[tilespmem:s31+$0x16800] =	vst v0  }
0x46: {  	[tilespmem:s31+$0x16810] =	vst v0  }
.Ltmp2:
0x47: {  	[tilespmem:s31+$0x16820] =	vst v0;
	(pc) =	sbr.rel @p2 .LBB2_2-.Ltmp2, $4  }
0x48: {  	[tilespmem:s31+$0x16830] =	vst v0  }
0x49: {  	[tilespmem:s31+$0x16840] =	vst v0  }
0x4a: {  	[tilespmem:s31+$0x16850] =	vst v0  }
0x4b: {  	[tilespmem:s31+$0x16860] =	vst v0;
	s31 =	sshra.s32 s0, $0x2;
	s0 =	sadd.s32 $0x200, s0  }
0x4c: {  	[tilespmem:s31+$0x16870] =	vst v0  }
0x4d: {  	[tilespmem:s31+$0x16800] =	vst v0  }
0x4e: {  	[tilespmem:s31+$0x16810] =	vst v0  }
0x4f: {  	[tilespmem:s31+$0x16820] =	vst v0  }
0x50: {  	[tilespmem:s31+$0x16830] =	vst v0  }
0x51: {  	[tilespmem:s31+$0x16840] =	vst v0  }
0x52: {  	[tilespmem:s31+$0x16850] =	vst v0  }
0x53: {  	[tilespmem:s31+$0x16860] =	vst v0  }
0x54: {  	[spmem:s5] =	stream.linear.scatter [tilespmem:s19], [sflag:$0x2], $0x4000, $0x38;
	[tilespmem:$0x1E800] =	vst v63  }
0x55: {  	_ =	swait.ge [sflag:s20], $0x4000  }
0x56: {  	[sflag:s20] =	ssyncset.done $0x0  }
0x57: {  	[sflag:s20] =	ssyncadd.s32 $0xFFFFC000  }
0x58: {  	[spmem:s6] =	stream.linear.scatter [tilespmem:s19], [sflag:$0x2], $0x4000, $0x38;
	[tilespmem:$0x1E800] =	vst v63  }
0x59: {  	_ =	swait.ge [sflag:s20], $0x4000  }
0x5a: {  	[sflag:s20] =	ssyncset.done $0x0  }
0x5b: {  	[sflag:s20] =	ssyncadd.s32 $0xFFFFC000  }
0x5c: {  	[spmem:s7] =	stream.linear.scatter [tilespmem:s19], [sflag:$0x2], $0x4000, $0x38;
	[tilespmem:$0x1E800] =	vst v63  }
0x5d: {  	_ =	swait.ge [sflag:s20], $0x4000  }
0x5e: {  	[sflag:s20] =	ssyncset.done $0x0  }
0x5f: {  	[sflag:s20] =	ssyncadd.s32 $0xFFFFC000  }
0x60: {  	[spmem:s8] =	stream.linear.scatter [tilespmem:s19], [sflag:$0x2], $0x4000, $0x38;
	[tilespmem:$0x1E800] =	vst v63  }
0x61: {  	_ =	swait.ge [sflag:s20], $0x4000  }
0x62: {  	[sflag:s20] =	ssyncset.done $0x0  }
0x63: {  	[sflag:s20] =	ssyncadd.s32 $0xFFFFC000  }
0x64: {  	[spmem:s9] =	stream.linear.scatter [tilespmem:s19], [sflag:$0x2], $0x4000, $0x38;
	[tilespmem:$0x1E800] =	vst v63  }
.Ltmp3:
0x65: {  	_ =	swait.ge [sflag:s20], $0x4000;
	(pc) =	sbr.rel @!p0 .LBB2_4-.Ltmp3, $4  }
0x66: {  	[sflag:s20] =	ssyncset.done $0x0  }
0x67: {  	[sflag:s20] =	ssyncadd.s32 $0xFFFFC000  }
0x68: {  	[bflag:$0x0] =	sbarrier.arrive $0xFFFF  }
0x69: {  	s0 =	simm.s32 $0x0  }
0x6a: {  	[tilespmem:s21], [sflag:$0x2] =	stream.linear.gather [hbm4b:s14+s0], $0x1400, $0x38;
	[tilespmem:$0x1E800] =	vst v63  }
0x6b: {  	_ =	swait.ge [sflag:s20], $0x1400  }
0x6c: {  	[sflag:s20] =	ssyncset.done $0x0  }
0x6d: {  	[sflag:s20] =	ssyncadd.s32 $0xFFFFEC00  }
0x6e: {  	[tilespmem:s22], [sflag:$0x2] =	stream.linear.gather [hbm4b:s15+s0], $0x1400, $0x38;
	[tilespmem:$0x1E800] =	vst v63  }
0x6f: {  	_ =	swait.ge [sflag:s20], $0x1400  }
0x70: {  	[sflag:s20] =	ssyncset.done $0x0  }
0x71: {  	[sflag:s20] =	ssyncadd.s32 $0xFFFFEC00  }
0x72: {  	[tilespmem:s19], [sflag:$0x1] =	stream.indirect.gather [hbm4b:s1+s23], $0x80, s21, s23, $0xb8;
	[tilespmem:$0x1E800] =	vst v63  }
0x73: {  	s12 =	simm.s32 $0x14080  }
0x74: {  	[tilespmem:s24], [sflag:$0x1] =	stream.indirect.gather [hbm4b:s1+s23], $0x80, s12, s23, $0xb8;
	[tilespmem:$0x1E800] =	vst v63  }
0x75: {  	_ =	swait.ge [sflag:s26], $0x4000  }
0x76: {  	[sflag:s26] =	ssyncset.done $0x0  }
0x77: {  	s10 =	simm.s32 $0x15400;
	[sflag:s26] =	ssyncadd.s32 $0xFFFFC000  }
0x78: {  	[spmem:s3] =	stream.indirect.scatter.add.f32 [tilespmem:s19], [sflag:$0x2], $0x80, s10, s23, $0xb8;
	[tilespmem:$0x1E800] =	vst v63  }
0x79: {  	_ =	swait.ge [sflag:s20], $0x4000  }
0x7a: {  	[sflag:s20] =	ssyncset.done $0x0  }
0x7b: {  	s11 =	simm.s32 $0x14100;
	[sflag:s20] =	ssyncadd.s32 $0xFFFFC000  }
0x7c: {  	[tilespmem:s19], [sflag:$0x1] =	stream.indirect.gather [hbm4b:s1+s23], $0x80, s11, s23, $0xb8;
	[tilespmem:$0x1E800] =	vst v63  }
0x7d: {  	_ =	swait.ge [sflag:s26], $0x4000  }
0x7e: {  	[sflag:s26] =	ssyncset.done $0x0  }
0x7f: {  	s12 =	simm.s32 $0x15480;
	[sflag:s26] =	ssyncadd.s32 $0xFFFFC000  }
0x80: {  	[spmem:s3] =	stream.indirect.scatter.add.f32 [tilespmem:s24], [sflag:$0x2], $0x80, s12, s23, $0xb8;
	[tilespmem:$0x1E800] =	vst v63  }
0x81: {  	_ =	swait.ge [sflag:s20], $0x4000  }
0x82: {  	s31 =	simm.s32 $0x100;
	s0 =	simm.s32 $0x800;
	[sflag:s20] =	ssyncset.done $0x0  }
.LBB2_10:
0x83: {  	s10 =	sadd.s32 $0x14080, s31  }
0x84: {  	[sflag:s20] =	ssyncadd.s32 $0xFFFFC000;
	s11 =	smov.u32 s0;
	s12 =	sadd.s32 $0x400, s0  }
0x85: {  	[tilespmem:s24], [sflag:$0x1] =	stream.indirect.gather [hbm4b:s1+s23], $0x80, s10, s23, $0xb8;
	[tilespmem:$0x1E800] =	vst v63  }
0x86: {  	p2 =	sne.s32 s0, $0x4800;
	_ =	swait.ge [sflag:s26], $0x4000  }
0x87: {  	[sflag:s26] =	ssyncset.done $0x0  }
0x88: {  	s0 =	sadd.s32 $0x15400, s31;
	[sflag:s26] =	ssyncadd.s32 $0xFFFFC000  }
0x89: {  	[spmem:s3] =	stream.indirect.scatter.add.f32 [tilespmem:s19], [sflag:$0x2], $0x80, s0, s23, $0xb8;
	[tilespmem:$0x1E800] =	vst v63  }
0x8a: {  	_ =	swait.ge [sflag:s20], $0x4000  }
0x8b: {  	[sflag:s20] =	ssyncset.done $0x0  }
0x8c: {  	s0 =	sadd.s32 $0x14100, s31;
	[sflag:s20] =	ssyncadd.s32 $0xFFFFC000  }
0x8d: {  	[tilespmem:s19], [sflag:$0x1] =	stream.indirect.gather [hbm4b:s1+s23], $0x80, s0, s23, $0xb8;
	[tilespmem:$0x1E800] =	vst v63  }
0x8e: {  	_ =	swait.ge [sflag:s26], $0x4000  }
.Ltmp4:
0x8f: {  	[sflag:s26] =	ssyncset.done $0x0;
	(pc) =	sbr.rel @p2 .LBB2_10-.Ltmp4, $4  }
0x90: {  	s0 =	sadd.s32 $0x15480, s31;
	[sflag:s26] =	ssyncadd.s32 $0xFFFFC000  }
0x91: {  	[spmem:s3] =	stream.indirect.scatter.add.f32 [tilespmem:s24], [sflag:$0x2], $0x80, s0, s23, $0xb8;
	[tilespmem:$0x1E800] =	vst v63  }
0x92: {  	_ =	swait.ge [sflag:s20], $0x4000  }
0x93: {  	s31 =	sshra.s32 s11, $0x2;
	s0 =	smov.u32 s12;
	[sflag:s20] =	ssyncset.done $0x0  }
0x94: {  	s0 =	sadd.s32 $0x14080, s31;
	[sflag:s20] =	ssyncadd.s32 $0xFFFFC000  }
0x95: {  	[tilespmem:s24], [sflag:$0x1] =	stream.indirect.gather [hbm4b:s1+s23], $0x80, s0, s23, $0xb8;
	[tilespmem:$0x1E800] =	vst v63  }
0x96: {  	_ =	swait.ge [sflag:s26], $0x4000  }
0x97: {  	[sflag:s26] =	ssyncset.done $0x0  }
0x98: {  	s11 =	sadd.s32 $0x15400, s31;
	[sflag:s26] =	ssyncadd.s32 $0xFFFFC000  }
0x99: {  	[spmem:s3] =	stream.indirect.scatter.add.f32 [tilespmem:s19], [sflag:$0x2], $0x80, s11, s23, $0xb8;
	[tilespmem:$0x1E800] =	vst v63  }
0x9a: {  	_ =	swait.ge [sflag:s20], $0x4000  }
0x9b: {  	[sflag:s20] =	ssyncset.done $0x0  }
0x9c: {  	s12 =	sadd.s32 $0x14100, s31;
	[sflag:s20] =	ssyncadd.s32 $0xFFFFC000  }
0x9d: {  	[tilespmem:s19], [sflag:$0x1] =	stream.indirect.gather [hbm4b:s1+s23], $0x80, s12, s23, $0xb8;
	[tilespmem:$0x1E800] =	vst v63  }
0x9e: {  	_ =	swait.ge [sflag:s26], $0x4000  }
0x9f: {  	[sflag:s26] =	ssyncset.done $0x0  }
.Ltmp5:
0xa0: {  	s31 =	sadd.s32 $0x15480, s31;
	[sflag:s26] =	ssyncadd.s32 $0xFFFFC000;
	(pc) =	sbr.rel .LBB2_12-.Ltmp5, $4  }
0xa1: {  	[spmem:s3] =	stream.indirect.scatter.add.f32 [tilespmem:s24], [sflag:$0x2], $0x80, s31, s23, $0xb8;
	[tilespmem:$0x1E800] =	vst v63  }
0xa2: {  	_ =	swait.ge [sflag:s20], $0x4000  }
0xa3: {  	[sflag:s20] =	ssyncset.done $0x0  }
0xa4: {  	[sflag:s20] =	ssyncadd.s32 $0xFFFFC000  }
.LBB2_4:
0xa5: {  	s10 =	rddreg [dreg:$0x4]  }
0xa6: {  	[tilespmem:s21], [sflag:$0x2] =	stream.linear.gather [hbm4b:s10+s0], $0x1400, $0x38;
	[tilespmem:$0x1E800] =	vst v63  }
0xa7: {  	_ =	swait.ge [sflag:s20], $0x1400  }
0xa8: {  	[sflag:s20] =	ssyncset.done $0x0  }
0xa9: {  	s11 =	rddreg [dreg:$0x5];
	[sflag:s20] =	ssyncadd.s32 $0xFFFFEC00  }
0xaa: {  	[tilespmem:s22], [sflag:$0x2] =	stream.linear.gather [hbm4b:s11+s0], $0x1400, $0x38;
	[tilespmem:$0x1E800] =	vst v63  }
0xab: {  	_ =	swait.ge [sflag:s20], $0x1400  }
0xac: {  	[sflag:s20] =	ssyncset.done $0x0  }
0xad: {  	[sflag:s20] =	ssyncadd.s32 $0xFFFFEC00  }
0xae: {  	[tilespmem:s19], [sflag:$0x1] =	stream.indirect.gather [hbm4b:s1+s23], $0x80, s21, s23, $0xb8;
	[tilespmem:$0x1E800] =	vst v63  }
0xaf: {  	s12 =	simm.s32 $0x14080  }
0xb0: {  	[tilespmem:s24], [sflag:$0x1] =	stream.indirect.gather [hbm4b:s1+s23], $0x80, s12, s23, $0xb8;
	[tilespmem:$0x1E800] =	vst v63  }
0xb1: {  	_ =	swait.ge [sflag:s26], $0x4000  }
0xb2: {  	[sflag:s26] =	ssyncset.done $0x0  }
0xb3: {  	s10 =	simm.s32 $0x15400;
	[sflag:s26] =	ssyncadd.s32 $0xFFFFC000  }
0xb4: {  	[spmem:s3] =	stream.indirect.scatter.add.f32 [tilespmem:s19], [sflag:$0x2], $0x80, s10, s23, $0xb8;
	[tilespmem:$0x1E800] =	vst v63  }
0xb5: {  	_ =	swait.ge [sflag:s20], $0x4000  }
0xb6: {  	[sflag:s20] =	ssyncset.done $0x0  }
0xb7: {  	s11 =	simm.s32 $0x14100;
	[sflag:s20] =	ssyncadd.s32 $0xFFFFC000  }
0xb8: {  	[tilespmem:s19], [sflag:$0x1] =	stream.indirect.gather [hbm4b:s1+s23], $0x80, s11, s23, $0xb8;
	[tilespmem:$0x1E800] =	vst v63  }
0xb9: {  	_ =	swait.ge [sflag:s26], $0x4000  }
0xba: {  	[sflag:s26] =	ssyncset.done $0x0  }
0xbb: {  	s12 =	simm.s32 $0x15480;
	[sflag:s26] =	ssyncadd.s32 $0xFFFFC000  }
0xbc: {  	[spmem:s3] =	stream.indirect.scatter.add.f32 [tilespmem:s24], [sflag:$0x2], $0x80, s12, s23, $0xb8;
	[tilespmem:$0x1E800] =	vst v63  }
0xbd: {  	_ =	swait.ge [sflag:s20], $0x4000  }
0xbe: {  	s31 =	simm.s32 $0x100;
	s0 =	simm.s32 $0x800;
	[sflag:s20] =	ssyncset.done $0x0  }
.LBB2_5:
0xbf: {  	s10 =	sadd.s32 $0x14080, s31  }
0xc0: {  	[sflag:s20] =	ssyncadd.s32 $0xFFFFC000;
	s11 =	smov.u32 s0;
	s12 =	sadd.s32 $0x400, s0  }
0xc1: {  	[tilespmem:s24], [sflag:$0x1] =	stream.indirect.gather [hbm4b:s1+s23], $0x80, s10, s23, $0xb8;
	[tilespmem:$0x1E800] =	vst v63  }
0xc2: {  	p2 =	sne.s32 s0, $0x4800;
	_ =	swait.ge [sflag:s26], $0x4000  }
0xc3: {  	[sflag:s26] =	ssyncset.done $0x0  }
0xc4: {  	s0 =	sadd.s32 $0x15400, s31;
	[sflag:s26] =	ssyncadd.s32 $0xFFFFC000  }
0xc5: {  	[spmem:s3] =	stream.indirect.scatter.add.f32 [tilespmem:s19], [sflag:$0x2], $0x80, s0, s23, $0xb8;
	[tilespmem:$0x1E800] =	vst v63  }
0xc6: {  	_ =	swait.ge [sflag:s20], $0x4000  }
0xc7: {  	[sflag:s20] =	ssyncset.done $0x0  }
0xc8: {  	s0 =	sadd.s32 $0x14100, s31;
	[sflag:s20] =	ssyncadd.s32 $0xFFFFC000  }
0xc9: {  	[tilespmem:s19], [sflag:$0x1] =	stream.indirect.gather [hbm4b:s1+s23], $0x80, s0, s23, $0xb8;
	[tilespmem:$0x1E800] =	vst v63  }
0xca: {  	_ =	swait.ge [sflag:s26], $0x4000  }
.Ltmp6:
0xcb: {  	[sflag:s26] =	ssyncset.done $0x0;
	(pc) =	sbr.rel @p2 .LBB2_5-.Ltmp6, $4  }
0xcc: {  	s0 =	sadd.s32 $0x15480, s31;
	[sflag:s26] =	ssyncadd.s32 $0xFFFFC000  }
0xcd: {  	[spmem:s3] =	stream.indirect.scatter.add.f32 [tilespmem:s24], [sflag:$0x2], $0x80, s0, s23, $0xb8;
	[tilespmem:$0x1E800] =	vst v63  }
0xce: {  	_ =	swait.ge [sflag:s20], $0x4000  }
0xcf: {  	s31 =	sshra.s32 s11, $0x2;
	s0 =	smov.u32 s12;
	[sflag:s20] =	ssyncset.done $0x0  }
0xd0: {  	s0 =	sadd.s32 $0x14080, s31;
	[sflag:s20] =	ssyncadd.s32 $0xFFFFC000  }
0xd1: {  	[tilespmem:s24], [sflag:$0x1] =	stream.indirect.gather [hbm4b:s1+s23], $0x80, s0, s23, $0xb8;
	[tilespmem:$0x1E800] =	vst v63  }
0xd2: {  	_ =	swait.ge [sflag:s26], $0x4000  }
0xd3: {  	[sflag:s26] =	ssyncset.done $0x0  }
0xd4: {  	s11 =	sadd.s32 $0x15400, s31;
	[sflag:s26] =	ssyncadd.s32 $0xFFFFC000  }
0xd5: {  	[spmem:s3] =	stream.indirect.scatter.add.f32 [tilespmem:s19], [sflag:$0x2], $0x80, s11, s23, $0xb8;
	[tilespmem:$0x1E800] =	vst v63  }
0xd6: {  	_ =	swait.ge [sflag:s20], $0x4000  }
0xd7: {  	[sflag:s20] =	ssyncset.done $0x0  }
0xd8: {  	s12 =	sadd.s32 $0x14100, s31;
	[sflag:s20] =	ssyncadd.s32 $0xFFFFC000  }
0xd9: {  	[tilespmem:s19], [sflag:$0x1] =	stream.indirect.gather [hbm4b:s1+s23], $0x80, s12, s23, $0xb8;
	[tilespmem:$0x1E800] =	vst v63  }
0xda: {  	_ =	swait.ge [sflag:s26], $0x4000  }
0xdb: {  	[sflag:s26] =	ssyncset.done $0x0  }
0xdc: {  	s10 =	sadd.s32 $0x15480, s31;
	[sflag:s26] =	ssyncadd.s32 $0xFFFFC000  }
0xdd: {  	[spmem:s3] =	stream.indirect.scatter.add.f32 [tilespmem:s24], [sflag:$0x2], $0x80, s10, s23, $0xb8;
	[tilespmem:$0x1E800] =	vst v63  }
0xde: {  	_ =	swait.ge [sflag:s20], $0x4000  }
0xdf: {  	[sflag:s20] =	ssyncset.done $0x0  }
0xe0: {  	[sflag:s20] =	ssyncadd.s32 $0xFFFFC000  }
0xe1: {  	[tilespmem:s24], [sflag:$0x1] =	stream.indirect.gather [hbm4b:s1+s23], $0x80, s28, s23, $0xb8;
	[tilespmem:$0x1E800] =	vst v63  }
0xe2: {  	_ =	swait.ge [sflag:s26], $0x4000  }
0xe3: {  	[sflag:s26] =	ssyncset.done $0x0  }
0xe4: {  	[sflag:s26] =	ssyncadd.s32 $0xFFFFC000  }
0xe5: {  	[spmem:s3] =	stream.indirect.scatter.add.f32 [tilespmem:s19], [sflag:$0x2], $0x80, s29, s23, $0xb8;
	[tilespmem:$0x1E800] =	vst v63  }
0xe6: {  	_ =	swait.ge [sflag:s20], $0x4000  }
0xe7: {  	[sflag:s20] =	ssyncset.done $0x0  }
0xe8: {  	[sflag:s20] =	ssyncadd.s32 $0xFFFFC000  }
0xe9: {  	_ =	swait.ge [sflag:s26], $0x4000  }
0xea: {  	[sflag:s26] =	ssyncset.done $0x0  }
0xeb: {  	[sflag:s26] =	ssyncadd.s32 $0xFFFFC000  }
0xec: {  	[spmem:s3] =	stream.indirect.scatter.add.f32 [tilespmem:s24], [sflag:$0x2], $0x80, s30, s23, $0xb8;
	[tilespmem:$0x1E800] =	vst v63  }
0xed: {  	_ =	swait.ge [sflag:s20], $0x4000  }
0xee: {  	[sflag:s20] =	ssyncset.done $0x0  }
0xef: {  	s11 =	simm.s32 $0x0;
	s10 =	rddreg [dreg:$0x6];
	[sflag:s20] =	ssyncadd.s32 $0xFFFFC000  }
0xf0: {  	[tilespmem:s21], [sflag:$0x2] =	stream.linear.gather [hbm4b:s10+s11], $0x1400, $0x38;
	[tilespmem:$0x1E800] =	vst v63  }
0xf1: {  	_ =	swait.ge [sflag:s20], $0x1400  }
0xf2: {  	[sflag:s20] =	ssyncset.done $0x0  }
0xf3: {  	[sflag:s20] =	ssyncadd.s32 $0xFFFFEC00  }
0xf4: {  	[tilespmem:s22], [sflag:$0x2] =	stream.linear.gather [hbm4b:s13+s11], $0x1400, $0x38;
	[tilespmem:$0x1E800] =	vst v63  }
0xf5: {  	_ =	swait.ge [sflag:s20], $0x1400  }
0xf6: {  	[sflag:s20] =	ssyncset.done $0x0  }
0xf7: {  	[sflag:s20] =	ssyncadd.s32 $0xFFFFEC00  }
0xf8: {  	[tilespmem:s19], [sflag:$0x1] =	stream.indirect.gather [hbm4b:s1+s23], $0x80, s21, s23, $0xb8;
	[tilespmem:$0x1E800] =	vst v63  }
0xf9: {  	s12 =	simm.s32 $0x14080  }
0xfa: {  	[tilespmem:s24], [sflag:$0x1] =	stream.indirect.gather [hbm4b:s1+s23], $0x80, s12, s23, $0xb8;
	[tilespmem:$0x1E800] =	vst v63  }
0xfb: {  	_ =	swait.ge [sflag:s26], $0x4000  }
0xfc: {  	[sflag:s26] =	ssyncset.done $0x0  }
0xfd: {  	s10 =	simm.s32 $0x15400;
	[sflag:s26] =	ssyncadd.s32 $0xFFFFC000  }
0xfe: {  	[spmem:s3] =	stream.indirect.scatter.add.f32 [tilespmem:s19], [sflag:$0x2], $0x80, s10, s23, $0xb8;
	[tilespmem:$0x1E800] =	vst v63  }
0xff: {  	_ =	swait.ge [sflag:s20], $0x4000  }
0x100: {  	[sflag:s20] =	ssyncset.done $0x0  }
0x101: {  	s11 =	simm.s32 $0x14100;
	[sflag:s20] =	ssyncadd.s32 $0xFFFFC000  }
0x102: {  	[tilespmem:s19], [sflag:$0x1] =	stream.indirect.gather [hbm4b:s1+s23], $0x80, s11, s23, $0xb8;
	[tilespmem:$0x1E800] =	vst v63  }
0x103: {  	_ =	swait.ge [sflag:s26], $0x4000  }
0x104: {  	[sflag:s26] =	ssyncset.done $0x0  }
0x105: {  	s12 =	simm.s32 $0x15480;
	[sflag:s26] =	ssyncadd.s32 $0xFFFFC000  }
0x106: {  	[spmem:s3] =	stream.indirect.scatter.add.f32 [tilespmem:s24], [sflag:$0x2], $0x80, s12, s23, $0xb8;
	[tilespmem:$0x1E800] =	vst v63  }
0x107: {  	_ =	swait.ge [sflag:s20], $0x4000  }
0x108: {  	s31 =	simm.s32 $0x100;
	s0 =	simm.s32 $0x800;
	[sflag:s20] =	ssyncset.done $0x0  }
.LBB2_7:
0x109: {  	s10 =	sadd.s32 $0x14080, s31  }
0x10a: {  	[sflag:s20] =	ssyncadd.s32 $0xFFFFC000;
	s11 =	smov.u32 s0;
	s12 =	sadd.s32 $0x400, s0  }
0x10b: {  	[tilespmem:s24], [sflag:$0x1] =	stream.indirect.gather [hbm4b:s1+s23], $0x80, s10, s23, $0xb8;
	[tilespmem:$0x1E800] =	vst v63  }
0x10c: {  	p2 =	seq.s32 s0, $0x4800;
	_ =	swait.ge [sflag:s26], $0x4000  }
0x10d: {  	[sflag:s26] =	ssyncset.done $0x0  }
0x10e: {  	s0 =	sadd.s32 $0x15400, s31;
	[sflag:s26] =	ssyncadd.s32 $0xFFFFC000  }
0x10f: {  	[spmem:s3] =	stream.indirect.scatter.add.f32 [tilespmem:s19], [sflag:$0x2], $0x80, s0, s23, $0xb8;
	[tilespmem:$0x1E800] =	vst v63  }
0x110: {  	_ =	swait.ge [sflag:s20], $0x4000  }
0x111: {  	[sflag:s20] =	ssyncset.done $0x0  }
0x112: {  	s0 =	sadd.s32 $0x14100, s31;
	[sflag:s20] =	ssyncadd.s32 $0xFFFFC000  }
0x113: {  	[tilespmem:s19], [sflag:$0x1] =	stream.indirect.gather [hbm4b:s1+s23], $0x80, s0, s23, $0xb8;
	[tilespmem:$0x1E800] =	vst v63  }
0x114: {  	_ =	swait.ge [sflag:s26], $0x4000  }
.Ltmp7:
0x115: {  	[sflag:s26] =	ssyncset.done $0x0;
	(pc) =	sbr.rel @!p2 .LBB2_7-.Ltmp7, $4  }
0x116: {  	s0 =	sadd.s32 $0x15480, s31;
	[sflag:s26] =	ssyncadd.s32 $0xFFFFC000  }
0x117: {  	[spmem:s3] =	stream.indirect.scatter.add.f32 [tilespmem:s24], [sflag:$0x2], $0x80, s0, s23, $0xb8;
	[tilespmem:$0x1E800] =	vst v63  }
0x118: {  	_ =	swait.ge [sflag:s20], $0x4000  }
0x119: {  	s31 =	sshra.s32 s11, $0x2;
	s0 =	smov.u32 s12;
	[sflag:s20] =	ssyncset.done $0x0  }
.Ltmp8:
0x11a: {  	_ = 	snop;
	(pc) =	sbr.rel .LBB2_8-.Ltmp8, $1  }
0x11b: {  	_ =	sdelay $0x3  }
.LBB2_13:
0x11c: {  	_ =	sfence.sel $0x180000  }
0x11d: {  	[bflag:$0x0] =	sbarrier.arrive $0xFFFF  }
0x11e: {  	_ =	strace $0x90000047  }
0x11f: {  	[bflag:$0x2] =	sbarrier.arrive $0xFFFF  }
0x120: {  	p0 =	sne.s32 s2, $0x0;
	s0 =	rddreg [dreg:$0x3]  }
0x121: {  	s0 =	sadd.s32 @!p0 $0x100000, s0  }
0x122: {  	[sflag:s0] =	ssyncadd.tile.s32 @!p0 $0x1;
	_ =	shalt  }
.Lfunc_end2:
_tile_overlayer_lowered:
.L_overlay_start_2:
0x123: {  	(tag) =	ssettag $0x2  }
0x124: {  	s0 =	rddreg [dreg:$0x0];
	s2 =	stileid.u32  }
0x125: {  	s1 =	rddreg [dreg:$0x1];
	p0 =	sne.s32 s2, $0x0  }
0x126: {  	s3 =	rddreg [dreg:$0x2];
	[bflag:$0x3] =	sbarrier.arrive $0xFFFF;
	s2 =	simm.s32 @!p0 $0x1C02  }
0x127: {  	[timem:s3], [sflag:s2] =	dma.local @!p0 [hbm:s0], s1  }
0x128: {  	s0 =	simm.s32 @!p0 $0x2  }
0x129: {  	_ =	swait.ge @!p0 [sflag:s0], s1  }
0x12a: {  	s1 =	ssub.s32 @!p0 $0x0, s1;
	[sflag:s0] =	ssyncset.done @!p0 $0x0  }
0x12b: {  	[sflag:s0] =	ssyncadd.s32 @!p0 s1  }
0x12c: {  	[bflag:$0x3] =	sbarrier.arrive $0xFFFF  }
0x12d: {  	_ =	shalt  }

</sc_bundles>
